<compile_context>
chip_gen: v7x
topology: tpu7x:2x2x1
jax: 0.10.2.dev20260603
libtpu: 0.0.44.dev20260713+nightly
codegen_flags: <defaults>
</compile_context>

<pallas_src>
import jax
import jax.numpy as jnp
from jax import lax
from jax.experimental import pallas as pl
from jax.experimental.pallas import tpu as pltpu
from jax.experimental.pallas import tpu_sc as plsc

N_SIDE = 10000
LATDIM = 128
E_SIDE = 320000
NC, NS, L = 2, 16, 16
CHUNK = 128
CHUNKS_PER_SUB = (-(-E_SIDE // (NS * CHUNK)) + 1) // 2 * 2
EDGES_PER_SUB = CHUNKS_PER_SUB * CHUNK
REC = 2 * CHUNK
EROWS = 80
NRCHUNK = N_SIDE // EROWS
NJJ = CHUNKS_PER_SUB // 2


def _sc_body(packed_hbm, vals_hbm, emb_hbm, out_hbm,
             buf_a, buf_b, vals_a, vals_b, rows0, rows1, accum,
             g0_sem, g1_sem, s0_sem, s1_sem, r_sem):
    c = lax.axis_index("c")
    s = lax.axis_index("s")
    zeros16 = jnp.zeros((L,), jnp.float32)

    nrc = (NRCHUNK - 1 - s) // NS + 1

    def _zrow(r, carry):
        for k in range(LATDIM // L):
            rows0[r, pl.ds(k * L, L)] = zeros16
        return carry
    lax.fori_loop(0, EROWS, _zrow, None)

    def _zchunk(t, carry):
        pltpu.sync_copy(rows0.at[pl.ds(0, EROWS)],
                        accum.at[pl.ds((s + t * NS) * EROWS, EROWS)])
        return carry
    lax.fori_loop(0, nrc, _zchunk, None)
    plsc.subcore_barrier()

    w = c * NS + s

    def _load_rec(j, buf, vls):
        base = w * CHUNKS_PER_SUB + j
        d1 = pltpu.async_copy(packed_hbm.at[pl.ds(base * REC, REC)], buf,
                              r_sem)
        d2 = pltpu.async_copy(vals_hbm.at[pl.ds(base * CHUNK, CHUNK)], vls,
                              r_sem)
        return d1, d2

    def _scale(rows, vls):
        @plsc.parallel_loop(0, CHUNK, 1, unroll=8)
        def _edge(e):
            g16 = (e // L) * L
            val16 = vls[pl.ds(g16, L)]
            bval = lax.gather(
                val16, jnp.full((L, 1), e - g16, jnp.int32),
                dimension_numbers=lax.GatherDimensionNumbers(
                    offset_dims=(), collapsed_slice_dims=(0,),
                    start_index_map=(0,)),
                slice_sizes=(1,),
                mode=lax.GatherScatterMode.PROMISE_IN_BOUNDS)
            for k in range(LATDIM // L):
                sl = pl.ds(k * L, L)
                rows[e, sl] = rows[e, sl] * bval

    def _fire_scatters(rows, buf, sem):
        for g in range(CHUNK // L):
            dvec = buf[pl.ds(CHUNK + g * L, L)]
            pltpu.async_copy(rows.at[pl.ds(g * L, L)], accum.at[dvec], sem,
                             add=True)

    def _drain_rows(rows, sem):
        pltpu.make_async_copy(emb_hbm.at[pl.ds(0, CHUNK)], rows, sem).wait()

    d1, d2 = _load_rec(0, buf_a, vals_a)
    d3, d4 = _load_rec(1, buf_b, vals_b)
    d1.wait(); d2.wait(); d3.wait(); d4.wait()
    pltpu.async_copy(emb_hbm.at[buf_a.at[pl.ds(0, CHUNK)]], rows0, g0_sem)

    def _body(jj, carry):
        j0 = 2 * jj

        @pl.when(jj > 0)
        def _():
            _drain_rows(rows1, s1_sem)
        pltpu.async_copy(emb_hbm.at[buf_b.at[pl.ds(0, CHUNK)]], rows1, g1_sem)

        pltpu.make_async_copy(emb_hbm.at[pl.ds(0, CHUNK)], rows0,
                              g0_sem).wait()
        _scale(rows0, vals_a)
        _fire_scatters(rows0, buf_a, s0_sem)

        @pl.when(jj < NJJ - 1)
        def _():
            ra1, ra2 = _load_rec(j0 + 2, buf_a, vals_a)

            pltpu.make_async_copy(emb_hbm.at[pl.ds(0, CHUNK)], rows1,
                                  g1_sem).wait()
            _scale(rows1, vals_b)
            _fire_scatters(rows1, buf_b, s1_sem)
            rb1, rb2 = _load_rec(j0 + 3, buf_b, vals_b)

            _drain_rows(rows0, s0_sem)
            ra1.wait(); ra2.wait(); rb1.wait(); rb2.wait()
            pltpu.async_copy(emb_hbm.at[buf_a.at[pl.ds(0, CHUNK)]], rows0,
                             g0_sem)

        @pl.when(jj == NJJ - 1)
        def _():
            pltpu.make_async_copy(emb_hbm.at[pl.ds(0, CHUNK)], rows1,
                                  g1_sem).wait()
            _scale(rows1, vals_b)
            _fire_scatters(rows1, buf_b, s1_sem)
            _drain_rows(rows0, s0_sem)
            _drain_rows(rows1, s1_sem)
        return carry
    lax.fori_loop(0, NJJ, _body, None)
    plsc.subcore_barrier()

    def _echunk(t, carry):
        r0 = (s + t * NS) * EROWS
        pltpu.sync_copy(accum.at[pl.ds(r0, EROWS)],
                        out_hbm.at[pl.ds(c * N_SIDE + r0, EROWS)])
        return carry
    lax.fori_loop(0, nrc, _echunk, None)


_sc_spmm = pl.kernel(
    _sc_body,
    out_type=jax.ShapeDtypeStruct((2 * N_SIDE, LATDIM), jnp.float32),
    mesh=plsc.VectorSubcoreMesh(core_axis_name="c", subcore_axis_name="s",
                                num_cores=NC, num_subcores=NS),
    scratch_types=[
        pltpu.VMEM((REC,), jnp.int32),
        pltpu.VMEM((REC,), jnp.int32),
        pltpu.VMEM((CHUNK,), jnp.float32),
        pltpu.VMEM((CHUNK,), jnp.float32),
        pltpu.VMEM((CHUNK, LATDIM), jnp.float32),
        pltpu.VMEM((CHUNK, LATDIM), jnp.float32),
        pltpu.VMEM_SHARED((N_SIDE, LATDIM), jnp.float32),
        pltpu.SemaphoreType.DMA,
        pltpu.SemaphoreType.DMA,
        pltpu.SemaphoreType.DMA,
        pltpu.SemaphoreType.DMA,
        pltpu.SemaphoreType.DMA,
    ],
)


def _tc_dense_body(acc_ref, emb_ref, w_ref, b_ref, o_ref):
    h = jnp.maximum(acc_ref[...], 0.0) + emb_ref[...]
    acc = jnp.dot(h, w_ref[...], preferred_element_type=jnp.float32)
    o_ref[...] = jnp.maximum(2.0 * acc + b_ref[...], 0.0)


def _tc_dense(acc, emb, W, b2):
    blk = 1000
    n = acc.shape[0] // blk
    return pl.pallas_call(
        _tc_dense_body,
        grid=(n,),
        in_specs=[
            pl.BlockSpec((blk, LATDIM), lambda i: (i, 0)),
            pl.BlockSpec((blk, LATDIM), lambda i: (i, 0)),
            pl.BlockSpec((LATDIM, LATDIM), lambda i: (0, 0)),
            pl.BlockSpec((1, LATDIM), lambda i: (0, 0)),
        ],
        out_specs=pl.BlockSpec((blk, LATDIM), lambda i: (i, 0)),
        out_shape=jax.ShapeDtypeStruct((acc.shape[0], LATDIM), jnp.float32),
    )(acc, emb, W, b2)


def _pack_side(edge_index, edge_vals, src_offset):
    src = edge_index[1].astype(jnp.int32) + src_offset
    dst = edge_index[0].astype(jnp.int32)
    pad = NS * EDGES_PER_SUB - E_SIDE
    zpad = jnp.zeros((pad,), jnp.int32)
    src = jnp.concatenate([src, zpad]).reshape(NS, CHUNKS_PER_SUB, CHUNK)
    dst = jnp.concatenate([dst, zpad]).reshape(NS, CHUNKS_PER_SUB, CHUNK)
    vals = jnp.concatenate([edge_vals, zpad.astype(jnp.float32)])
    vals = vals.reshape(NS, CHUNKS_PER_SUB, CHUNK)
    return jnp.stack([src, dst], axis=2), vals


def kernel(uu_edge_index, uu_edge_vals, ii_edge_index, ii_edge_vals,
           uEmbeds, iEmbeds, W, b):
    pu, vu = _pack_side(uu_edge_index, uu_edge_vals, 0)
    pi, vi = _pack_side(ii_edge_index, ii_edge_vals, N_SIDE)
    packed = jnp.concatenate([pu[None], pi[None]]).reshape(-1)
    vals_all = jnp.concatenate([vu[None], vi[None]]).reshape(-1)
    emb_cat = jnp.concatenate([uEmbeds, iEmbeds], axis=0)

    acc = _sc_spmm(packed, vals_all, emb_cat)
    return _tc_dense(acc, emb_cat, W, b.reshape(1, LATDIM))

# --- scband reference (transcript-rebuilt; emitter-appended) ---
"""Pipeline reference for scband-dhcf-26285199851853 (READ-ONLY COPY).

The authoritative reference and input builder live on the scoring server;
editing this copy changes nothing except your own understanding.
"""

import jax, jax.numpy as jnp
import numpy as np

USER = 10000
ITEM = 10000
LATDIM = 128
GNN_LAYER = 2
E = 320000


def setup_inputs(seed: int = 0) -> dict:
    key = jax.random.key(seed)
    k1, k2, k3, k4, k5, k6, k7, k8 = jax.random.split(key, 8)
    uu_edge_index = jax.random.randint(k1, (2, E), 0, USER, dtype=jnp.int64)
    uu_edge_vals = jax.random.uniform(k2, (E,), dtype=jnp.float32)
    ii_edge_index = jax.random.randint(k3, (2, E), 0, ITEM, dtype=jnp.int64)
    ii_edge_vals = jax.random.uniform(k4, (E,), dtype=jnp.float32)
    # learned parameters (xavier-uniform init for embeddings, MLP weight/bias)
    lim_u = float(np.sqrt(6.0 / (USER + LATDIM)))
    lim_i = float(np.sqrt(6.0 / (ITEM + LATDIM)))
    lim_w = float(np.sqrt(6.0 / (LATDIM + LATDIM)))
    uEmbeds = jax.random.uniform(k5, (USER, LATDIM), dtype=jnp.float32, minval=-lim_u, maxval=lim_u)
    iEmbeds = jax.random.uniform(k6, (ITEM, LATDIM), dtype=jnp.float32, minval=-lim_i, maxval=lim_i)
    W = jax.random.uniform(k7, (LATDIM, LATDIM), dtype=jnp.float32, minval=-lim_w, maxval=lim_w)
    b = jnp.zeros((LATDIM,), dtype=jnp.float32)
    return {
        "uu_edge_index": uu_edge_index,
        "uu_edge_vals": uu_edge_vals,
        "ii_edge_index": ii_edge_index,
        "ii_edge_vals": ii_edge_vals,
        "uEmbeds": uEmbeds,
        "iEmbeds": iEmbeds,
        "W": W,
        "b": b,
    }


def _spmm(edge_index, edge_vals, x, n_rows):
    # sparse (COO) matmul: out[dst] += vals * x[src]  (equivalent to t.mm(sparse_adj, x))
    src = edge_index[1]
    dst = edge_index[0]
    msgs = edge_vals[:, None] * jnp.take(x, src, axis=0)
    return jax.ops.segment_sum(msgs, dst, num_segments=n_rows)


def reference(uu_edge_index, uu_edge_vals, ii_edge_index, ii_edge_vals, uEmbeds, iEmbeds, W, b):
    hyperLats = []
    for _ in range(GNN_LAYER):
        hyperULat = jax.nn.relu(_spmm(uu_edge_index, uu_edge_vals, uEmbeds, USER)) + uEmbeds
        hyperILat = jax.nn.relu(_spmm(ii_edge_index, ii_edge_vals, iEmbeds, ITEM)) + iEmbeds
        hyperLats.append(jnp.concatenate([hyperULat, hyperILat], axis=0))
    embeds = hyperLats[0]
    for h in hyperLats[1:]:
        embeds = embeds + h
    embeds = jax.nn.relu(embeds @ W + b)
    return embeds


if False:  # reference __main__ guard neutralized (emitter)
    inp = setup_inputs()
    out = reference(**inp)
    print(out.shape, out.dtype)

if __name__ == "__main__":
    import jax
    _d = setup_inputs()
    print(jax.jit(kernel)(*tuple(_d.values())))

</pallas_src>

<mosaic_0001>
#map = affine_map<(d0, d1) -> (0)>
#map1 = affine_map<(d0, d1) -> (0, 0)>
module attributes {stable_mosaic.version = 14 : i64} {
  func.func @_sc_body(%arg0: i32, %arg1: i32, %arg2: memref<1294336xi32, #tpu.memory_space<hbm>>, %arg3: memref<647168xf32, #tpu.memory_space<hbm>>, %arg4: memref<20000x128xf32, #tpu.memory_space<hbm>>, %arg5: memref<20000x128xf32, #tpu.memory_space<hbm>>, %arg6: memref<256xi32, #tpu.memory_space<vmem>>, %arg7: memref<256xi32, #tpu.memory_space<vmem>>, %arg8: memref<128xf32, #tpu.memory_space<vmem>>, %arg9: memref<128xf32, #tpu.memory_space<vmem>>, %arg10: memref<128x128xf32, #tpu.memory_space<vmem>>, %arg11: memref<128x128xf32, #tpu.memory_space<vmem>>, %arg12: memref<10000x128xf32, #tpu.memory_space<vmem_shared>>, %arg13: memref<!tpu.dma_semaphore, #tpu.memory_space<semaphore_mem>>, %arg14: memref<!tpu.dma_semaphore, #tpu.memory_space<semaphore_mem>>, %arg15: memref<!tpu.dma_semaphore, #tpu.memory_space<semaphore_mem>>, %arg16: memref<!tpu.dma_semaphore, #tpu.memory_space<semaphore_mem>>, %arg17: memref<!tpu.dma_semaphore, #tpu.memory_space<semaphore_mem>>) attributes {dimension_semantics = [#tpu.dimension_semantics<core_parallel>, #tpu.dimension_semantics<subcore_parallel>], iteration_bounds = array<i64: 2, 16>, scalar_prefetch = 0 : i64, scratch_operands = 12 : i64, tpu.core_type = #tpu.core_type<sc_vector_subcore>, window_params = [{transform_indices = #map}, {transform_indices = #map}, {transform_indices = #map1}, {transform_indices = #map1}]} {
    %broadcast_in_dim3A = arith.constant 0.000000e+00 : f32
    %broadcast_in_dim3A_0 = vector.broadcast %broadcast_in_dim3A : f32 to vector<16xf32>
    %sub3A = arith.constant 124 : i32
    %sub3A_1 = arith.subi %sub3A, %arg1 : i32
    %jit3A = arith.constant 16 : i32
    %div3A = arith.divsi %sub3A_1, %jit3A : i32
    %sign3A = arith.constant 0 : i32
    %sign3A_2 = arith.cmpi sgt, %sub3A_1, %sign3A : i32
    %sign3A_3 = arith.extui %sign3A_2 : i1 to i32
    %sign3A_4 = arith.constant 0 : i32
    %sign3A_5 = arith.cmpi slt, %sub3A_1, %sign3A_4 : i32
    %sign3A_6 = arith.extui %sign3A_5 : i1 to i32
    %sign3A_7 = arith.subi %sign3A_3, %sign3A_6 : i32
    %sign3A_8 = arith.constant 0 : i32
    %sign3A_9 = arith.cmpi sgt, %jit3A, %sign3A_8 : i32
    %sign3A_10 = arith.extui %sign3A_9 : i1 to i32
    %sign3A_11 = arith.constant 0 : i32
    %sign3A_12 = arith.cmpi slt, %jit3A, %sign3A_11 : i32
    %sign3A_13 = arith.extui %sign3A_12 : i1 to i32
    %sign3A_14 = arith.subi %sign3A_10, %sign3A_13 : i32
    %ne3A = arith.cmpi ne, %sign3A_7, %sign3A_14 : i32
    %rem3A = arith.remsi %sub3A_1, %jit3A : i32
    %ne3A_15 = arith.constant 0 : i32
    %ne3A_16 = arith.cmpi ne, %rem3A, %ne3A_15 : i32
    %and3A = arith.andi %ne3A, %ne3A_16 : i1
    %sub3A_17 = arith.constant 1 : i32
    %sub3A_18 = arith.subi %div3A, %sub3A_17 : i32
    %select_n3A = arith.select %and3A, %sub3A_18, %div3A : i32
    %add3A = arith.constant 1 : i32
    %add3A_19 = arith.addi %select_n3A, %add3A : i32
    %scan3A = arith.constant 0 : i32
    %scan3A_20 = arith.constant 80 : i32
    %scan3A_21 = arith.addi %scan3A, %scan3A_20 : i32
    %scan3A_22 = arith.constant 1 : i32
    scf.for %scan3A_84 = %scan3A to %scan3A_21 step %scan3A_22  : i32 {
      %swap3A = arith.index_cast %scan3A_84 : i32 to index
      %swap3A_85 = arith.constant 0 : index
      %swap3A_86 = tpu.vector_load %arg10[%swap3A, %swap3A_85] {strides = array<i32>} : memref<128x128xf32, #tpu.memory_space<vmem>>, vector<1x16xf32>,
      %swap3A_87 = vector.shape_cast %swap3A_86 : vector<1x16xf32> to vector<16xf32>
      %swap3A_88 = vector.shape_cast %broadcast_in_dim3A_0 : vector<16xf32> to vector<1x16xf32>
      tpu.vector_store %arg10[%swap3A, %swap3A_85], %swap3A_88 {strides = array<i32>} : memref<128x128xf32, #tpu.memory_space<vmem>>, vector<1x16xf32>,
      %swap3A_89 = arith.index_cast %scan3A_84 : i32 to index
      %swap3A_90 = arith.constant 16 : index
      %swap3A_91 = tpu.vector_load %arg10[%swap3A_89, %swap3A_90] {strides = array<i32>} : memref<128x128xf32, #tpu.memory_space<vmem>>, vector<1x16xf32>,
      %swap3A_92 = vector.shape_cast %swap3A_91 : vector<1x16xf32> to vector<16xf32>
      %swap3A_93 = vector.shape_cast %broadcast_in_dim3A_0 : vector<16xf32> to vector<1x16xf32>
      tpu.vector_store %arg10[%swap3A_89, %swap3A_90], %swap3A_93 {strides = array<i32>} : memref<128x128xf32, #tpu.memory_space<vmem>>, vector<1x16xf32>,
      %swap3A_94 = arith.index_cast %scan3A_84 : i32 to index
      %swap3A_95 = arith.constant 32 : index
      %swap3A_96 = tpu.vector_load %arg10[%swap3A_94, %swap3A_95] {strides = array<i32>} : memref<128x128xf32, #tpu.memory_space<vmem>>, vector<1x16xf32>,
      %swap3A_97 = vector.shape_cast %swap3A_96 : vector<1x16xf32> to vector<16xf32>
      %swap3A_98 = vector.shape_cast %broadcast_in_dim3A_0 : vector<16xf32> to vector<1x16xf32>
      tpu.vector_store %arg10[%swap3A_94, %swap3A_95], %swap3A_98 {strides = array<i32>} : memref<128x128xf32, #tpu.memory_space<vmem>>, vector<1x16xf32>,
      %swap3A_99 = arith.index_cast %scan3A_84 : i32 to index
      %swap3A_100 = arith.constant 48 : index
      %swap3A_101 = tpu.vector_load %arg10[%swap3A_99, %swap3A_100] {strides = array<i32>} : memref<128x128xf32, #tpu.memory_space<vmem>>, vector<1x16xf32>,
      %swap3A_102 = vector.shape_cast %swap3A_101 : vector<1x16xf32> to vector<16xf32>
      %swap3A_103 = vector.shape_cast %broadcast_in_dim3A_0 : vector<16xf32> to vector<1x16xf32>
      tpu.vector_store %arg10[%swap3A_99, %swap3A_100], %swap3A_103 {strides = array<i32>} : memref<128x128xf32, #tpu.memory_space<vmem>>, vector<1x16xf32>,
      %swap3A_104 = arith.index_cast %scan3A_84 : i32 to index
      %swap3A_105 = arith.constant 64 : index
      %swap3A_106 = tpu.vector_load %arg10[%swap3A_104, %swap3A_105] {strides = array<i32>} : memref<128x128xf32, #tpu.memory_space<vmem>>, vector<1x16xf32>,
      %swap3A_107 = vector.shape_cast %swap3A_106 : vector<1x16xf32> to vector<16xf32>
      %swap3A_108 = vector.shape_cast %broadcast_in_dim3A_0 : vector<16xf32> to vector<1x16xf32>
      tpu.vector_store %arg10[%swap3A_104, %swap3A_105], %swap3A_108 {strides = array<i32>} : memref<128x128xf32, #tpu.memory_space<vmem>>, vector<1x16xf32>,
      %swap3A_109 = arith.index_cast %scan3A_84 : i32 to index
      %swap3A_110 = arith.constant 80 : index
      %swap3A_111 = tpu.vector_load %arg10[%swap3A_109, %swap3A_110] {strides = array<i32>} : memref<128x128xf32, #tpu.memory_space<vmem>>, vector<1x16xf32>,
      %swap3A_112 = vector.shape_cast %swap3A_111 : vector<1x16xf32> to vector<16xf32>
      %swap3A_113 = vector.shape_cast %broadcast_in_dim3A_0 : vector<16xf32> to vector<1x16xf32>
      tpu.vector_store %arg10[%swap3A_109, %swap3A_110], %swap3A_113 {strides = array<i32>} : memref<128x128xf32, #tpu.memory_space<vmem>>, vector<1x16xf32>,
      %swap3A_114 = arith.index_cast %scan3A_84 : i32 to index
      %swap3A_115 = arith.constant 96 : index
      %swap3A_116 = tpu.vector_load %arg10[%swap3A_114, %swap3A_115] {strides = array<i32>} : memref<128x128xf32, #tpu.memory_space<vmem>>, vector<1x16xf32>,
      %swap3A_117 = vector.shape_cast %swap3A_116 : vector<1x16xf32> to vector<16xf32>
      %swap3A_118 = vector.shape_cast %broadcast_in_dim3A_0 : vector<16xf32> to vector<1x16xf32>
      tpu.vector_store %arg10[%swap3A_114, %swap3A_115], %swap3A_118 {strides = array<i32>} : memref<128x128xf32, #tpu.memory_space<vmem>>, vector<1x16xf32>,
      %swap3A_119 = arith.index_cast %scan3A_84 : i32 to index
      %swap3A_120 = arith.constant 112 : index
      %swap3A_121 = tpu.vector_load %arg10[%swap3A_119, %swap3A_120] {strides = array<i32>} : memref<128x128xf32, #tpu.memory_space<vmem>>, vector<1x16xf32>,
      %swap3A_122 = vector.shape_cast %swap3A_121 : vector<1x16xf32> to vector<16xf32>
      %swap3A_123 = vector.shape_cast %broadcast_in_dim3A_0 : vector<16xf32> to vector<1x16xf32>
      tpu.vector_store %arg10[%swap3A_119, %swap3A_120], %swap3A_123 {strides = array<i32>} : memref<128x128xf32, #tpu.memory_space<vmem>>, vector<1x16xf32>,
    }
    %scan3A_23 = arith.constant 80 : i32
    %while3A = arith.constant 0 : i32
    %while3A_24 = arith.subi %add3A_19, %while3A : i32
    %while3A_25 = arith.addi %while3A, %while3A_24 : i32
    %while3A_26 = arith.constant 1 : i32
    %while3A_27 = arith.divsi %while3A_24, %while3A_26 : i32
    %while3A_28 = arith.muli %while3A_27, %while3A_26 : i32
    %while3A_29 = arith.addi %while3A, %while3A_28 : i32
    %while3A_30 = arith.constant 1 : i32
    scf.for %while3A_84 = %while3A to %while3A_29 step %while3A_30  : i32 {
      %mul3A_85 = arith.constant 16 : i32
      %mul3A_86 = arith.muli %while3A_84, %mul3A_85 : i32
      %add3A_87 = arith.addi %arg1, %mul3A_86 : i32
      %mul3A_88 = arith.constant 80 : i32
      %mul3A_89 = arith.muli %add3A_87, %mul3A_88 : i32
      "tpu.region"() ({
        %run_scoped3A = tpu.sem_alloc : memref<!tpu.dma_semaphore, #tpu.memory_space<semaphore_mem>>
        %dma_start3A_90 = arith.constant 0 : i32
        %dma_start3A_91 = arith.constant 0 : i32
        %dma_start3A_92 = tpu.memref_slice %arg10[%dma_start3A_90, %dma_start3A_91] : memref<128x128xf32, #tpu.memory_space<vmem>> -> memref<80x128xf32, #tpu.memory_space<vmem>>
        %dma_start3A_93 = arith.constant 0 : i32
        %dma_start3A_94 = tpu.memref_slice %arg12[%mul3A_89, %dma_start3A_93] : memref<10000x128xf32, #tpu.memory_space<vmem_shared>> -> memref<80x128xf32, #tpu.memory_space<vmem_shared>>
        %dma_start3A_95 = arith.constant 0 : i32
        %dma_start3A_96 = tpu.memref_slice %arg12[%mul3A_89, %dma_start3A_95] : memref<10000x128xf32, #tpu.memory_space<vmem_shared>> -> memref<80x128xf32, #tpu.memory_space<vmem_shared>>
        %dma_start3A_97 = arith.constant 0 : i32
        %dma_start3A_98 = arith.constant 0 : i32
        %dma_start3A_99 = tpu.memref_slice %arg10[%dma_start3A_97, %dma_start3A_98] : memref<128x128xf32, #tpu.memory_space<vmem>> -> memref<80x128xf32, #tpu.memory_space<vmem>>
        tpu.enqueue_dma source(%dma_start3A_99 : memref<80x128xf32, #tpu.memory_space<vmem>>) target(%dma_start3A_96 : memref<80x128xf32, #tpu.memory_space<vmem_shared>>) target_semaphore(%run_scoped3A : memref<!tpu.dma_semaphore, #tpu.memory_space<semaphore_mem>>)
        %dma_wait3A_100 = arith.constant 0 : i32
        %dma_wait3A_101 = arith.constant 0 : i32
        %dma_wait3A_102 = tpu.memref_slice %arg10[%dma_wait3A_100, %dma_wait3A_101] : memref<128x128xf32, #tpu.memory_space<vmem>> -> memref<80x128xf32, #tpu.memory_space<vmem>>
        %dma_wait3A_103 = arith.constant 0 : i32
        %dma_wait3A_104 = tpu.memref_slice %arg12[%mul3A_89, %dma_wait3A_103] : memref<10000x128xf32, #tpu.memory_space<vmem_shared>> -> memref<80x128xf32, #tpu.memory_space<vmem_shared>>
        %dma_wait3A_105 = arith.constant 0 : i32
        %dma_wait3A_106 = tpu.memref_slice %arg12[%mul3A_89, %dma_wait3A_105] : memref<10000x128xf32, #tpu.memory_space<vmem_shared>> -> memref<80x128xf32, #tpu.memory_space<vmem_shared>>
        %dma_wait3A_107 = arith.constant 0 : i32
        %dma_wait3A_108 = arith.constant 0 : i32
        %dma_wait3A_109 = tpu.memref_slice %arg10[%dma_wait3A_107, %dma_wait3A_108] : memref<128x128xf32, #tpu.memory_space<vmem>> -> memref<80x128xf32, #tpu.memory_space<vmem>>
        tpu.wait_dma2 semaphore(%run_scoped3A : memref<!tpu.dma_semaphore, #tpu.memory_space<semaphore_mem>>) src(%dma_wait3A_109 : memref<80x128xf32, #tpu.memory_space<vmem>>) dst(%dma_wait3A_106 : memref<80x128xf32, #tpu.memory_space<vmem_shared>>)
        tpu.yield
      }) : () -> ()
    }
    %while3A_31 = arith.constant 1 : i32
    scf.for %while3A_84 = %while3A_29 to %while3A_25 step %while3A_31  : i32 {
      %mul3A_85 = arith.constant 16 : i32
      %mul3A_86 = arith.muli %while3A_84, %mul3A_85 : i32
      %add3A_87 = arith.addi %arg1, %mul3A_86 : i32
      %mul3A_88 = arith.constant 80 : i32
      %mul3A_89 = arith.muli %add3A_87, %mul3A_88 : i32
      "tpu.region"() ({
        %run_scoped3A = tpu.sem_alloc : memref<!tpu.dma_semaphore, #tpu.memory_space<semaphore_mem>>
        %dma_start3A_90 = arith.constant 0 : i32
        %dma_start3A_91 = arith.constant 0 : i32
        %dma_start3A_92 = tpu.memref_slice %arg10[%dma_start3A_90, %dma_start3A_91] : memref<128x128xf32, #tpu.memory_space<vmem>> -> memref<80x128xf32, #tpu.memory_space<vmem>>
        %dma_start3A_93 = arith.constant 0 : i32
        %dma_start3A_94 = tpu.memref_slice %arg12[%mul3A_89, %dma_start3A_93] : memref<10000x128xf32, #tpu.memory_space<vmem_shared>> -> memref<80x128xf32, #tpu.memory_space<vmem_shared>>
        %dma_start3A_95 = arith.constant 0 : i32
        %dma_start3A_96 = tpu.memref_slice %arg12[%mul3A_89, %dma_start3A_95] : memref<10000x128xf32, #tpu.memory_space<vmem_shared>> -> memref<80x128xf32, #tpu.memory_space<vmem_shared>>
        %dma_start3A_97 = arith.constant 0 : i32
        %dma_start3A_98 = arith.constant 0 : i32
        %dma_start3A_99 = tpu.memref_slice %arg10[%dma_start3A_97, %dma_start3A_98] : memref<128x128xf32, #tpu.memory_space<vmem>> -> memref<80x128xf32, #tpu.memory_space<vmem>>
        tpu.enqueue_dma source(%dma_start3A_99 : memref<80x128xf32, #tpu.memory_space<vmem>>) target(%dma_start3A_96 : memref<80x128xf32, #tpu.memory_space<vmem_shared>>) target_semaphore(%run_scoped3A : memref<!tpu.dma_semaphore, #tpu.memory_space<semaphore_mem>>)
        %dma_wait3A_100 = arith.constant 0 : i32
        %dma_wait3A_101 = arith.constant 0 : i32
        %dma_wait3A_102 = tpu.memref_slice %arg10[%dma_wait3A_100, %dma_wait3A_101] : memref<128x128xf32, #tpu.memory_space<vmem>> -> memref<80x128xf32, #tpu.memory_space<vmem>>
        %dma_wait3A_103 = arith.constant 0 : i32
        %dma_wait3A_104 = tpu.memref_slice %arg12[%mul3A_89, %dma_wait3A_103] : memref<10000x128xf32, #tpu.memory_space<vmem_shared>> -> memref<80x128xf32, #tpu.memory_space<vmem_shared>>
        %dma_wait3A_105 = arith.constant 0 : i32
        %dma_wait3A_106 = tpu.memref_slice %arg12[%mul3A_89, %dma_wait3A_105] : memref<10000x128xf32, #tpu.memory_space<vmem_shared>> -> memref<80x128xf32, #tpu.memory_space<vmem_shared>>
        %dma_wait3A_107 = arith.constant 0 : i32
        %dma_wait3A_108 = arith.constant 0 : i32
        %dma_wait3A_109 = tpu.memref_slice %arg10[%dma_wait3A_107, %dma_wait3A_108] : memref<128x128xf32, #tpu.memory_space<vmem>> -> memref<80x128xf32, #tpu.memory_space<vmem>>
        tpu.wait_dma2 semaphore(%run_scoped3A : memref<!tpu.dma_semaphore, #tpu.memory_space<semaphore_mem>>) src(%dma_wait3A_109 : memref<80x128xf32, #tpu.memory_space<vmem>>) dst(%dma_wait3A_106 : memref<80x128xf32, #tpu.memory_space<vmem_shared>>)
        tpu.yield
      }) : () -> ()
    }
    %barrier3A = arith.constant 0 : index
    tpu.barrier barrier_id(%barrier3A)
    %mul3A = arith.constant 16 : i32
    %mul3A_32 = arith.muli %arg0, %mul3A : i32
    %add3A_33 = arith.addi %mul3A_32, %arg1 : i32
    %mul3A_34 = arith.constant 158 : i32
    %mul3A_35 = arith.muli %add3A_33, %mul3A_34 : i32
    %add3A_36 = arith.constant 0 : i32
    %add3A_37 = arith.addi %mul3A_35, %add3A_36 : i32
    %mul3A_38 = arith.constant 256 : i32
    %mul3A_39 = arith.muli %add3A_37, %mul3A_38 : i32
    %dma_start3A = tpu.memref_slice %arg2[%mul3A_39] : memref<1294336xi32, #tpu.memory_space<hbm>> -> memref<256xi32, #tpu.memory_space<hbm>>
    %dma_start3A_40 = tpu.memref_slice %arg2[%mul3A_39] : memref<1294336xi32, #tpu.memory_space<hbm>> -> memref<256xi32, #tpu.memory_space<hbm>>
    tpu.enqueue_dma source(%dma_start3A_40 : memref<256xi32, #tpu.memory_space<hbm>>) target(%arg6 : memref<256xi32, #tpu.memory_space<vmem>>) target_semaphore(%arg17 : memref<!tpu.dma_semaphore, #tpu.memory_space<semaphore_mem>>)
    %mul3A_41 = arith.constant 128 : i32
    %mul3A_42 = arith.muli %add3A_37, %mul3A_41 : i32
    %dma_start3A_43 = tpu.memref_slice %arg3[%mul3A_42] : memref<647168xf32, #tpu.memory_space<hbm>> -> memref<128xf32, #tpu.memory_space<hbm>>
    %dma_start3A_44 = tpu.memref_slice %arg3[%mul3A_42] : memref<647168xf32, #tpu.memory_space<hbm>> -> memref<128xf32, #tpu.memory_space<hbm>>
    tpu.enqueue_dma source(%dma_start3A_44 : memref<128xf32, #tpu.memory_space<hbm>>) target(%arg8 : memref<128xf32, #tpu.memory_space<vmem>>) target_semaphore(%arg17 : memref<!tpu.dma_semaphore, #tpu.memory_space<semaphore_mem>>)
    %mul3A_45 = arith.constant 158 : i32
    %mul3A_46 = arith.muli %add3A_33, %mul3A_45 : i32
    %add3A_47 = arith.constant 1 : i32
    %add3A_48 = arith.addi %mul3A_46, %add3A_47 : i32
    %mul3A_49 = arith.constant 256 : i32
    %mul3A_50 = arith.muli %add3A_48, %mul3A_49 : i32
    %dma_start3A_51 = tpu.memref_slice %arg2[%mul3A_50] : memref<1294336xi32, #tpu.memory_space<hbm>> -> memref<256xi32, #tpu.memory_space<hbm>>
    %dma_start3A_52 = tpu.memref_slice %arg2[%mul3A_50] : memref<1294336xi32, #tpu.memory_space<hbm>> -> memref<256xi32, #tpu.memory_space<hbm>>
    tpu.enqueue_dma source(%dma_start3A_52 : memref<256xi32, #tpu.memory_space<hbm>>) target(%arg7 : memref<256xi32, #tpu.memory_space<vmem>>) target_semaphore(%arg17 : memref<!tpu.dma_semaphore, #tpu.memory_space<semaphore_mem>>)
    %mul3A_53 = arith.constant 128 : i32
    %mul3A_54 = arith.muli %add3A_48, %mul3A_53 : i32
    %dma_start3A_55 = tpu.memref_slice %arg3[%mul3A_54] : memref<647168xf32, #tpu.memory_space<hbm>> -> memref<128xf32, #tpu.memory_space<hbm>>
    %dma_start3A_56 = tpu.memref_slice %arg3[%mul3A_54] : memref<647168xf32, #tpu.memory_space<hbm>> -> memref<128xf32, #tpu.memory_space<hbm>>
    tpu.enqueue_dma source(%dma_start3A_56 : memref<128xf32, #tpu.memory_space<hbm>>) target(%arg9 : memref<128xf32, #tpu.memory_space<vmem>>) target_semaphore(%arg17 : memref<!tpu.dma_semaphore, #tpu.memory_space<semaphore_mem>>)
    %dma_wait3A = tpu.memref_slice %arg2[%mul3A_39] : memref<1294336xi32, #tpu.memory_space<hbm>> -> memref<256xi32, #tpu.memory_space<hbm>>
    %dma_wait3A_57 = tpu.memref_slice %arg2[%mul3A_39] : memref<1294336xi32, #tpu.memory_space<hbm>> -> memref<256xi32, #tpu.memory_space<hbm>>
    tpu.wait_dma2 semaphore(%arg17 : memref<!tpu.dma_semaphore, #tpu.memory_space<semaphore_mem>>) src(%dma_wait3A_57 : memref<256xi32, #tpu.memory_space<hbm>>) dst(%arg6 : memref<256xi32, #tpu.memory_space<vmem>>)
    %dma_wait3A_58 = tpu.memref_slice %arg3[%mul3A_42] : memref<647168xf32, #tpu.memory_space<hbm>> -> memref<128xf32, #tpu.memory_space<hbm>>
    %dma_wait3A_59 = tpu.memref_slice %arg3[%mul3A_42] : memref<647168xf32, #tpu.memory_space<hbm>> -> memref<128xf32, #tpu.memory_space<hbm>>
    tpu.wait_dma2 semaphore(%arg17 : memref<!tpu.dma_semaphore, #tpu.memory_space<semaphore_mem>>) src(%dma_wait3A_59 : memref<128xf32, #tpu.memory_space<hbm>>) dst(%arg8 : memref<128xf32, #tpu.memory_space<vmem>>)
    %dma_wait3A_60 = tpu.memref_slice %arg2[%mul3A_50] : memref<1294336xi32, #tpu.memory_space<hbm>> -> memref<256xi32, #tpu.memory_space<hbm>>
    %dma_wait3A_61 = tpu.memref_slice %arg2[%mul3A_50] : memref<1294336xi32, #tpu.memory_space<hbm>> -> memref<256xi32, #tpu.memory_space<hbm>>
    tpu.wait_dma2 semaphore(%arg17 : memref<!tpu.dma_semaphore, #tpu.memory_space<semaphore_mem>>) src(%dma_wait3A_61 : memref<256xi32, #tpu.memory_space<hbm>>) dst(%arg7 : memref<256xi32, #tpu.memory_space<vmem>>)
    %dma_wait3A_62 = tpu.memref_slice %arg3[%mul3A_54] : memref<647168xf32, #tpu.memory_space<hbm>> -> memref<128xf32, #tpu.memory_space<hbm>>
    %dma_wait3A_63 = tpu.memref_slice %arg3[%mul3A_54] : memref<647168xf32, #tpu.memory_space<hbm>> -> memref<128xf32, #tpu.memory_space<hbm>>
    tpu.wait_dma2 semaphore(%arg17 : memref<!tpu.dma_semaphore, #tpu.memory_space<semaphore_mem>>) src(%dma_wait3A_63 : memref<128xf32, #tpu.memory_space<hbm>>) dst(%arg9 : memref<128xf32, #tpu.memory_space<vmem>>)
    %dma_start3A_64 = arith.constant 0 : i32
    %dma_start3A_65 = tpu.memref_slice %arg6[%dma_start3A_64] : memref<256xi32, #tpu.memory_space<vmem>> -> memref<128xi32, #tpu.memory_space<vmem>>
    %dma_start3A_66 = arith.constant 0 : i32
    %dma_start3A_67 = arith.constant 0 : i32
    %dma_start3A_68 = tpu.memref_slice %arg4[%dma_start3A_66, %dma_start3A_67] : memref<20000x128xf32, #tpu.memory_space<hbm>> -> memref<20000x128xf32, #tpu.memory_space<hbm>>
    tpu.enqueue_indirect_dma source(%dma_start3A_68 : memref<20000x128xf32, #tpu.memory_space<hbm>>) target(%arg10 : memref<128x128xf32, #tpu.memory_space<vmem>>) offsets(%dma_start3A_65 : memref<128xi32, #tpu.memory_space<vmem>>) semaphore(%arg13 : memref<!tpu.dma_semaphore, #tpu.memory_space<semaphore_mem>>)
    %scan3A_69 = arith.constant 0 : i32
    %scan3A_70 = arith.constant 79 : i32
    %scan3A_71 = arith.addi %scan3A_69, %scan3A_70 : i32
    %scan3A_72 = arith.constant 1 : i32
    scf.for %scan3A_84 = %scan3A_69 to %scan3A_71 step %scan3A_72  : i32 {
      %mul3A_85 = arith.constant 2 : i32
      %mul3A_86 = arith.muli %mul3A_85, %scan3A_84 : i32
      %gt3A = arith.constant 0 : i32
      %gt3A_87 = arith.cmpi sgt, %scan3A_84, %gt3A : i32
      %convert_element_type3A = arith.extui %gt3A_87 : i1 to i32
      %cond3A = arith.constant 0 : i32
      %cond3A_88 = arith.cmpi ne, %convert_element_type3A, %cond3A : i32
      scf.if %cond3A_88 {
        %dma_wait3A_181 = arith.constant 0 : i32
        %dma_wait3A_182 = arith.constant 0 : i32
        %dma_wait3A_183 = tpu.memref_slice %arg4[%dma_wait3A_181, %dma_wait3A_182] : memref<20000x128xf32, #tpu.memory_space<hbm>> -> memref<128x128xf32, #tpu.memory_space<hbm>>
        %dma_wait3A_184 = arith.constant 0 : i32
        %dma_wait3A_185 = arith.constant 0 : i32
        %dma_wait3A_186 = tpu.memref_slice %arg4[%dma_wait3A_184, %dma_wait3A_185] : memref<20000x128xf32, #tpu.memory_space<hbm>> -> memref<128x128xf32, #tpu.memory_space<hbm>>
        tpu.wait_dma2 semaphore(%arg16 : memref<!tpu.dma_semaphore, #tpu.memory_space<semaphore_mem>>) src(%dma_wait3A_186 : memref<128x128xf32, #tpu.memory_space<hbm>>) dst(%arg11 : memref<128x128xf32, #tpu.memory_space<vmem>>)
      } else {
      }
      %dma_start3A_89 = arith.constant 0 : i32
      %dma_start3A_90 = tpu.memref_slice %arg7[%dma_start3A_89] : memref<256xi32, #tpu.memory_space<vmem>> -> memref<128xi32, #tpu.memory_space<vmem>>
      %dma_start3A_91 = arith.constant 0 : i32
      %dma_start3A_92 = arith.constant 0 : i32
      %dma_start3A_93 = tpu.memref_slice %arg4[%dma_start3A_91, %dma_start3A_92] : memref<20000x128xf32, #tpu.memory_space<hbm>> -> memref<20000x128xf32, #tpu.memory_space<hbm>>
      tpu.enqueue_indirect_dma source(%dma_start3A_93 : memref<20000x128xf32, #tpu.memory_space<hbm>>) target(%arg11 : memref<128x128xf32, #tpu.memory_space<vmem>>) offsets(%dma_start3A_90 : memref<128xi32, #tpu.memory_space<vmem>>) semaphore(%arg14 : memref<!tpu.dma_semaphore, #tpu.memory_space<semaphore_mem>>)
      %dma_wait3A_94 = arith.constant 0 : i32
      %dma_wait3A_95 = arith.constant 0 : i32
      %dma_wait3A_96 = tpu.memref_slice %arg4[%dma_wait3A_94, %dma_wait3A_95] : memref<20000x128xf32, #tpu.memory_space<hbm>> -> memref<128x128xf32, #tpu.memory_space<hbm>>
      %dma_wait3A_97 = arith.constant 0 : i32
      %dma_wait3A_98 = arith.constant 0 : i32
      %dma_wait3A_99 = tpu.memref_slice %arg4[%dma_wait3A_97, %dma_wait3A_98] : memref<20000x128xf32, #tpu.memory_space<hbm>> -> memref<128x128xf32, #tpu.memory_space<hbm>>
      tpu.wait_dma2 semaphore(%arg13 : memref<!tpu.dma_semaphore, #tpu.memory_space<semaphore_mem>>) src(%dma_wait3A_99 : memref<128x128xf32, #tpu.memory_space<hbm>>) dst(%arg10 : memref<128x128xf32, #tpu.memory_space<vmem>>)
      %parallel_loop3A = arith.constant 0 : i32
      %parallel_loop3A_100 = arith.constant 128 : i32
      %parallel_loop3A_101 = arith.constant 1 : i32
      scf.for %parallel_loop3A_181 = %parallel_loop3A to %parallel_loop3A_100 step %parallel_loop3A_101  : i32 {
        %parallel_loop3A_182 = arith.constant 16 : i32
        %parallel_loop3A_183 = arith.divsi %parallel_loop3A_181, %parallel_loop3A_182 : i32
        %parallel_loop3A_184 = arith.constant 0 : i32
        %parallel_loop3A_185 = arith.cmpi sgt, %parallel_loop3A_181, %parallel_loop3A_184 : i32
        %parallel_loop3A_186 = arith.extui %parallel_loop3A_185 : i1 to i32
        %parallel_loop3A_187 = arith.constant 0 : i32
        %parallel_loop3A_188 = arith.cmpi slt, %parallel_loop3A_181, %parallel_loop3A_187 : i32
        %parallel_loop3A_189 = arith.extui %parallel_loop3A_188 : i1 to i32
        %parallel_loop3A_190 = arith.subi %parallel_loop3A_186, %parallel_loop3A_189 : i32
        %parallel_loop3A_191 = arith.constant 0 : i32
        %parallel_loop3A_192 = arith.cmpi sgt, %parallel_loop3A_182, %parallel_loop3A_191 : i32
        %parallel_loop3A_193 = arith.extui %parallel_loop3A_192 : i1 to i32
        %parallel_loop3A_194 = arith.constant 0 : i32
        %parallel_loop3A_195 = arith.cmpi slt, %parallel_loop3A_182, %parallel_loop3A_194 : i32
        %parallel_loop3A_196 = arith.extui %parallel_loop3A_195 : i1 to i32
        %parallel_loop3A_197 = arith.subi %parallel_loop3A_193, %parallel_loop3A_196 : i32
        %parallel_loop3A_198 = arith.cmpi ne, %parallel_loop3A_190, %parallel_loop3A_197 : i32
        %parallel_loop3A_199 = arith.remsi %parallel_loop3A_181, %parallel_loop3A_182 : i32
        %parallel_loop3A_200 = arith.constant 0 : i32
        %parallel_loop3A_201 = arith.cmpi ne, %parallel_loop3A_199, %parallel_loop3A_200 : i32
        %parallel_loop3A_202 = arith.andi %parallel_loop3A_198, %parallel_loop3A_201 : i1
        %parallel_loop3A_203 = arith.constant 1 : i32
        %parallel_loop3A_204 = arith.subi %parallel_loop3A_183, %parallel_loop3A_203 : i32
        %parallel_loop3A_205 = arith.select %parallel_loop3A_202, %parallel_loop3A_204, %parallel_loop3A_183 : i32
        %parallel_loop3A_206 = arith.constant 16 : i32
        %parallel_loop3A_207 = arith.muli %parallel_loop3A_205, %parallel_loop3A_206 : i32
        %parallel_loop3A_208 = arith.index_cast %parallel_loop3A_207 : i32 to index
        %parallel_loop3A_209 = tpu.vector_load %arg8[%parallel_loop3A_208] {strides = array<i32>} : memref<128xf32, #tpu.memory_space<vmem>>, vector<16xf32>,
        %parallel_loop3A_210 = vector.shape_cast %parallel_loop3A_209 : vector<16xf32> to vector<16xf32>
        %parallel_loop3A_211 = arith.subi %parallel_loop3A_181, %parallel_loop3A_207 : i32
        %parallel_loop3A_212 = vector.broadcast %parallel_loop3A_211 : i32 to vector<16x1xi32>
        %parallel_loop3A_213 = vector.shape_cast %parallel_loop3A_212 : vector<16x1xi32> to vector<16xi32>
        %parallel_loop3A_214 = tpu.dynamic_gather %parallel_loop3A_210[%parallel_loop3A_213] in [0] : vector<16xf32>, vector<16xi32> -> vector<16xf32>
        %parallel_loop3A_215 = arith.index_cast %parallel_loop3A_181 : i32 to index
        %parallel_loop3A_216 = arith.constant 0 : index
        %parallel_loop3A_217 = tpu.vector_load %arg10[%parallel_loop3A_215, %parallel_loop3A_216] {strides = array<i32>} : memref<128x128xf32, #tpu.memory_space<vmem>>, vector<1x16xf32>,
        %parallel_loop3A_218 = vector.shape_cast %parallel_loop3A_217 : vector<1x16xf32> to vector<16xf32>
        %parallel_loop3A_219 = arith.mulf %parallel_loop3A_218, %parallel_loop3A_214 : vector<16xf32>
        %parallel_loop3A_220 = arith.index_cast %parallel_loop3A_181 : i32 to index
        %parallel_loop3A_221 = arith.constant 0 : index
        %parallel_loop3A_222 = tpu.vector_load %arg10[%parallel_loop3A_220, %parallel_loop3A_221] {strides = array<i32>} : memref<128x128xf32, #tpu.memory_space<vmem>>, vector<1x16xf32>,
        %parallel_loop3A_223 = vector.shape_cast %parallel_loop3A_222 : vector<1x16xf32> to vector<16xf32>
        %parallel_loop3A_224 = vector.shape_cast %parallel_loop3A_219 : vector<16xf32> to vector<1x16xf32>
        tpu.vector_store %arg10[%parallel_loop3A_220, %parallel_loop3A_221], %parallel_loop3A_224 {strides = array<i32>} : memref<128x128xf32, #tpu.memory_space<vmem>>, vector<1x16xf32>,
        %parallel_loop3A_225 = arith.index_cast %parallel_loop3A_181 : i32 to index
        %parallel_loop3A_226 = arith.constant 16 : index
        %parallel_loop3A_227 = tpu.vector_load %arg10[%parallel_loop3A_225, %parallel_loop3A_226] {strides = array<i32>} : memref<128x128xf32, #tpu.memory_space<vmem>>, vector<1x16xf32>,
        %parallel_loop3A_228 = vector.shape_cast %parallel_loop3A_227 : vector<1x16xf32> to vector<16xf32>
        %parallel_loop3A_229 = arith.mulf %parallel_loop3A_228, %parallel_loop3A_214 : vector<16xf32>
        %parallel_loop3A_230 = arith.index_cast %parallel_loop3A_181 : i32 to index
        %parallel_loop3A_231 = arith.constant 16 : index
        %parallel_loop3A_232 = tpu.vector_load %arg10[%parallel_loop3A_230, %parallel_loop3A_231] {strides = array<i32>} : memref<128x128xf32, #tpu.memory_space<vmem>>, vector<1x16xf32>,
        %parallel_loop3A_233 = vector.shape_cast %parallel_loop3A_232 : vector<1x16xf32> to vector<16xf32>
        %parallel_loop3A_234 = vector.shape_cast %parallel_loop3A_229 : vector<16xf32> to vector<1x16xf32>
        tpu.vector_store %arg10[%parallel_loop3A_230, %parallel_loop3A_231], %parallel_loop3A_234 {strides = array<i32>} : memref<128x128xf32, #tpu.memory_space<vmem>>, vector<1x16xf32>,
        %parallel_loop3A_235 = arith.index_cast %parallel_loop3A_181 : i32 to index
        %parallel_loop3A_236 = arith.constant 32 : index
        %parallel_loop3A_237 = tpu.vector_load %arg10[%parallel_loop3A_235, %parallel_loop3A_236] {strides = array<i32>} : memref<128x128xf32, #tpu.memory_space<vmem>>, vector<1x16xf32>,
        %parallel_loop3A_238 = vector.shape_cast %parallel_loop3A_237 : vector<1x16xf32> to vector<16xf32>
        %parallel_loop3A_239 = arith.mulf %parallel_loop3A_238, %parallel_loop3A_214 : vector<16xf32>
        %parallel_loop3A_240 = arith.index_cast %parallel_loop3A_181 : i32 to index
        %parallel_loop3A_241 = arith.constant 32 : index
        %parallel_loop3A_242 = tpu.vector_load %arg10[%parallel_loop3A_240, %parallel_loop3A_241] {strides = array<i32>} : memref<128x128xf32, #tpu.memory_space<vmem>>, vector<1x16xf32>,
        %parallel_loop3A_243 = vector.shape_cast %parallel_loop3A_242 : vector<1x16xf32> to vector<16xf32>
        %parallel_loop3A_244 = vector.shape_cast %parallel_loop3A_239 : vector<16xf32> to vector<1x16xf32>
        tpu.vector_store %arg10[%parallel_loop3A_240, %parallel_loop3A_241], %parallel_loop3A_244 {strides = array<i32>} : memref<128x128xf32, #tpu.memory_space<vmem>>, vector<1x16xf32>,
        %parallel_loop3A_245 = arith.index_cast %parallel_loop3A_181 : i32 to index
        %parallel_loop3A_246 = arith.constant 48 : index
        %parallel_loop3A_247 = tpu.vector_load %arg10[%parallel_loop3A_245, %parallel_loop3A_246] {strides = array<i32>} : memref<128x128xf32, #tpu.memory_space<vmem>>, vector<1x16xf32>,
        %parallel_loop3A_248 = vector.shape_cast %parallel_loop3A_247 : vector<1x16xf32> to vector<16xf32>
        %parallel_loop3A_249 = arith.mulf %parallel_loop3A_248, %parallel_loop3A_214 : vector<16xf32>
        %parallel_loop3A_250 = arith.index_cast %parallel_loop3A_181 : i32 to index
        %parallel_loop3A_251 = arith.constant 48 : index
        %parallel_loop3A_252 = tpu.vector_load %arg10[%parallel_loop3A_250, %parallel_loop3A_251] {strides = array<i32>} : memref<128x128xf32, #tpu.memory_space<vmem>>, vector<1x16xf32>,
        %parallel_loop3A_253 = vector.shape_cast %parallel_loop3A_252 : vector<1x16xf32> to vector<16xf32>
        %parallel_loop3A_254 = vector.shape_cast %parallel_loop3A_249 : vector<16xf32> to vector<1x16xf32>
        tpu.vector_store %arg10[%parallel_loop3A_250, %parallel_loop3A_251], %parallel_loop3A_254 {strides = array<i32>} : memref<128x128xf32, #tpu.memory_space<vmem>>, vector<1x16xf32>,
        %parallel_loop3A_255 = arith.index_cast %parallel_loop3A_181 : i32 to index
        %parallel_loop3A_256 = arith.constant 64 : index
        %parallel_loop3A_257 = tpu.vector_load %arg10[%parallel_loop3A_255, %parallel_loop3A_256] {strides = array<i32>} : memref<128x128xf32, #tpu.memory_space<vmem>>, vector<1x16xf32>,
        %parallel_loop3A_258 = vector.shape_cast %parallel_loop3A_257 : vector<1x16xf32> to vector<16xf32>
        %parallel_loop3A_259 = arith.mulf %parallel_loop3A_258, %parallel_loop3A_214 : vector<16xf32>
        %parallel_loop3A_260 = arith.index_cast %parallel_loop3A_181 : i32 to index
        %parallel_loop3A_261 = arith.constant 64 : index
        %parallel_loop3A_262 = tpu.vector_load %arg10[%parallel_loop3A_260, %parallel_loop3A_261] {strides = array<i32>} : memref<128x128xf32, #tpu.memory_space<vmem>>, vector<1x16xf32>,
        %parallel_loop3A_263 = vector.shape_cast %parallel_loop3A_262 : vector<1x16xf32> to vector<16xf32>
        %parallel_loop3A_264 = vector.shape_cast %parallel_loop3A_259 : vector<16xf32> to vector<1x16xf32>
        tpu.vector_store %arg10[%parallel_loop3A_260, %parallel_loop3A_261], %parallel_loop3A_264 {strides = array<i32>} : memref<128x128xf32, #tpu.memory_space<vmem>>, vector<1x16xf32>,
        %parallel_loop3A_265 = arith.index_cast %parallel_loop3A_181 : i32 to index
        %parallel_loop3A_266 = arith.constant 80 : index
        %parallel_loop3A_267 = tpu.vector_load %arg10[%parallel_loop3A_265, %parallel_loop3A_266] {strides = array<i32>} : memref<128x128xf32, #tpu.memory_space<vmem>>, vector<1x16xf32>,
        %parallel_loop3A_268 = vector.shape_cast %parallel_loop3A_267 : vector<1x16xf32> to vector<16xf32>
        %parallel_loop3A_269 = arith.mulf %parallel_loop3A_268, %parallel_loop3A_214 : vector<16xf32>
        %parallel_loop3A_270 = arith.index_cast %parallel_loop3A_181 : i32 to index
        %parallel_loop3A_271 = arith.constant 80 : index
        %parallel_loop3A_272 = tpu.vector_load %arg10[%parallel_loop3A_270, %parallel_loop3A_271] {strides = array<i32>} : memref<128x128xf32, #tpu.memory_space<vmem>>, vector<1x16xf32>,
        %parallel_loop3A_273 = vector.shape_cast %parallel_loop3A_272 : vector<1x16xf32> to vector<16xf32>
        %parallel_loop3A_274 = vector.shape_cast %parallel_loop3A_269 : vector<16xf32> to vector<1x16xf32>
        tpu.vector_store %arg10[%parallel_loop3A_270, %parallel_loop3A_271], %parallel_loop3A_274 {strides = array<i32>} : memref<128x128xf32, #tpu.memory_space<vmem>>, vector<1x16xf32>,
        %parallel_loop3A_275 = arith.index_cast %parallel_loop3A_181 : i32 to index
        %parallel_loop3A_276 = arith.constant 96 : index
        %parallel_loop3A_277 = tpu.vector_load %arg10[%parallel_loop3A_275, %parallel_loop3A_276] {strides = array<i32>} : memref<128x128xf32, #tpu.memory_space<vmem>>, vector<1x16xf32>,
        %parallel_loop3A_278 = vector.shape_cast %parallel_loop3A_277 : vector<1x16xf32> to vector<16xf32>
        %parallel_loop3A_279 = arith.mulf %parallel_loop3A_278, %parallel_loop3A_214 : vector<16xf32>
        %parallel_loop3A_280 = arith.index_cast %parallel_loop3A_181 : i32 to index
        %parallel_loop3A_281 = arith.constant 96 : index
        %parallel_loop3A_282 = tpu.vector_load %arg10[%parallel_loop3A_280, %parallel_loop3A_281] {strides = array<i32>} : memref<128x128xf32, #tpu.memory_space<vmem>>, vector<1x16xf32>,
        %parallel_loop3A_283 = vector.shape_cast %parallel_loop3A_282 : vector<1x16xf32> to vector<16xf32>
        %parallel_loop3A_284 = vector.shape_cast %parallel_loop3A_279 : vector<16xf32> to vector<1x16xf32>
        tpu.vector_store %arg10[%parallel_loop3A_280, %parallel_loop3A_281], %parallel_loop3A_284 {strides = array<i32>} : memref<128x128xf32, #tpu.memory_space<vmem>>, vector<1x16xf32>,
        %parallel_loop3A_285 = arith.index_cast %parallel_loop3A_181 : i32 to index
        %parallel_loop3A_286 = arith.constant 112 : index
        %parallel_loop3A_287 = tpu.vector_load %arg10[%parallel_loop3A_285, %parallel_loop3A_286] {strides = array<i32>} : memref<128x128xf32, #tpu.memory_space<vmem>>, vector<1x16xf32>,
        %parallel_loop3A_288 = vector.shape_cast %parallel_loop3A_287 : vector<1x16xf32> to vector<16xf32>
        %parallel_loop3A_289 = arith.mulf %parallel_loop3A_288, %parallel_loop3A_214 : vector<16xf32>
        %parallel_loop3A_290 = arith.index_cast %parallel_loop3A_181 : i32 to index
        %parallel_loop3A_291 = arith.constant 112 : index
        %parallel_loop3A_292 = tpu.vector_load %arg10[%parallel_loop3A_290, %parallel_loop3A_291] {strides = array<i32>} : memref<128x128xf32, #tpu.memory_space<vmem>>, vector<1x16xf32>,
        %parallel_loop3A_293 = vector.shape_cast %parallel_loop3A_292 : vector<1x16xf32> to vector<16xf32>
        %parallel_loop3A_294 = vector.shape_cast %parallel_loop3A_289 : vector<16xf32> to vector<1x16xf32>
        tpu.vector_store %arg10[%parallel_loop3A_290, %parallel_loop3A_291], %parallel_loop3A_294 {strides = array<i32>} : memref<128x128xf32, #tpu.memory_space<vmem>>, vector<1x16xf32>,
      } {sc.loop_unroll_factor = 8 : i64, sc.parallel_access}
      %get3A = arith.constant 128 : index
      %get3A_102 = tpu.vector_load %arg6[%get3A] {strides = array<i32>} : memref<256xi32, #tpu.memory_space<vmem>>, vector<16xi32>,
      %get3A_103 = vector.shape_cast %get3A_102 : vector<16xi32> to vector<16xi32>
      %dma_start3A_104 = arith.constant 0 : i32
      %dma_start3A_105 = arith.constant 0 : i32
      %dma_start3A_106 = tpu.memref_slice %arg10[%dma_start3A_104, %dma_start3A_105] : memref<128x128xf32, #tpu.memory_space<vmem>> -> memref<16x128xf32, #tpu.memory_space<vmem>>
      %dma_start3A_107 = arith.constant 0 : i32
      %dma_start3A_108 = arith.constant 0 : i32
      %dma_start3A_109 = tpu.memref_slice %arg12[%dma_start3A_107, %dma_start3A_108] : memref<10000x128xf32, #tpu.memory_space<vmem_shared>> -> memref<10000x128xf32, #tpu.memory_space<vmem_shared>>
      tpu.enqueue_indirect_dma source(%dma_start3A_106 : memref<16x128xf32, #tpu.memory_space<vmem>>) target(%dma_start3A_109 : memref<10000x128xf32, #tpu.memory_space<vmem_shared>>) offsets(%get3A_103 : vector<16xi32>) semaphore(%arg15 : memref<!tpu.dma_semaphore, #tpu.memory_space<semaphore_mem>>) {add = true}
      %get3A_110 = arith.constant 144 : index
      %get3A_111 = tpu.vector_load %arg6[%get3A_110] {strides = array<i32>} : memref<256xi32, #tpu.memory_space<vmem>>, vector<16xi32>,
      %get3A_112 = vector.shape_cast %get3A_111 : vector<16xi32> to vector<16xi32>
      %dma_start3A_113 = arith.constant 16 : i32
      %dma_start3A_114 = arith.constant 0 : i32
      %dma_start3A_115 = tpu.memref_slice %arg10[%dma_start3A_113, %dma_start3A_114] : memref<128x128xf32, #tpu.memory_space<vmem>> -> memref<16x128xf32, #tpu.memory_space<vmem>>
      %dma_start3A_116 = arith.constant 0 : i32
      %dma_start3A_117 = arith.constant 0 : i32
      %dma_start3A_118 = tpu.memref_slice %arg12[%dma_start3A_116, %dma_start3A_117] : memref<10000x128xf32, #tpu.memory_space<vmem_shared>> -> memref<10000x128xf32, #tpu.memory_space<vmem_shared>>
      tpu.enqueue_indirect_dma source(%dma_start3A_115 : memref<16x128xf32, #tpu.memory_space<vmem>>) target(%dma_start3A_118 : memref<10000x128xf32, #tpu.memory_space<vmem_shared>>) offsets(%get3A_112 : vector<16xi32>) semaphore(%arg15 : memref<!tpu.dma_semaphore, #tpu.memory_space<semaphore_mem>>) {add = true}
      %get3A_119 = arith.constant 160 : index
      %get3A_120 = tpu.vector_load %arg6[%get3A_119] {strides = array<i32>} : memref<256xi32, #tpu.memory_space<vmem>>, vector<16xi32>,
      %get3A_121 = vector.shape_cast %get3A_120 : vector<16xi32> to vector<16xi32>
      %dma_start3A_122 = arith.constant 32 : i32
      %dma_start3A_123 = arith.constant 0 : i32
      %dma_start3A_124 = tpu.memref_slice %arg10[%dma_start3A_122, %dma_start3A_123] : memref<128x128xf32, #tpu.memory_space<vmem>> -> memref<16x128xf32, #tpu.memory_space<vmem>>
      %dma_start3A_125 = arith.constant 0 : i32
      %dma_start3A_126 = arith.constant 0 : i32
      %dma_start3A_127 = tpu.memref_slice %arg12[%dma_start3A_125, %dma_start3A_126] : memref<10000x128xf32, #tpu.memory_space<vmem_shared>> -> memref<10000x128xf32, #tpu.memory_space<vmem_shared>>
      tpu.enqueue_indirect_dma source(%dma_start3A_124 : memref<16x128xf32, #tpu.memory_space<vmem>>) target(%dma_start3A_127 : memref<10000x128xf32, #tpu.memory_space<vmem_shared>>) offsets(%get3A_121 : vector<16xi32>) semaphore(%arg15 : memref<!tpu.dma_semaphore, #tpu.memory_space<semaphore_mem>>) {add = true}
      %get3A_128 = arith.constant 176 : index
      %get3A_129 = tpu.vector_load %arg6[%get3A_128] {strides = array<i32>} : memref<256xi32, #tpu.memory_space<vmem>>, vector<16xi32>,
      %get3A_130 = vector.shape_cast %get3A_129 : vector<16xi32> to vector<16xi32>
      %dma_start3A_131 = arith.constant 48 : i32
      %dma_start3A_132 = arith.constant 0 : i32
      %dma_start3A_133 = tpu.memref_slice %arg10[%dma_start3A_131, %dma_start3A_132] : memref<128x128xf32, #tpu.memory_space<vmem>> -> memref<16x128xf32, #tpu.memory_space<vmem>>
      %dma_start3A_134 = arith.constant 0 : i32
      %dma_start3A_135 = arith.constant 0 : i32
      %dma_start3A_136 = tpu.memref_slice %arg12[%dma_start3A_134, %dma_start3A_135] : memref<10000x128xf32, #tpu.memory_space<vmem_shared>> -> memref<10000x128xf32, #tpu.memory_space<vmem_shared>>
      tpu.enqueue_indirect_dma source(%dma_start3A_133 : memref<16x128xf32, #tpu.memory_space<vmem>>) target(%dma_start3A_136 : memref<10000x128xf32, #tpu.memory_space<vmem_shared>>) offsets(%get3A_130 : vector<16xi32>) semaphore(%arg15 : memref<!tpu.dma_semaphore, #tpu.memory_space<semaphore_mem>>) {add = true}
      %get3A_137 = arith.constant 192 : index
      %get3A_138 = tpu.vector_load %arg6[%get3A_137] {strides = array<i32>} : memref<256xi32, #tpu.memory_space<vmem>>, vector<16xi32>,
      %get3A_139 = vector.shape_cast %get3A_138 : vector<16xi32> to vector<16xi32>
      %dma_start3A_140 = arith.constant 64 : i32
      %dma_start3A_141 = arith.constant 0 : i32
      %dma_start3A_142 = tpu.memref_slice %arg10[%dma_start3A_140, %dma_start3A_141] : memref<128x128xf32, #tpu.memory_space<vmem>> -> memref<16x128xf32, #tpu.memory_space<vmem>>
      %dma_start3A_143 = arith.constant 0 : i32
      %dma_start3A_144 = arith.constant 0 : i32
      %dma_start3A_145 = tpu.memref_slice %arg12[%dma_start3A_143, %dma_start3A_144] : memref<10000x128xf32, #tpu.memory_space<vmem_shared>> -> memref<10000x128xf32, #tpu.memory_space<vmem_shared>>
      tpu.enqueue_indirect_dma source(%dma_start3A_142 : memref<16x128xf32, #tpu.memory_space<vmem>>) target(%dma_start3A_145 : memref<10000x128xf32, #tpu.memory_space<vmem_shared>>) offsets(%get3A_139 : vector<16xi32>) semaphore(%arg15 : memref<!tpu.dma_semaphore, #tpu.memory_space<semaphore_mem>>) {add = true}
      %get3A_146 = arith.constant 208 : index
      %get3A_147 = tpu.vector_load %arg6[%get3A_146] {strides = array<i32>} : memref<256xi32, #tpu.memory_space<vmem>>, vector<16xi32>,
      %get3A_148 = vector.shape_cast %get3A_147 : vector<16xi32> to vector<16xi32>
      %dma_start3A_149 = arith.constant 80 : i32
      %dma_start3A_150 = arith.constant 0 : i32
      %dma_start3A_151 = tpu.memref_slice %arg10[%dma_start3A_149, %dma_start3A_150] : memref<128x128xf32, #tpu.memory_space<vmem>> -> memref<16x128xf32, #tpu.memory_space<vmem>>
      %dma_start3A_152 = arith.constant 0 : i32
      %dma_start3A_153 = arith.constant 0 : i32
      %dma_start3A_154 = tpu.memref_slice %arg12[%dma_start3A_152, %dma_start3A_153] : memref<10000x128xf32, #tpu.memory_space<vmem_shared>> -> memref<10000x128xf32, #tpu.memory_space<vmem_shared>>
      tpu.enqueue_indirect_dma source(%dma_start3A_151 : memref<16x128xf32, #tpu.memory_space<vmem>>) target(%dma_start3A_154 : memref<10000x128xf32, #tpu.memory_space<vmem_shared>>) offsets(%get3A_148 : vector<16xi32>) semaphore(%arg15 : memref<!tpu.dma_semaphore, #tpu.memory_space<semaphore_mem>>) {add = true}
      %get3A_155 = arith.constant 224 : index
      %get3A_156 = tpu.vector_load %arg6[%get3A_155] {strides = array<i32>} : memref<256xi32, #tpu.memory_space<vmem>>, vector<16xi32>,
      %get3A_157 = vector.shape_cast %get3A_156 : vector<16xi32> to vector<16xi32>
      %dma_start3A_158 = arith.constant 96 : i32
      %dma_start3A_159 = arith.constant 0 : i32
      %dma_start3A_160 = tpu.memref_slice %arg10[%dma_start3A_158, %dma_start3A_159] : memref<128x128xf32, #tpu.memory_space<vmem>> -> memref<16x128xf32, #tpu.memory_space<vmem>>
      %dma_start3A_161 = arith.constant 0 : i32
      %dma_start3A_162 = arith.constant 0 : i32
      %dma_start3A_163 = tpu.memref_slice %arg12[%dma_start3A_161, %dma_start3A_162] : memref<10000x128xf32, #tpu.memory_space<vmem_shared>> -> memref<10000x128xf32, #tpu.memory_space<vmem_shared>>
      tpu.enqueue_indirect_dma source(%dma_start3A_160 : memref<16x128xf32, #tpu.memory_space<vmem>>) target(%dma_start3A_163 : memref<10000x128xf32, #tpu.memory_space<vmem_shared>>) offsets(%get3A_157 : vector<16xi32>) semaphore(%arg15 : memref<!tpu.dma_semaphore, #tpu.memory_space<semaphore_mem>>) {add = true}
      %get3A_164 = arith.constant 240 : index
      %get3A_165 = tpu.vector_load %arg6[%get3A_164] {strides = array<i32>} : memref<256xi32, #tpu.memory_space<vmem>>, vector<16xi32>,
      %get3A_166 = vector.shape_cast %get3A_165 : vector<16xi32> to vector<16xi32>
      %dma_start3A_167 = arith.constant 112 : i32
      %dma_start3A_168 = arith.constant 0 : i32
      %dma_start3A_169 = tpu.memref_slice %arg10[%dma_start3A_167, %dma_start3A_168] : memref<128x128xf32, #tpu.memory_space<vmem>> -> memref<16x128xf32, #tpu.memory_space<vmem>>
      %dma_start3A_170 = arith.constant 0 : i32
      %dma_start3A_171 = arith.constant 0 : i32
      %dma_start3A_172 = tpu.memref_slice %arg12[%dma_start3A_170, %dma_start3A_171] : memref<10000x128xf32, #tpu.memory_space<vmem_shared>> -> memref<10000x128xf32, #tpu.memory_space<vmem_shared>>
      tpu.enqueue_indirect_dma source(%dma_start3A_169 : memref<16x128xf32, #tpu.memory_space<vmem>>) target(%dma_start3A_172 : memref<10000x128xf32, #tpu.memory_space<vmem_shared>>) offsets(%get3A_166 : vector<16xi32>) semaphore(%arg15 : memref<!tpu.dma_semaphore, #tpu.memory_space<semaphore_mem>>) {add = true}
      %lt3A = arith.constant 78 : i32
      %lt3A_173 = arith.cmpi slt, %scan3A_84, %lt3A : i32
      %convert_element_type3A_174 = arith.extui %lt3A_173 : i1 to i32
      %cond3A_175 = arith.constant 0 : i32
      %cond3A_176 = arith.cmpi ne, %convert_element_type3A_174, %cond3A_175 : i32
      scf.if %cond3A_176 {
        %add3A_181 = arith.constant 2 : i32
        %add3A_182 = arith.addi %mul3A_86, %add3A_181 : i32
        %mul3A_183 = arith.constant 158 : i32
        %mul3A_184 = arith.muli %add3A_33, %mul3A_183 : i32
        %add3A_185 = arith.addi %mul3A_184, %add3A_182 : i32
        %mul3A_186 = arith.constant 256 : i32
        %mul3A_187 = arith.muli %add3A_185, %mul3A_186 : i32
        %dma_start3A_188 = tpu.memref_slice %arg2[%mul3A_187] : memref<1294336xi32, #tpu.memory_space<hbm>> -> memref<256xi32, #tpu.memory_space<hbm>>
        %dma_start3A_189 = tpu.memref_slice %arg2[%mul3A_187] : memref<1294336xi32, #tpu.memory_space<hbm>> -> memref<256xi32, #tpu.memory_space<hbm>>
        tpu.enqueue_dma source(%dma_start3A_189 : memref<256xi32, #tpu.memory_space<hbm>>) target(%arg6 : memref<256xi32, #tpu.memory_space<vmem>>) target_semaphore(%arg17 : memref<!tpu.dma_semaphore, #tpu.memory_space<semaphore_mem>>)
        %mul3A_190 = arith.constant 128 : i32
        %mul3A_191 = arith.muli %add3A_185, %mul3A_190 : i32
        %dma_start3A_192 = tpu.memref_slice %arg3[%mul3A_191] : memref<647168xf32, #tpu.memory_space<hbm>> -> memref<128xf32, #tpu.memory_space<hbm>>
        %dma_start3A_193 = tpu.memref_slice %arg3[%mul3A_191] : memref<647168xf32, #tpu.memory_space<hbm>> -> memref<128xf32, #tpu.memory_space<hbm>>
        tpu.enqueue_dma source(%dma_start3A_193 : memref<128xf32, #tpu.memory_space<hbm>>) target(%arg8 : memref<128xf32, #tpu.memory_space<vmem>>) target_semaphore(%arg17 : memref<!tpu.dma_semaphore, #tpu.memory_space<semaphore_mem>>)
        %dma_wait3A_194 = arith.constant 0 : i32
        %dma_wait3A_195 = arith.constant 0 : i32
        %dma_wait3A_196 = tpu.memref_slice %arg4[%dma_wait3A_194, %dma_wait3A_195] : memref<20000x128xf32, #tpu.memory_space<hbm>> -> memref<128x128xf32, #tpu.memory_space<hbm>>
        %dma_wait3A_197 = arith.constant 0 : i32
        %dma_wait3A_198 = arith.constant 0 : i32
        %dma_wait3A_199 = tpu.memref_slice %arg4[%dma_wait3A_197, %dma_wait3A_198] : memref<20000x128xf32, #tpu.memory_space<hbm>> -> memref<128x128xf32, #tpu.memory_space<hbm>>
        tpu.wait_dma2 semaphore(%arg14 : memref<!tpu.dma_semaphore, #tpu.memory_space<semaphore_mem>>) src(%dma_wait3A_199 : memref<128x128xf32, #tpu.memory_space<hbm>>) dst(%arg11 : memref<128x128xf32, #tpu.memory_space<vmem>>)
        %parallel_loop3A_200 = arith.constant 0 : i32
        %parallel_loop3A_201 = arith.constant 128 : i32
        %parallel_loop3A_202 = arith.constant 1 : i32
        scf.for %parallel_loop3A_307 = %parallel_loop3A_200 to %parallel_loop3A_201 step %parallel_loop3A_202  : i32 {
          %parallel_loop3A_308 = arith.constant 16 : i32
          %parallel_loop3A_309 = arith.divsi %parallel_loop3A_307, %parallel_loop3A_308 : i32
          %parallel_loop3A_310 = arith.constant 0 : i32
          %parallel_loop3A_311 = arith.cmpi sgt, %parallel_loop3A_307, %parallel_loop3A_310 : i32
          %parallel_loop3A_312 = arith.extui %parallel_loop3A_311 : i1 to i32
          %parallel_loop3A_313 = arith.constant 0 : i32
          %parallel_loop3A_314 = arith.cmpi slt, %parallel_loop3A_307, %parallel_loop3A_313 : i32
          %parallel_loop3A_315 = arith.extui %parallel_loop3A_314 : i1 to i32
          %parallel_loop3A_316 = arith.subi %parallel_loop3A_312, %parallel_loop3A_315 : i32
          %parallel_loop3A_317 = arith.constant 0 : i32
          %parallel_loop3A_318 = arith.cmpi sgt, %parallel_loop3A_308, %parallel_loop3A_317 : i32
          %parallel_loop3A_319 = arith.extui %parallel_loop3A_318 : i1 to i32
          %parallel_loop3A_320 = arith.constant 0 : i32
          %parallel_loop3A_321 = arith.cmpi slt, %parallel_loop3A_308, %parallel_loop3A_320 : i32
          %parallel_loop3A_322 = arith.extui %parallel_loop3A_321 : i1 to i32
          %parallel_loop3A_323 = arith.subi %parallel_loop3A_319, %parallel_loop3A_322 : i32
          %parallel_loop3A_324 = arith.cmpi ne, %parallel_loop3A_316, %parallel_loop3A_323 : i32
          %parallel_loop3A_325 = arith.remsi %parallel_loop3A_307, %parallel_loop3A_308 : i32
          %parallel_loop3A_326 = arith.constant 0 : i32
          %parallel_loop3A_327 = arith.cmpi ne, %parallel_loop3A_325, %parallel_loop3A_326 : i32
          %parallel_loop3A_328 = arith.andi %parallel_loop3A_324, %parallel_loop3A_327 : i1
          %parallel_loop3A_329 = arith.constant 1 : i32
          %parallel_loop3A_330 = arith.subi %parallel_loop3A_309, %parallel_loop3A_329 : i32
          %parallel_loop3A_331 = arith.select %parallel_loop3A_328, %parallel_loop3A_330, %parallel_loop3A_309 : i32
          %parallel_loop3A_332 = arith.constant 16 : i32
          %parallel_loop3A_333 = arith.muli %parallel_loop3A_331, %parallel_loop3A_332 : i32
          %parallel_loop3A_334 = arith.index_cast %parallel_loop3A_333 : i32 to index
          %parallel_loop3A_335 = tpu.vector_load %arg9[%parallel_loop3A_334] {strides = array<i32>} : memref<128xf32, #tpu.memory_space<vmem>>, vector<16xf32>,
          %parallel_loop3A_336 = vector.shape_cast %parallel_loop3A_335 : vector<16xf32> to vector<16xf32>
          %parallel_loop3A_337 = arith.subi %parallel_loop3A_307, %parallel_loop3A_333 : i32
          %parallel_loop3A_338 = vector.broadcast %parallel_loop3A_337 : i32 to vector<16x1xi32>
          %parallel_loop3A_339 = vector.shape_cast %parallel_loop3A_338 : vector<16x1xi32> to vector<16xi32>
          %parallel_loop3A_340 = tpu.dynamic_gather %parallel_loop3A_336[%parallel_loop3A_339] in [0] : vector<16xf32>, vector<16xi32> -> vector<16xf32>
          %parallel_loop3A_341 = arith.index_cast %parallel_loop3A_307 : i32 to index
          %parallel_loop3A_342 = arith.constant 0 : index
          %parallel_loop3A_343 = tpu.vector_load %arg11[%parallel_loop3A_341, %parallel_loop3A_342] {strides = array<i32>} : memref<128x128xf32, #tpu.memory_space<vmem>>, vector<1x16xf32>,
          %parallel_loop3A_344 = vector.shape_cast %parallel_loop3A_343 : vector<1x16xf32> to vector<16xf32>
          %parallel_loop3A_345 = arith.mulf %parallel_loop3A_344, %parallel_loop3A_340 : vector<16xf32>
          %parallel_loop3A_346 = arith.index_cast %parallel_loop3A_307 : i32 to index
          %parallel_loop3A_347 = arith.constant 0 : index
          %parallel_loop3A_348 = tpu.vector_load %arg11[%parallel_loop3A_346, %parallel_loop3A_347] {strides = array<i32>} : memref<128x128xf32, #tpu.memory_space<vmem>>, vector<1x16xf32>,
          %parallel_loop3A_349 = vector.shape_cast %parallel_loop3A_348 : vector<1x16xf32> to vector<16xf32>
          %parallel_loop3A_350 = vector.shape_cast %parallel_loop3A_345 : vector<16xf32> to vector<1x16xf32>
          tpu.vector_store %arg11[%parallel_loop3A_346, %parallel_loop3A_347], %parallel_loop3A_350 {strides = array<i32>} : memref<128x128xf32, #tpu.memory_space<vmem>>, vector<1x16xf32>,
          %parallel_loop3A_351 = arith.index_cast %parallel_loop3A_307 : i32 to index
          %parallel_loop3A_352 = arith.constant 16 : index
          %parallel_loop3A_353 = tpu.vector_load %arg11[%parallel_loop3A_351, %parallel_loop3A_352] {strides = array<i32>} : memref<128x128xf32, #tpu.memory_space<vmem>>, vector<1x16xf32>,
          %parallel_loop3A_354 = vector.shape_cast %parallel_loop3A_353 : vector<1x16xf32> to vector<16xf32>
          %parallel_loop3A_355 = arith.mulf %parallel_loop3A_354, %parallel_loop3A_340 : vector<16xf32>
          %parallel_loop3A_356 = arith.index_cast %parallel_loop3A_307 : i32 to index
          %parallel_loop3A_357 = arith.constant 16 : index
          %parallel_loop3A_358 = tpu.vector_load %arg11[%parallel_loop3A_356, %parallel_loop3A_357] {strides = array<i32>} : memref<128x128xf32, #tpu.memory_space<vmem>>, vector<1x16xf32>,
          %parallel_loop3A_359 = vector.shape_cast %parallel_loop3A_358 : vector<1x16xf32> to vector<16xf32>
          %parallel_loop3A_360 = vector.shape_cast %parallel_loop3A_355 : vector<16xf32> to vector<1x16xf32>
          tpu.vector_store %arg11[%parallel_loop3A_356, %parallel_loop3A_357], %parallel_loop3A_360 {strides = array<i32>} : memref<128x128xf32, #tpu.memory_space<vmem>>, vector<1x16xf32>,
          %parallel_loop3A_361 = arith.index_cast %parallel_loop3A_307 : i32 to index
          %parallel_loop3A_362 = arith.constant 32 : index
          %parallel_loop3A_363 = tpu.vector_load %arg11[%parallel_loop3A_361, %parallel_loop3A_362] {strides = array<i32>} : memref<128x128xf32, #tpu.memory_space<vmem>>, vector<1x16xf32>,
          %parallel_loop3A_364 = vector.shape_cast %parallel_loop3A_363 : vector<1x16xf32> to vector<16xf32>
          %parallel_loop3A_365 = arith.mulf %parallel_loop3A_364, %parallel_loop3A_340 : vector<16xf32>
          %parallel_loop3A_366 = arith.index_cast %parallel_loop3A_307 : i32 to index
          %parallel_loop3A_367 = arith.constant 32 : index
          %parallel_loop3A_368 = tpu.vector_load %arg11[%parallel_loop3A_366, %parallel_loop3A_367] {strides = array<i32>} : memref<128x128xf32, #tpu.memory_space<vmem>>, vector<1x16xf32>,
          %parallel_loop3A_369 = vector.shape_cast %parallel_loop3A_368 : vector<1x16xf32> to vector<16xf32>
          %parallel_loop3A_370 = vector.shape_cast %parallel_loop3A_365 : vector<16xf32> to vector<1x16xf32>
          tpu.vector_store %arg11[%parallel_loop3A_366, %parallel_loop3A_367], %parallel_loop3A_370 {strides = array<i32>} : memref<128x128xf32, #tpu.memory_space<vmem>>, vector<1x16xf32>,
          %parallel_loop3A_371 = arith.index_cast %parallel_loop3A_307 : i32 to index
          %parallel_loop3A_372 = arith.constant 48 : index
          %parallel_loop3A_373 = tpu.vector_load %arg11[%parallel_loop3A_371, %parallel_loop3A_372] {strides = array<i32>} : memref<128x128xf32, #tpu.memory_space<vmem>>, vector<1x16xf32>,
          %parallel_loop3A_374 = vector.shape_cast %parallel_loop3A_373 : vector<1x16xf32> to vector<16xf32>
          %parallel_loop3A_375 = arith.mulf %parallel_loop3A_374, %parallel_loop3A_340 : vector<16xf32>
          %parallel_loop3A_376 = arith.index_cast %parallel_loop3A_307 : i32 to index
          %parallel_loop3A_377 = arith.constant 48 : index
          %parallel_loop3A_378 = tpu.vector_load %arg11[%parallel_loop3A_376, %parallel_loop3A_377] {strides = array<i32>} : memref<128x128xf32, #tpu.memory_space<vmem>>, vector<1x16xf32>,
          %parallel_loop3A_379 = vector.shape_cast %parallel_loop3A_378 : vector<1x16xf32> to vector<16xf32>
          %parallel_loop3A_380 = vector.shape_cast %parallel_loop3A_375 : vector<16xf32> to vector<1x16xf32>
          tpu.vector_store %arg11[%parallel_loop3A_376, %parallel_loop3A_377], %parallel_loop3A_380 {strides = array<i32>} : memref<128x128xf32, #tpu.memory_space<vmem>>, vector<1x16xf32>,
          %parallel_loop3A_381 = arith.index_cast %parallel_loop3A_307 : i32 to index
          %parallel_loop3A_382 = arith.constant 64 : index
          %parallel_loop3A_383 = tpu.vector_load %arg11[%parallel_loop3A_381, %parallel_loop3A_382] {strides = array<i32>} : memref<128x128xf32, #tpu.memory_space<vmem>>, vector<1x16xf32>,
          %parallel_loop3A_384 = vector.shape_cast %parallel_loop3A_383 : vector<1x16xf32> to vector<16xf32>
          %parallel_loop3A_385 = arith.mulf %parallel_loop3A_384, %parallel_loop3A_340 : vector<16xf32>
          %parallel_loop3A_386 = arith.index_cast %parallel_loop3A_307 : i32 to index
          %parallel_loop3A_387 = arith.constant 64 : index
          %parallel_loop3A_388 = tpu.vector_load %arg11[%parallel_loop3A_386, %parallel_loop3A_387] {strides = array<i32>} : memref<128x128xf32, #tpu.memory_space<vmem>>, vector<1x16xf32>,
          %parallel_loop3A_389 = vector.shape_cast %parallel_loop3A_388 : vector<1x16xf32> to vector<16xf32>
          %parallel_loop3A_390 = vector.shape_cast %parallel_loop3A_385 : vector<16xf32> to vector<1x16xf32>
          tpu.vector_store %arg11[%parallel_loop3A_386, %parallel_loop3A_387], %parallel_loop3A_390 {strides = array<i32>} : memref<128x128xf32, #tpu.memory_space<vmem>>, vector<1x16xf32>,
          %parallel_loop3A_391 = arith.index_cast %parallel_loop3A_307 : i32 to index
          %parallel_loop3A_392 = arith.constant 80 : index
          %parallel_loop3A_393 = tpu.vector_load %arg11[%parallel_loop3A_391, %parallel_loop3A_392] {strides = array<i32>} : memref<128x128xf32, #tpu.memory_space<vmem>>, vector<1x16xf32>,
          %parallel_loop3A_394 = vector.shape_cast %parallel_loop3A_393 : vector<1x16xf32> to vector<16xf32>
          %parallel_loop3A_395 = arith.mulf %parallel_loop3A_394, %parallel_loop3A_340 : vector<16xf32>
          %parallel_loop3A_396 = arith.index_cast %parallel_loop3A_307 : i32 to index
          %parallel_loop3A_397 = arith.constant 80 : index
          %parallel_loop3A_398 = tpu.vector_load %arg11[%parallel_loop3A_396, %parallel_loop3A_397] {strides = array<i32>} : memref<128x128xf32, #tpu.memory_space<vmem>>, vector<1x16xf32>,
          %parallel_loop3A_399 = vector.shape_cast %parallel_loop3A_398 : vector<1x16xf32> to vector<16xf32>
          %parallel_loop3A_400 = vector.shape_cast %parallel_loop3A_395 : vector<16xf32> to vector<1x16xf32>
          tpu.vector_store %arg11[%parallel_loop3A_396, %parallel_loop3A_397], %parallel_loop3A_400 {strides = array<i32>} : memref<128x128xf32, #tpu.memory_space<vmem>>, vector<1x16xf32>,
          %parallel_loop3A_401 = arith.index_cast %parallel_loop3A_307 : i32 to index
          %parallel_loop3A_402 = arith.constant 96 : index
          %parallel_loop3A_403 = tpu.vector_load %arg11[%parallel_loop3A_401, %parallel_loop3A_402] {strides = array<i32>} : memref<128x128xf32, #tpu.memory_space<vmem>>, vector<1x16xf32>,
          %parallel_loop3A_404 = vector.shape_cast %parallel_loop3A_403 : vector<1x16xf32> to vector<16xf32>
          %parallel_loop3A_405 = arith.mulf %parallel_loop3A_404, %parallel_loop3A_340 : vector<16xf32>
          %parallel_loop3A_406 = arith.index_cast %parallel_loop3A_307 : i32 to index
          %parallel_loop3A_407 = arith.constant 96 : index
          %parallel_loop3A_408 = tpu.vector_load %arg11[%parallel_loop3A_406, %parallel_loop3A_407] {strides = array<i32>} : memref<128x128xf32, #tpu.memory_space<vmem>>, vector<1x16xf32>,
          %parallel_loop3A_409 = vector.shape_cast %parallel_loop3A_408 : vector<1x16xf32> to vector<16xf32>
          %parallel_loop3A_410 = vector.shape_cast %parallel_loop3A_405 : vector<16xf32> to vector<1x16xf32>
          tpu.vector_store %arg11[%parallel_loop3A_406, %parallel_loop3A_407], %parallel_loop3A_410 {strides = array<i32>} : memref<128x128xf32, #tpu.memory_space<vmem>>, vector<1x16xf32>,
          %parallel_loop3A_411 = arith.index_cast %parallel_loop3A_307 : i32 to index
          %parallel_loop3A_412 = arith.constant 112 : index
          %parallel_loop3A_413 = tpu.vector_load %arg11[%parallel_loop3A_411, %parallel_loop3A_412] {strides = array<i32>} : memref<128x128xf32, #tpu.memory_space<vmem>>, vector<1x16xf32>,
          %parallel_loop3A_414 = vector.shape_cast %parallel_loop3A_413 : vector<1x16xf32> to vector<16xf32>
          %parallel_loop3A_415 = arith.mulf %parallel_loop3A_414, %parallel_loop3A_340 : vector<16xf32>
          %parallel_loop3A_416 = arith.index_cast %parallel_loop3A_307 : i32 to index
          %parallel_loop3A_417 = arith.constant 112 : index
          %parallel_loop3A_418 = tpu.vector_load %arg11[%parallel_loop3A_416, %parallel_loop3A_417] {strides = array<i32>} : memref<128x128xf32, #tpu.memory_space<vmem>>, vector<1x16xf32>,
          %parallel_loop3A_419 = vector.shape_cast %parallel_loop3A_418 : vector<1x16xf32> to vector<16xf32>
          %parallel_loop3A_420 = vector.shape_cast %parallel_loop3A_415 : vector<16xf32> to vector<1x16xf32>
          tpu.vector_store %arg11[%parallel_loop3A_416, %parallel_loop3A_417], %parallel_loop3A_420 {strides = array<i32>} : memref<128x128xf32, #tpu.memory_space<vmem>>, vector<1x16xf32>,
        } {sc.loop_unroll_factor = 8 : i64, sc.parallel_access}
        %get3A_203 = arith.constant 128 : index
        %get3A_204 = tpu.vector_load %arg7[%get3A_203] {strides = array<i32>} : memref<256xi32, #tpu.memory_space<vmem>>, vector<16xi32>,
        %get3A_205 = vector.shape_cast %get3A_204 : vector<16xi32> to vector<16xi32>
        %dma_start3A_206 = arith.constant 0 : i32
        %dma_start3A_207 = arith.constant 0 : i32
        %dma_start3A_208 = tpu.memref_slice %arg11[%dma_start3A_206, %dma_start3A_207] : memref<128x128xf32, #tpu.memory_space<vmem>> -> memref<16x128xf32, #tpu.memory_space<vmem>>
        %dma_start3A_209 = arith.constant 0 : i32
        %dma_start3A_210 = arith.constant 0 : i32
        %dma_start3A_211 = tpu.memref_slice %arg12[%dma_start3A_209, %dma_start3A_210] : memref<10000x128xf32, #tpu.memory_space<vmem_shared>> -> memref<10000x128xf32, #tpu.memory_space<vmem_shared>>
        tpu.enqueue_indirect_dma source(%dma_start3A_208 : memref<16x128xf32, #tpu.memory_space<vmem>>) target(%dma_start3A_211 : memref<10000x128xf32, #tpu.memory_space<vmem_shared>>) offsets(%get3A_205 : vector<16xi32>) semaphore(%arg16 : memref<!tpu.dma_semaphore, #tpu.memory_space<semaphore_mem>>) {add = true}
        %get3A_212 = arith.constant 144 : index
        %get3A_213 = tpu.vector_load %arg7[%get3A_212] {strides = array<i32>} : memref<256xi32, #tpu.memory_space<vmem>>, vector<16xi32>,
        %get3A_214 = vector.shape_cast %get3A_213 : vector<16xi32> to vector<16xi32>
        %dma_start3A_215 = arith.constant 16 : i32
        %dma_start3A_216 = arith.constant 0 : i32
        %dma_start3A_217 = tpu.memref_slice %arg11[%dma_start3A_215, %dma_start3A_216] : memref<128x128xf32, #tpu.memory_space<vmem>> -> memref<16x128xf32, #tpu.memory_space<vmem>>
        %dma_start3A_218 = arith.constant 0 : i32
        %dma_start3A_219 = arith.constant 0 : i32
        %dma_start3A_220 = tpu.memref_slice %arg12[%dma_start3A_218, %dma_start3A_219] : memref<10000x128xf32, #tpu.memory_space<vmem_shared>> -> memref<10000x128xf32, #tpu.memory_space<vmem_shared>>
        tpu.enqueue_indirect_dma source(%dma_start3A_217 : memref<16x128xf32, #tpu.memory_space<vmem>>) target(%dma_start3A_220 : memref<10000x128xf32, #tpu.memory_space<vmem_shared>>) offsets(%get3A_214 : vector<16xi32>) semaphore(%arg16 : memref<!tpu.dma_semaphore, #tpu.memory_space<semaphore_mem>>) {add = true}
        %get3A_221 = arith.constant 160 : index
        %get3A_222 = tpu.vector_load %arg7[%get3A_221] {strides = array<i32>} : memref<256xi32, #tpu.memory_space<vmem>>, vector<16xi32>,
        %get3A_223 = vector.shape_cast %get3A_222 : vector<16xi32> to vector<16xi32>
        %dma_start3A_224 = arith.constant 32 : i32
        %dma_start3A_225 = arith.constant 0 : i32
        %dma_start3A_226 = tpu.memref_slice %arg11[%dma_start3A_224, %dma_start3A_225] : memref<128x128xf32, #tpu.memory_space<vmem>> -> memref<16x128xf32, #tpu.memory_space<vmem>>
        %dma_start3A_227 = arith.constant 0 : i32
        %dma_start3A_228 = arith.constant 0 : i32
        %dma_start3A_229 = tpu.memref_slice %arg12[%dma_start3A_227, %dma_start3A_228] : memref<10000x128xf32, #tpu.memory_space<vmem_shared>> -> memref<10000x128xf32, #tpu.memory_space<vmem_shared>>
        tpu.enqueue_indirect_dma source(%dma_start3A_226 : memref<16x128xf32, #tpu.memory_space<vmem>>) target(%dma_start3A_229 : memref<10000x128xf32, #tpu.memory_space<vmem_shared>>) offsets(%get3A_223 : vector<16xi32>) semaphore(%arg16 : memref<!tpu.dma_semaphore, #tpu.memory_space<semaphore_mem>>) {add = true}
        %get3A_230 = arith.constant 176 : index
        %get3A_231 = tpu.vector_load %arg7[%get3A_230] {strides = array<i32>} : memref<256xi32, #tpu.memory_space<vmem>>, vector<16xi32>,
        %get3A_232 = vector.shape_cast %get3A_231 : vector<16xi32> to vector<16xi32>
        %dma_start3A_233 = arith.constant 48 : i32
        %dma_start3A_234 = arith.constant 0 : i32
        %dma_start3A_235 = tpu.memref_slice %arg11[%dma_start3A_233, %dma_start3A_234] : memref<128x128xf32, #tpu.memory_space<vmem>> -> memref<16x128xf32, #tpu.memory_space<vmem>>
        %dma_start3A_236 = arith.constant 0 : i32
        %dma_start3A_237 = arith.constant 0 : i32
        %dma_start3A_238 = tpu.memref_slice %arg12[%dma_start3A_236, %dma_start3A_237] : memref<10000x128xf32, #tpu.memory_space<vmem_shared>> -> memref<10000x128xf32, #tpu.memory_space<vmem_shared>>
        tpu.enqueue_indirect_dma source(%dma_start3A_235 : memref<16x128xf32, #tpu.memory_space<vmem>>) target(%dma_start3A_238 : memref<10000x128xf32, #tpu.memory_space<vmem_shared>>) offsets(%get3A_232 : vector<16xi32>) semaphore(%arg16 : memref<!tpu.dma_semaphore, #tpu.memory_space<semaphore_mem>>) {add = true}
        %get3A_239 = arith.constant 192 : index
        %get3A_240 = tpu.vector_load %arg7[%get3A_239] {strides = array<i32>} : memref<256xi32, #tpu.memory_space<vmem>>, vector<16xi32>,
        %get3A_241 = vector.shape_cast %get3A_240 : vector<16xi32> to vector<16xi32>
        %dma_start3A_242 = arith.constant 64 : i32
        %dma_start3A_243 = arith.constant 0 : i32
        %dma_start3A_244 = tpu.memref_slice %arg11[%dma_start3A_242, %dma_start3A_243] : memref<128x128xf32, #tpu.memory_space<vmem>> -> memref<16x128xf32, #tpu.memory_space<vmem>>
        %dma_start3A_245 = arith.constant 0 : i32
        %dma_start3A_246 = arith.constant 0 : i32
        %dma_start3A_247 = tpu.memref_slice %arg12[%dma_start3A_245, %dma_start3A_246] : memref<10000x128xf32, #tpu.memory_space<vmem_shared>> -> memref<10000x128xf32, #tpu.memory_space<vmem_shared>>
        tpu.enqueue_indirect_dma source(%dma_start3A_244 : memref<16x128xf32, #tpu.memory_space<vmem>>) target(%dma_start3A_247 : memref<10000x128xf32, #tpu.memory_space<vmem_shared>>) offsets(%get3A_241 : vector<16xi32>) semaphore(%arg16 : memref<!tpu.dma_semaphore, #tpu.memory_space<semaphore_mem>>) {add = true}
        %get3A_248 = arith.constant 208 : index
        %get3A_249 = tpu.vector_load %arg7[%get3A_248] {strides = array<i32>} : memref<256xi32, #tpu.memory_space<vmem>>, vector<16xi32>,
        %get3A_250 = vector.shape_cast %get3A_249 : vector<16xi32> to vector<16xi32>
        %dma_start3A_251 = arith.constant 80 : i32
        %dma_start3A_252 = arith.constant 0 : i32
        %dma_start3A_253 = tpu.memref_slice %arg11[%dma_start3A_251, %dma_start3A_252] : memref<128x128xf32, #tpu.memory_space<vmem>> -> memref<16x128xf32, #tpu.memory_space<vmem>>
        %dma_start3A_254 = arith.constant 0 : i32
        %dma_start3A_255 = arith.constant 0 : i32
        %dma_start3A_256 = tpu.memref_slice %arg12[%dma_start3A_254, %dma_start3A_255] : memref<10000x128xf32, #tpu.memory_space<vmem_shared>> -> memref<10000x128xf32, #tpu.memory_space<vmem_shared>>
        tpu.enqueue_indirect_dma source(%dma_start3A_253 : memref<16x128xf32, #tpu.memory_space<vmem>>) target(%dma_start3A_256 : memref<10000x128xf32, #tpu.memory_space<vmem_shared>>) offsets(%get3A_250 : vector<16xi32>) semaphore(%arg16 : memref<!tpu.dma_semaphore, #tpu.memory_space<semaphore_mem>>) {add = true}
        %get3A_257 = arith.constant 224 : index
        %get3A_258 = tpu.vector_load %arg7[%get3A_257] {strides = array<i32>} : memref<256xi32, #tpu.memory_space<vmem>>, vector<16xi32>,
        %get3A_259 = vector.shape_cast %get3A_258 : vector<16xi32> to vector<16xi32>
        %dma_start3A_260 = arith.constant 96 : i32
        %dma_start3A_261 = arith.constant 0 : i32
        %dma_start3A_262 = tpu.memref_slice %arg11[%dma_start3A_260, %dma_start3A_261] : memref<128x128xf32, #tpu.memory_space<vmem>> -> memref<16x128xf32, #tpu.memory_space<vmem>>
        %dma_start3A_263 = arith.constant 0 : i32
        %dma_start3A_264 = arith.constant 0 : i32
        %dma_start3A_265 = tpu.memref_slice %arg12[%dma_start3A_263, %dma_start3A_264] : memref<10000x128xf32, #tpu.memory_space<vmem_shared>> -> memref<10000x128xf32, #tpu.memory_space<vmem_shared>>
        tpu.enqueue_indirect_dma source(%dma_start3A_262 : memref<16x128xf32, #tpu.memory_space<vmem>>) target(%dma_start3A_265 : memref<10000x128xf32, #tpu.memory_space<vmem_shared>>) offsets(%get3A_259 : vector<16xi32>) semaphore(%arg16 : memref<!tpu.dma_semaphore, #tpu.memory_space<semaphore_mem>>) {add = true}
        %get3A_266 = arith.constant 240 : index
        %get3A_267 = tpu.vector_load %arg7[%get3A_266] {strides = array<i32>} : memref<256xi32, #tpu.memory_space<vmem>>, vector<16xi32>,
        %get3A_268 = vector.shape_cast %get3A_267 : vector<16xi32> to vector<16xi32>
        %dma_start3A_269 = arith.constant 112 : i32
        %dma_start3A_270 = arith.constant 0 : i32
        %dma_start3A_271 = tpu.memref_slice %arg11[%dma_start3A_269, %dma_start3A_270] : memref<128x128xf32, #tpu.memory_space<vmem>> -> memref<16x128xf32, #tpu.memory_space<vmem>>
        %dma_start3A_272 = arith.constant 0 : i32
        %dma_start3A_273 = arith.constant 0 : i32
        %dma_start3A_274 = tpu.memref_slice %arg12[%dma_start3A_272, %dma_start3A_273] : memref<10000x128xf32, #tpu.memory_space<vmem_shared>> -> memref<10000x128xf32, #tpu.memory_space<vmem_shared>>
        tpu.enqueue_indirect_dma source(%dma_start3A_271 : memref<16x128xf32, #tpu.memory_space<vmem>>) target(%dma_start3A_274 : memref<10000x128xf32, #tpu.memory_space<vmem_shared>>) offsets(%get3A_268 : vector<16xi32>) semaphore(%arg16 : memref<!tpu.dma_semaphore, #tpu.memory_space<semaphore_mem>>) {add = true}
        %add3A_275 = arith.constant 3 : i32
        %add3A_276 = arith.addi %mul3A_86, %add3A_275 : i32
        %mul3A_277 = arith.constant 158 : i32
        %mul3A_278 = arith.muli %add3A_33, %mul3A_277 : i32
        %add3A_279 = arith.addi %mul3A_278, %add3A_276 : i32
        %mul3A_280 = arith.constant 256 : i32
        %mul3A_281 = arith.muli %add3A_279, %mul3A_280 : i32
        %dma_start3A_282 = tpu.memref_slice %arg2[%mul3A_281] : memref<1294336xi32, #tpu.memory_space<hbm>> -> memref<256xi32, #tpu.memory_space<hbm>>
        %dma_start3A_283 = tpu.memref_slice %arg2[%mul3A_281] : memref<1294336xi32, #tpu.memory_space<hbm>> -> memref<256xi32, #tpu.memory_space<hbm>>
        tpu.enqueue_dma source(%dma_start3A_283 : memref<256xi32, #tpu.memory_space<hbm>>) target(%arg7 : memref<256xi32, #tpu.memory_space<vmem>>) target_semaphore(%arg17 : memref<!tpu.dma_semaphore, #tpu.memory_space<semaphore_mem>>)
        %mul3A_284 = arith.constant 128 : i32
        %mul3A_285 = arith.muli %add3A_279, %mul3A_284 : i32
        %dma_start3A_286 = tpu.memref_slice %arg3[%mul3A_285] : memref<647168xf32, #tpu.memory_space<hbm>> -> memref<128xf32, #tpu.memory_space<hbm>>
        %dma_start3A_287 = tpu.memref_slice %arg3[%mul3A_285] : memref<647168xf32, #tpu.memory_space<hbm>> -> memref<128xf32, #tpu.memory_space<hbm>>
        tpu.enqueue_dma source(%dma_start3A_287 : memref<128xf32, #tpu.memory_space<hbm>>) target(%arg9 : memref<128xf32, #tpu.memory_space<vmem>>) target_semaphore(%arg17 : memref<!tpu.dma_semaphore, #tpu.memory_space<semaphore_mem>>)
        %dma_wait3A_288 = arith.constant 0 : i32
        %dma_wait3A_289 = arith.constant 0 : i32
        %dma_wait3A_290 = tpu.memref_slice %arg4[%dma_wait3A_288, %dma_wait3A_289] : memref<20000x128xf32, #tpu.memory_space<hbm>> -> memref<128x128xf32, #tpu.memory_space<hbm>>
        %dma_wait3A_291 = arith.constant 0 : i32
        %dma_wait3A_292 = arith.constant 0 : i32
        %dma_wait3A_293 = tpu.memref_slice %arg4[%dma_wait3A_291, %dma_wait3A_292] : memref<20000x128xf32, #tpu.memory_space<hbm>> -> memref<128x128xf32, #tpu.memory_space<hbm>>
        tpu.wait_dma2 semaphore(%arg15 : memref<!tpu.dma_semaphore, #tpu.memory_space<semaphore_mem>>) src(%dma_wait3A_293 : memref<128x128xf32, #tpu.memory_space<hbm>>) dst(%arg10 : memref<128x128xf32, #tpu.memory_space<vmem>>)
        %dma_wait3A_294 = tpu.memref_slice %arg2[%mul3A_187] : memref<1294336xi32, #tpu.memory_space<hbm>> -> memref<256xi32, #tpu.memory_space<hbm>>
        %dma_wait3A_295 = tpu.memref_slice %arg2[%mul3A_187] : memref<1294336xi32, #tpu.memory_space<hbm>> -> memref<256xi32, #tpu.memory_space<hbm>>
        tpu.wait_dma2 semaphore(%arg17 : memref<!tpu.dma_semaphore, #tpu.memory_space<semaphore_mem>>) src(%dma_wait3A_295 : memref<256xi32, #tpu.memory_space<hbm>>) dst(%arg6 : memref<256xi32, #tpu.memory_space<vmem>>)
        %dma_wait3A_296 = tpu.memref_slice %arg3[%mul3A_191] : memref<647168xf32, #tpu.memory_space<hbm>> -> memref<128xf32, #tpu.memory_space<hbm>>
        %dma_wait3A_297 = tpu.memref_slice %arg3[%mul3A_191] : memref<647168xf32, #tpu.memory_space<hbm>> -> memref<128xf32, #tpu.memory_space<hbm>>
        tpu.wait_dma2 semaphore(%arg17 : memref<!tpu.dma_semaphore, #tpu.memory_space<semaphore_mem>>) src(%dma_wait3A_297 : memref<128xf32, #tpu.memory_space<hbm>>) dst(%arg8 : memref<128xf32, #tpu.memory_space<vmem>>)
        %dma_wait3A_298 = tpu.memref_slice %arg2[%mul3A_281] : memref<1294336xi32, #tpu.memory_space<hbm>> -> memref<256xi32, #tpu.memory_space<hbm>>
        %dma_wait3A_299 = tpu.memref_slice %arg2[%mul3A_281] : memref<1294336xi32, #tpu.memory_space<hbm>> -> memref<256xi32, #tpu.memory_space<hbm>>
        tpu.wait_dma2 semaphore(%arg17 : memref<!tpu.dma_semaphore, #tpu.memory_space<semaphore_mem>>) src(%dma_wait3A_299 : memref<256xi32, #tpu.memory_space<hbm>>) dst(%arg7 : memref<256xi32, #tpu.memory_space<vmem>>)
        %dma_wait3A_300 = tpu.memref_slice %arg3[%mul3A_285] : memref<647168xf32, #tpu.memory_space<hbm>> -> memref<128xf32, #tpu.memory_space<hbm>>
        %dma_wait3A_301 = tpu.memref_slice %arg3[%mul3A_285] : memref<647168xf32, #tpu.memory_space<hbm>> -> memref<128xf32, #tpu.memory_space<hbm>>
        tpu.wait_dma2 semaphore(%arg17 : memref<!tpu.dma_semaphore, #tpu.memory_space<semaphore_mem>>) src(%dma_wait3A_301 : memref<128xf32, #tpu.memory_space<hbm>>) dst(%arg9 : memref<128xf32, #tpu.memory_space<vmem>>)
        %dma_start3A_302 = arith.constant 0 : i32
        %dma_start3A_303 = tpu.memref_slice %arg6[%dma_start3A_302] : memref<256xi32, #tpu.memory_space<vmem>> -> memref<128xi32, #tpu.memory_space<vmem>>
        %dma_start3A_304 = arith.constant 0 : i32
        %dma_start3A_305 = arith.constant 0 : i32
        %dma_start3A_306 = tpu.memref_slice %arg4[%dma_start3A_304, %dma_start3A_305] : memref<20000x128xf32, #tpu.memory_space<hbm>> -> memref<20000x128xf32, #tpu.memory_space<hbm>>
        tpu.enqueue_indirect_dma source(%dma_start3A_306 : memref<20000x128xf32, #tpu.memory_space<hbm>>) target(%arg10 : memref<128x128xf32, #tpu.memory_space<vmem>>) offsets(%dma_start3A_303 : memref<128xi32, #tpu.memory_space<vmem>>) semaphore(%arg13 : memref<!tpu.dma_semaphore, #tpu.memory_space<semaphore_mem>>)
      } else {
      }
      %eq3A = arith.constant 78 : i32
      %eq3A_177 = arith.cmpi eq, %scan3A_84, %eq3A : i32
      %convert_element_type3A_178 = arith.extui %eq3A_177 : i1 to i32
      %cond3A_179 = arith.constant 0 : i32
      %cond3A_180 = arith.cmpi ne, %convert_element_type3A_178, %cond3A_179 : i32
      scf.if %cond3A_180 {
        %dma_wait3A_181 = arith.constant 0 : i32
        %dma_wait3A_182 = arith.constant 0 : i32
        %dma_wait3A_183 = tpu.memref_slice %arg4[%dma_wait3A_181, %dma_wait3A_182] : memref<20000x128xf32, #tpu.memory_space<hbm>> -> memref<128x128xf32, #tpu.memory_space<hbm>>
        %dma_wait3A_184 = arith.constant 0 : i32
        %dma_wait3A_185 = arith.constant 0 : i32
        %dma_wait3A_186 = tpu.memref_slice %arg4[%dma_wait3A_184, %dma_wait3A_185] : memref<20000x128xf32, #tpu.memory_space<hbm>> -> memref<128x128xf32, #tpu.memory_space<hbm>>
        tpu.wait_dma2 semaphore(%arg14 : memref<!tpu.dma_semaphore, #tpu.memory_space<semaphore_mem>>) src(%dma_wait3A_186 : memref<128x128xf32, #tpu.memory_space<hbm>>) dst(%arg11 : memref<128x128xf32, #tpu.memory_space<vmem>>)
        %parallel_loop3A_187 = arith.constant 0 : i32
        %parallel_loop3A_188 = arith.constant 128 : i32
        %parallel_loop3A_189 = arith.constant 1 : i32
        scf.for %parallel_loop3A_274 = %parallel_loop3A_187 to %parallel_loop3A_188 step %parallel_loop3A_189  : i32 {
          %parallel_loop3A_275 = arith.constant 16 : i32
          %parallel_loop3A_276 = arith.divsi %parallel_loop3A_274, %parallel_loop3A_275 : i32
          %parallel_loop3A_277 = arith.constant 0 : i32
          %parallel_loop3A_278 = arith.cmpi sgt, %parallel_loop3A_274, %parallel_loop3A_277 : i32
          %parallel_loop3A_279 = arith.extui %parallel_loop3A_278 : i1 to i32
          %parallel_loop3A_280 = arith.constant 0 : i32
          %parallel_loop3A_281 = arith.cmpi slt, %parallel_loop3A_274, %parallel_loop3A_280 : i32
          %parallel_loop3A_282 = arith.extui %parallel_loop3A_281 : i1 to i32
          %parallel_loop3A_283 = arith.subi %parallel_loop3A_279, %parallel_loop3A_282 : i32
          %parallel_loop3A_284 = arith.constant 0 : i32
          %parallel_loop3A_285 = arith.cmpi sgt, %parallel_loop3A_275, %parallel_loop3A_284 : i32
          %parallel_loop3A_286 = arith.extui %parallel_loop3A_285 : i1 to i32
          %parallel_loop3A_287 = arith.constant 0 : i32
          %parallel_loop3A_288 = arith.cmpi slt, %parallel_loop3A_275, %parallel_loop3A_287 : i32
          %parallel_loop3A_289 = arith.extui %parallel_loop3A_288 : i1 to i32
          %parallel_loop3A_290 = arith.subi %parallel_loop3A_286, %parallel_loop3A_289 : i32
          %parallel_loop3A_291 = arith.cmpi ne, %parallel_loop3A_283, %parallel_loop3A_290 : i32
          %parallel_loop3A_292 = arith.remsi %parallel_loop3A_274, %parallel_loop3A_275 : i32
          %parallel_loop3A_293 = arith.constant 0 : i32
          %parallel_loop3A_294 = arith.cmpi ne, %parallel_loop3A_292, %parallel_loop3A_293 : i32
          %parallel_loop3A_295 = arith.andi %parallel_loop3A_291, %parallel_loop3A_294 : i1
          %parallel_loop3A_296 = arith.constant 1 : i32
          %parallel_loop3A_297 = arith.subi %parallel_loop3A_276, %parallel_loop3A_296 : i32
          %parallel_loop3A_298 = arith.select %parallel_loop3A_295, %parallel_loop3A_297, %parallel_loop3A_276 : i32
          %parallel_loop3A_299 = arith.constant 16 : i32
          %parallel_loop3A_300 = arith.muli %parallel_loop3A_298, %parallel_loop3A_299 : i32
          %parallel_loop3A_301 = arith.index_cast %parallel_loop3A_300 : i32 to index
          %parallel_loop3A_302 = tpu.vector_load %arg9[%parallel_loop3A_301] {strides = array<i32>} : memref<128xf32, #tpu.memory_space<vmem>>, vector<16xf32>,
          %parallel_loop3A_303 = vector.shape_cast %parallel_loop3A_302 : vector<16xf32> to vector<16xf32>
          %parallel_loop3A_304 = arith.subi %parallel_loop3A_274, %parallel_loop3A_300 : i32
          %parallel_loop3A_305 = vector.broadcast %parallel_loop3A_304 : i32 to vector<16x1xi32>
          %parallel_loop3A_306 = vector.shape_cast %parallel_loop3A_305 : vector<16x1xi32> to vector<16xi32>
          %parallel_loop3A_307 = tpu.dynamic_gather %parallel_loop3A_303[%parallel_loop3A_306] in [0] : vector<16xf32>, vector<16xi32> -> vector<16xf32>
          %parallel_loop3A_308 = arith.index_cast %parallel_loop3A_274 : i32 to index
          %parallel_loop3A_309 = arith.constant 0 : index
          %parallel_loop3A_310 = tpu.vector_load %arg11[%parallel_loop3A_308, %parallel_loop3A_309] {strides = array<i32>} : memref<128x128xf32, #tpu.memory_space<vmem>>, vector<1x16xf32>,
          %parallel_loop3A_311 = vector.shape_cast %parallel_loop3A_310 : vector<1x16xf32> to vector<16xf32>
          %parallel_loop3A_312 = arith.mulf %parallel_loop3A_311, %parallel_loop3A_307 : vector<16xf32>
          %parallel_loop3A_313 = arith.index_cast %parallel_loop3A_274 : i32 to index
          %parallel_loop3A_314 = arith.constant 0 : index
          %parallel_loop3A_315 = tpu.vector_load %arg11[%parallel_loop3A_313, %parallel_loop3A_314] {strides = array<i32>} : memref<128x128xf32, #tpu.memory_space<vmem>>, vector<1x16xf32>,
          %parallel_loop3A_316 = vector.shape_cast %parallel_loop3A_315 : vector<1x16xf32> to vector<16xf32>
          %parallel_loop3A_317 = vector.shape_cast %parallel_loop3A_312 : vector<16xf32> to vector<1x16xf32>
          tpu.vector_store %arg11[%parallel_loop3A_313, %parallel_loop3A_314], %parallel_loop3A_317 {strides = array<i32>} : memref<128x128xf32, #tpu.memory_space<vmem>>, vector<1x16xf32>,
          %parallel_loop3A_318 = arith.index_cast %parallel_loop3A_274 : i32 to index
          %parallel_loop3A_319 = arith.constant 16 : index
          %parallel_loop3A_320 = tpu.vector_load %arg11[%parallel_loop3A_318, %parallel_loop3A_319] {strides = array<i32>} : memref<128x128xf32, #tpu.memory_space<vmem>>, vector<1x16xf32>,
          %parallel_loop3A_321 = vector.shape_cast %parallel_loop3A_320 : vector<1x16xf32> to vector<16xf32>
          %parallel_loop3A_322 = arith.mulf %parallel_loop3A_321, %parallel_loop3A_307 : vector<16xf32>
          %parallel_loop3A_323 = arith.index_cast %parallel_loop3A_274 : i32 to index
          %parallel_loop3A_324 = arith.constant 16 : index
          %parallel_loop3A_325 = tpu.vector_load %arg11[%parallel_loop3A_323, %parallel_loop3A_324] {strides = array<i32>} : memref<128x128xf32, #tpu.memory_space<vmem>>, vector<1x16xf32>,
          %parallel_loop3A_326 = vector.shape_cast %parallel_loop3A_325 : vector<1x16xf32> to vector<16xf32>
          %parallel_loop3A_327 = vector.shape_cast %parallel_loop3A_322 : vector<16xf32> to vector<1x16xf32>
          tpu.vector_store %arg11[%parallel_loop3A_323, %parallel_loop3A_324], %parallel_loop3A_327 {strides = array<i32>} : memref<128x128xf32, #tpu.memory_space<vmem>>, vector<1x16xf32>,
          %parallel_loop3A_328 = arith.index_cast %parallel_loop3A_274 : i32 to index
          %parallel_loop3A_329 = arith.constant 32 : index
          %parallel_loop3A_330 = tpu.vector_load %arg11[%parallel_loop3A_328, %parallel_loop3A_329] {strides = array<i32>} : memref<128x128xf32, #tpu.memory_space<vmem>>, vector<1x16xf32>,
          %parallel_loop3A_331 = vector.shape_cast %parallel_loop3A_330 : vector<1x16xf32> to vector<16xf32>
          %parallel_loop3A_332 = arith.mulf %parallel_loop3A_331, %parallel_loop3A_307 : vector<16xf32>
          %parallel_loop3A_333 = arith.index_cast %parallel_loop3A_274 : i32 to index
          %parallel_loop3A_334 = arith.constant 32 : index
          %parallel_loop3A_335 = tpu.vector_load %arg11[%parallel_loop3A_333, %parallel_loop3A_334] {strides = array<i32>} : memref<128x128xf32, #tpu.memory_space<vmem>>, vector<1x16xf32>,
          %parallel_loop3A_336 = vector.shape_cast %parallel_loop3A_335 : vector<1x16xf32> to vector<16xf32>
          %parallel_loop3A_337 = vector.shape_cast %parallel_loop3A_332 : vector<16xf32> to vector<1x16xf32>
          tpu.vector_store %arg11[%parallel_loop3A_333, %parallel_loop3A_334], %parallel_loop3A_337 {strides = array<i32>} : memref<128x128xf32, #tpu.memory_space<vmem>>, vector<1x16xf32>,
          %parallel_loop3A_338 = arith.index_cast %parallel_loop3A_274 : i32 to index
          %parallel_loop3A_339 = arith.constant 48 : index
          %parallel_loop3A_340 = tpu.vector_load %arg11[%parallel_loop3A_338, %parallel_loop3A_339] {strides = array<i32>} : memref<128x128xf32, #tpu.memory_space<vmem>>, vector<1x16xf32>,
          %parallel_loop3A_341 = vector.shape_cast %parallel_loop3A_340 : vector<1x16xf32> to vector<16xf32>
          %parallel_loop3A_342 = arith.mulf %parallel_loop3A_341, %parallel_loop3A_307 : vector<16xf32>
          %parallel_loop3A_343 = arith.index_cast %parallel_loop3A_274 : i32 to index
          %parallel_loop3A_344 = arith.constant 48 : index
          %parallel_loop3A_345 = tpu.vector_load %arg11[%parallel_loop3A_343, %parallel_loop3A_344] {strides = array<i32>} : memref<128x128xf32, #tpu.memory_space<vmem>>, vector<1x16xf32>,
          %parallel_loop3A_346 = vector.shape_cast %parallel_loop3A_345 : vector<1x16xf32> to vector<16xf32>
          %parallel_loop3A_347 = vector.shape_cast %parallel_loop3A_342 : vector<16xf32> to vector<1x16xf32>
          tpu.vector_store %arg11[%parallel_loop3A_343, %parallel_loop3A_344], %parallel_loop3A_347 {strides = array<i32>} : memref<128x128xf32, #tpu.memory_space<vmem>>, vector<1x16xf32>,
          %parallel_loop3A_348 = arith.index_cast %parallel_loop3A_274 : i32 to index
          %parallel_loop3A_349 = arith.constant 64 : index
          %parallel_loop3A_350 = tpu.vector_load %arg11[%parallel_loop3A_348, %parallel_loop3A_349] {strides = array<i32>} : memref<128x128xf32, #tpu.memory_space<vmem>>, vector<1x16xf32>,
          %parallel_loop3A_351 = vector.shape_cast %parallel_loop3A_350 : vector<1x16xf32> to vector<16xf32>
          %parallel_loop3A_352 = arith.mulf %parallel_loop3A_351, %parallel_loop3A_307 : vector<16xf32>
          %parallel_loop3A_353 = arith.index_cast %parallel_loop3A_274 : i32 to index
          %parallel_loop3A_354 = arith.constant 64 : index
          %parallel_loop3A_355 = tpu.vector_load %arg11[%parallel_loop3A_353, %parallel_loop3A_354] {strides = array<i32>} : memref<128x128xf32, #tpu.memory_space<vmem>>, vector<1x16xf32>,
          %parallel_loop3A_356 = vector.shape_cast %parallel_loop3A_355 : vector<1x16xf32> to vector<16xf32>
          %parallel_loop3A_357 = vector.shape_cast %parallel_loop3A_352 : vector<16xf32> to vector<1x16xf32>
          tpu.vector_store %arg11[%parallel_loop3A_353, %parallel_loop3A_354], %parallel_loop3A_357 {strides = array<i32>} : memref<128x128xf32, #tpu.memory_space<vmem>>, vector<1x16xf32>,
          %parallel_loop3A_358 = arith.index_cast %parallel_loop3A_274 : i32 to index
          %parallel_loop3A_359 = arith.constant 80 : index
          %parallel_loop3A_360 = tpu.vector_load %arg11[%parallel_loop3A_358, %parallel_loop3A_359] {strides = array<i32>} : memref<128x128xf32, #tpu.memory_space<vmem>>, vector<1x16xf32>,
          %parallel_loop3A_361 = vector.shape_cast %parallel_loop3A_360 : vector<1x16xf32> to vector<16xf32>
          %parallel_loop3A_362 = arith.mulf %parallel_loop3A_361, %parallel_loop3A_307 : vector<16xf32>
          %parallel_loop3A_363 = arith.index_cast %parallel_loop3A_274 : i32 to index
          %parallel_loop3A_364 = arith.constant 80 : index
          %parallel_loop3A_365 = tpu.vector_load %arg11[%parallel_loop3A_363, %parallel_loop3A_364] {strides = array<i32>} : memref<128x128xf32, #tpu.memory_space<vmem>>, vector<1x16xf32>,
          %parallel_loop3A_366 = vector.shape_cast %parallel_loop3A_365 : vector<1x16xf32> to vector<16xf32>
          %parallel_loop3A_367 = vector.shape_cast %parallel_loop3A_362 : vector<16xf32> to vector<1x16xf32>
          tpu.vector_store %arg11[%parallel_loop3A_363, %parallel_loop3A_364], %parallel_loop3A_367 {strides = array<i32>} : memref<128x128xf32, #tpu.memory_space<vmem>>, vector<1x16xf32>,
          %parallel_loop3A_368 = arith.index_cast %parallel_loop3A_274 : i32 to index
          %parallel_loop3A_369 = arith.constant 96 : index
          %parallel_loop3A_370 = tpu.vector_load %arg11[%parallel_loop3A_368, %parallel_loop3A_369] {strides = array<i32>} : memref<128x128xf32, #tpu.memory_space<vmem>>, vector<1x16xf32>,
          %parallel_loop3A_371 = vector.shape_cast %parallel_loop3A_370 : vector<1x16xf32> to vector<16xf32>
          %parallel_loop3A_372 = arith.mulf %parallel_loop3A_371, %parallel_loop3A_307 : vector<16xf32>
          %parallel_loop3A_373 = arith.index_cast %parallel_loop3A_274 : i32 to index
          %parallel_loop3A_374 = arith.constant 96 : index
          %parallel_loop3A_375 = tpu.vector_load %arg11[%parallel_loop3A_373, %parallel_loop3A_374] {strides = array<i32>} : memref<128x128xf32, #tpu.memory_space<vmem>>, vector<1x16xf32>,
          %parallel_loop3A_376 = vector.shape_cast %parallel_loop3A_375 : vector<1x16xf32> to vector<16xf32>
          %parallel_loop3A_377 = vector.shape_cast %parallel_loop3A_372 : vector<16xf32> to vector<1x16xf32>
          tpu.vector_store %arg11[%parallel_loop3A_373, %parallel_loop3A_374], %parallel_loop3A_377 {strides = array<i32>} : memref<128x128xf32, #tpu.memory_space<vmem>>, vector<1x16xf32>,
          %parallel_loop3A_378 = arith.index_cast %parallel_loop3A_274 : i32 to index
          %parallel_loop3A_379 = arith.constant 112 : index
          %parallel_loop3A_380 = tpu.vector_load %arg11[%parallel_loop3A_378, %parallel_loop3A_379] {strides = array<i32>} : memref<128x128xf32, #tpu.memory_space<vmem>>, vector<1x16xf32>,
          %parallel_loop3A_381 = vector.shape_cast %parallel_loop3A_380 : vector<1x16xf32> to vector<16xf32>
          %parallel_loop3A_382 = arith.mulf %parallel_loop3A_381, %parallel_loop3A_307 : vector<16xf32>
          %parallel_loop3A_383 = arith.index_cast %parallel_loop3A_274 : i32 to index
          %parallel_loop3A_384 = arith.constant 112 : index
          %parallel_loop3A_385 = tpu.vector_load %arg11[%parallel_loop3A_383, %parallel_loop3A_384] {strides = array<i32>} : memref<128x128xf32, #tpu.memory_space<vmem>>, vector<1x16xf32>,
          %parallel_loop3A_386 = vector.shape_cast %parallel_loop3A_385 : vector<1x16xf32> to vector<16xf32>
          %parallel_loop3A_387 = vector.shape_cast %parallel_loop3A_382 : vector<16xf32> to vector<1x16xf32>
          tpu.vector_store %arg11[%parallel_loop3A_383, %parallel_loop3A_384], %parallel_loop3A_387 {strides = array<i32>} : memref<128x128xf32, #tpu.memory_space<vmem>>, vector<1x16xf32>,
        } {sc.loop_unroll_factor = 8 : i64, sc.parallel_access}
        %get3A_190 = arith.constant 128 : index
        %get3A_191 = tpu.vector_load %arg7[%get3A_190] {strides = array<i32>} : memref<256xi32, #tpu.memory_space<vmem>>, vector<16xi32>,
        %get3A_192 = vector.shape_cast %get3A_191 : vector<16xi32> to vector<16xi32>
        %dma_start3A_193 = arith.constant 0 : i32
        %dma_start3A_194 = arith.constant 0 : i32
        %dma_start3A_195 = tpu.memref_slice %arg11[%dma_start3A_193, %dma_start3A_194] : memref<128x128xf32, #tpu.memory_space<vmem>> -> memref<16x128xf32, #tpu.memory_space<vmem>>
        %dma_start3A_196 = arith.constant 0 : i32
        %dma_start3A_197 = arith.constant 0 : i32
        %dma_start3A_198 = tpu.memref_slice %arg12[%dma_start3A_196, %dma_start3A_197] : memref<10000x128xf32, #tpu.memory_space<vmem_shared>> -> memref<10000x128xf32, #tpu.memory_space<vmem_shared>>
        tpu.enqueue_indirect_dma source(%dma_start3A_195 : memref<16x128xf32, #tpu.memory_space<vmem>>) target(%dma_start3A_198 : memref<10000x128xf32, #tpu.memory_space<vmem_shared>>) offsets(%get3A_192 : vector<16xi32>) semaphore(%arg16 : memref<!tpu.dma_semaphore, #tpu.memory_space<semaphore_mem>>) {add = true}
        %get3A_199 = arith.constant 144 : index
        %get3A_200 = tpu.vector_load %arg7[%get3A_199] {strides = array<i32>} : memref<256xi32, #tpu.memory_space<vmem>>, vector<16xi32>,
        %get3A_201 = vector.shape_cast %get3A_200 : vector<16xi32> to vector<16xi32>
        %dma_start3A_202 = arith.constant 16 : i32
        %dma_start3A_203 = arith.constant 0 : i32
        %dma_start3A_204 = tpu.memref_slice %arg11[%dma_start3A_202, %dma_start3A_203] : memref<128x128xf32, #tpu.memory_space<vmem>> -> memref<16x128xf32, #tpu.memory_space<vmem>>
        %dma_start3A_205 = arith.constant 0 : i32
        %dma_start3A_206 = arith.constant 0 : i32
        %dma_start3A_207 = tpu.memref_slice %arg12[%dma_start3A_205, %dma_start3A_206] : memref<10000x128xf32, #tpu.memory_space<vmem_shared>> -> memref<10000x128xf32, #tpu.memory_space<vmem_shared>>
        tpu.enqueue_indirect_dma source(%dma_start3A_204 : memref<16x128xf32, #tpu.memory_space<vmem>>) target(%dma_start3A_207 : memref<10000x128xf32, #tpu.memory_space<vmem_shared>>) offsets(%get3A_201 : vector<16xi32>) semaphore(%arg16 : memref<!tpu.dma_semaphore, #tpu.memory_space<semaphore_mem>>) {add = true}
        %get3A_208 = arith.constant 160 : index
        %get3A_209 = tpu.vector_load %arg7[%get3A_208] {strides = array<i32>} : memref<256xi32, #tpu.memory_space<vmem>>, vector<16xi32>,
        %get3A_210 = vector.shape_cast %get3A_209 : vector<16xi32> to vector<16xi32>
        %dma_start3A_211 = arith.constant 32 : i32
        %dma_start3A_212 = arith.constant 0 : i32
        %dma_start3A_213 = tpu.memref_slice %arg11[%dma_start3A_211, %dma_start3A_212] : memref<128x128xf32, #tpu.memory_space<vmem>> -> memref<16x128xf32, #tpu.memory_space<vmem>>
        %dma_start3A_214 = arith.constant 0 : i32
        %dma_start3A_215 = arith.constant 0 : i32
        %dma_start3A_216 = tpu.memref_slice %arg12[%dma_start3A_214, %dma_start3A_215] : memref<10000x128xf32, #tpu.memory_space<vmem_shared>> -> memref<10000x128xf32, #tpu.memory_space<vmem_shared>>
        tpu.enqueue_indirect_dma source(%dma_start3A_213 : memref<16x128xf32, #tpu.memory_space<vmem>>) target(%dma_start3A_216 : memref<10000x128xf32, #tpu.memory_space<vmem_shared>>) offsets(%get3A_210 : vector<16xi32>) semaphore(%arg16 : memref<!tpu.dma_semaphore, #tpu.memory_space<semaphore_mem>>) {add = true}
        %get3A_217 = arith.constant 176 : index
        %get3A_218 = tpu.vector_load %arg7[%get3A_217] {strides = array<i32>} : memref<256xi32, #tpu.memory_space<vmem>>, vector<16xi32>,
        %get3A_219 = vector.shape_cast %get3A_218 : vector<16xi32> to vector<16xi32>
        %dma_start3A_220 = arith.constant 48 : i32
        %dma_start3A_221 = arith.constant 0 : i32
        %dma_start3A_222 = tpu.memref_slice %arg11[%dma_start3A_220, %dma_start3A_221] : memref<128x128xf32, #tpu.memory_space<vmem>> -> memref<16x128xf32, #tpu.memory_space<vmem>>
        %dma_start3A_223 = arith.constant 0 : i32
        %dma_start3A_224 = arith.constant 0 : i32
        %dma_start3A_225 = tpu.memref_slice %arg12[%dma_start3A_223, %dma_start3A_224] : memref<10000x128xf32, #tpu.memory_space<vmem_shared>> -> memref<10000x128xf32, #tpu.memory_space<vmem_shared>>
        tpu.enqueue_indirect_dma source(%dma_start3A_222 : memref<16x128xf32, #tpu.memory_space<vmem>>) target(%dma_start3A_225 : memref<10000x128xf32, #tpu.memory_space<vmem_shared>>) offsets(%get3A_219 : vector<16xi32>) semaphore(%arg16 : memref<!tpu.dma_semaphore, #tpu.memory_space<semaphore_mem>>) {add = true}
        %get3A_226 = arith.constant 192 : index
        %get3A_227 = tpu.vector_load %arg7[%get3A_226] {strides = array<i32>} : memref<256xi32, #tpu.memory_space<vmem>>, vector<16xi32>,
        %get3A_228 = vector.shape_cast %get3A_227 : vector<16xi32> to vector<16xi32>
        %dma_start3A_229 = arith.constant 64 : i32
        %dma_start3A_230 = arith.constant 0 : i32
        %dma_start3A_231 = tpu.memref_slice %arg11[%dma_start3A_229, %dma_start3A_230] : memref<128x128xf32, #tpu.memory_space<vmem>> -> memref<16x128xf32, #tpu.memory_space<vmem>>
        %dma_start3A_232 = arith.constant 0 : i32
        %dma_start3A_233 = arith.constant 0 : i32
        %dma_start3A_234 = tpu.memref_slice %arg12[%dma_start3A_232, %dma_start3A_233] : memref<10000x128xf32, #tpu.memory_space<vmem_shared>> -> memref<10000x128xf32, #tpu.memory_space<vmem_shared>>
        tpu.enqueue_indirect_dma source(%dma_start3A_231 : memref<16x128xf32, #tpu.memory_space<vmem>>) target(%dma_start3A_234 : memref<10000x128xf32, #tpu.memory_space<vmem_shared>>) offsets(%get3A_228 : vector<16xi32>) semaphore(%arg16 : memref<!tpu.dma_semaphore, #tpu.memory_space<semaphore_mem>>) {add = true}
        %get3A_235 = arith.constant 208 : index
        %get3A_236 = tpu.vector_load %arg7[%get3A_235] {strides = array<i32>} : memref<256xi32, #tpu.memory_space<vmem>>, vector<16xi32>,
        %get3A_237 = vector.shape_cast %get3A_236 : vector<16xi32> to vector<16xi32>
        %dma_start3A_238 = arith.constant 80 : i32
        %dma_start3A_239 = arith.constant 0 : i32
        %dma_start3A_240 = tpu.memref_slice %arg11[%dma_start3A_238, %dma_start3A_239] : memref<128x128xf32, #tpu.memory_space<vmem>> -> memref<16x128xf32, #tpu.memory_space<vmem>>
        %dma_start3A_241 = arith.constant 0 : i32
        %dma_start3A_242 = arith.constant 0 : i32
        %dma_start3A_243 = tpu.memref_slice %arg12[%dma_start3A_241, %dma_start3A_242] : memref<10000x128xf32, #tpu.memory_space<vmem_shared>> -> memref<10000x128xf32, #tpu.memory_space<vmem_shared>>
        tpu.enqueue_indirect_dma source(%dma_start3A_240 : memref<16x128xf32, #tpu.memory_space<vmem>>) target(%dma_start3A_243 : memref<10000x128xf32, #tpu.memory_space<vmem_shared>>) offsets(%get3A_237 : vector<16xi32>) semaphore(%arg16 : memref<!tpu.dma_semaphore, #tpu.memory_space<semaphore_mem>>) {add = true}
        %get3A_244 = arith.constant 224 : index
        %get3A_245 = tpu.vector_load %arg7[%get3A_244] {strides = array<i32>} : memref<256xi32, #tpu.memory_space<vmem>>, vector<16xi32>,
        %get3A_246 = vector.shape_cast %get3A_245 : vector<16xi32> to vector<16xi32>
        %dma_start3A_247 = arith.constant 96 : i32
        %dma_start3A_248 = arith.constant 0 : i32
        %dma_start3A_249 = tpu.memref_slice %arg11[%dma_start3A_247, %dma_start3A_248] : memref<128x128xf32, #tpu.memory_space<vmem>> -> memref<16x128xf32, #tpu.memory_space<vmem>>
        %dma_start3A_250 = arith.constant 0 : i32
        %dma_start3A_251 = arith.constant 0 : i32
        %dma_start3A_252 = tpu.memref_slice %arg12[%dma_start3A_250, %dma_start3A_251] : memref<10000x128xf32, #tpu.memory_space<vmem_shared>> -> memref<10000x128xf32, #tpu.memory_space<vmem_shared>>
        tpu.enqueue_indirect_dma source(%dma_start3A_249 : memref<16x128xf32, #tpu.memory_space<vmem>>) target(%dma_start3A_252 : memref<10000x128xf32, #tpu.memory_space<vmem_shared>>) offsets(%get3A_246 : vector<16xi32>) semaphore(%arg16 : memref<!tpu.dma_semaphore, #tpu.memory_space<semaphore_mem>>) {add = true}
        %get3A_253 = arith.constant 240 : index
        %get3A_254 = tpu.vector_load %arg7[%get3A_253] {strides = array<i32>} : memref<256xi32, #tpu.memory_space<vmem>>, vector<16xi32>,
        %get3A_255 = vector.shape_cast %get3A_254 : vector<16xi32> to vector<16xi32>
        %dma_start3A_256 = arith.constant 112 : i32
        %dma_start3A_257 = arith.constant 0 : i32
        %dma_start3A_258 = tpu.memref_slice %arg11[%dma_start3A_256, %dma_start3A_257] : memref<128x128xf32, #tpu.memory_space<vmem>> -> memref<16x128xf32, #tpu.memory_space<vmem>>
        %dma_start3A_259 = arith.constant 0 : i32
        %dma_start3A_260 = arith.constant 0 : i32
        %dma_start3A_261 = tpu.memref_slice %arg12[%dma_start3A_259, %dma_start3A_260] : memref<10000x128xf32, #tpu.memory_space<vmem_shared>> -> memref<10000x128xf32, #tpu.memory_space<vmem_shared>>
        tpu.enqueue_indirect_dma source(%dma_start3A_258 : memref<16x128xf32, #tpu.memory_space<vmem>>) target(%dma_start3A_261 : memref<10000x128xf32, #tpu.memory_space<vmem_shared>>) offsets(%get3A_255 : vector<16xi32>) semaphore(%arg16 : memref<!tpu.dma_semaphore, #tpu.memory_space<semaphore_mem>>) {add = true}
        %dma_wait3A_262 = arith.constant 0 : i32
        %dma_wait3A_263 = arith.constant 0 : i32
        %dma_wait3A_264 = tpu.memref_slice %arg4[%dma_wait3A_262, %dma_wait3A_263] : memref<20000x128xf32, #tpu.memory_space<hbm>> -> memref<128x128xf32, #tpu.memory_space<hbm>>
        %dma_wait3A_265 = arith.constant 0 : i32
        %dma_wait3A_266 = arith.constant 0 : i32
        %dma_wait3A_267 = tpu.memref_slice %arg4[%dma_wait3A_265, %dma_wait3A_266] : memref<20000x128xf32, #tpu.memory_space<hbm>> -> memref<128x128xf32, #tpu.memory_space<hbm>>
        tpu.wait_dma2 semaphore(%arg15 : memref<!tpu.dma_semaphore, #tpu.memory_space<semaphore_mem>>) src(%dma_wait3A_267 : memref<128x128xf32, #tpu.memory_space<hbm>>) dst(%arg10 : memref<128x128xf32, #tpu.memory_space<vmem>>)
        %dma_wait3A_268 = arith.constant 0 : i32
        %dma_wait3A_269 = arith.constant 0 : i32
        %dma_wait3A_270 = tpu.memref_slice %arg4[%dma_wait3A_268, %dma_wait3A_269] : memref<20000x128xf32, #tpu.memory_space<hbm>> -> memref<128x128xf32, #tpu.memory_space<hbm>>
        %dma_wait3A_271 = arith.constant 0 : i32
        %dma_wait3A_272 = arith.constant 0 : i32
        %dma_wait3A_273 = tpu.memref_slice %arg4[%dma_wait3A_271, %dma_wait3A_272] : memref<20000x128xf32, #tpu.memory_space<hbm>> -> memref<128x128xf32, #tpu.memory_space<hbm>>
        tpu.wait_dma2 semaphore(%arg16 : memref<!tpu.dma_semaphore, #tpu.memory_space<semaphore_mem>>) src(%dma_wait3A_273 : memref<128x128xf32, #tpu.memory_space<hbm>>) dst(%arg11 : memref<128x128xf32, #tpu.memory_space<vmem>>)
      } else {
      }
    }
    %scan3A_73 = arith.constant 79 : i32
    %barrier3A_74 = arith.constant 0 : index
    tpu.barrier barrier_id(%barrier3A_74)
    %while3A_75 = arith.constant 0 : i32
    %while3A_76 = arith.subi %add3A_19, %while3A_75 : i32
    %while3A_77 = arith.addi %while3A_75, %while3A_76 : i32
    %while3A_78 = arith.constant 1 : i32
    %while3A_79 = arith.divsi %while3A_76, %while3A_78 : i32
    %while3A_80 = arith.muli %while3A_79, %while3A_78 : i32
    %while3A_81 = arith.addi %while3A_75, %while3A_80 : i32
    %while3A_82 = arith.constant 1 : i32
    scf.for %while3A_84 = %while3A_75 to %while3A_81 step %while3A_82  : i32 {
      %mul3A_85 = arith.constant 16 : i32
      %mul3A_86 = arith.muli %while3A_84, %mul3A_85 : i32
      %add3A_87 = arith.addi %arg1, %mul3A_86 : i32
      %mul3A_88 = arith.constant 80 : i32
      %mul3A_89 = arith.muli %add3A_87, %mul3A_88 : i32
      %mul3A_90 = arith.constant 10000 : i32
      %mul3A_91 = arith.muli %arg0, %mul3A_90 : i32
      %add3A_92 = arith.addi %mul3A_91, %mul3A_89 : i32
      "tpu.region"() ({
        %run_scoped3A = tpu.sem_alloc : memref<!tpu.dma_semaphore, #tpu.memory_space<semaphore_mem>>
        %dma_start3A_93 = arith.constant 0 : i32
        %dma_start3A_94 = tpu.memref_slice %arg5[%add3A_92, %dma_start3A_93] : memref<20000x128xf32, #tpu.memory_space<hbm>> -> memref<80x128xf32, #tpu.memory_space<hbm>>
        %dma_start3A_95 = arith.constant 0 : i32
        %dma_start3A_96 = tpu.memref_slice %arg12[%mul3A_89, %dma_start3A_95] : memref<10000x128xf32, #tpu.memory_space<vmem_shared>> -> memref<80x128xf32, #tpu.memory_space<vmem_shared>>
        tpu.enqueue_dma source(%dma_start3A_96 : memref<80x128xf32, #tpu.memory_space<vmem_shared>>) target(%dma_start3A_94 : memref<80x128xf32, #tpu.memory_space<hbm>>) target_semaphore(%run_scoped3A : memref<!tpu.dma_semaphore, #tpu.memory_space<semaphore_mem>>)
        %dma_wait3A_97 = arith.constant 0 : i32
        %dma_wait3A_98 = tpu.memref_slice %arg5[%add3A_92, %dma_wait3A_97] : memref<20000x128xf32, #tpu.memory_space<hbm>> -> memref<80x128xf32, #tpu.memory_space<hbm>>
        %dma_wait3A_99 = arith.constant 0 : i32
        %dma_wait3A_100 = tpu.memref_slice %arg12[%mul3A_89, %dma_wait3A_99] : memref<10000x128xf32, #tpu.memory_space<vmem_shared>> -> memref<80x128xf32, #tpu.memory_space<vmem_shared>>
        tpu.wait_dma2 semaphore(%run_scoped3A : memref<!tpu.dma_semaphore, #tpu.memory_space<semaphore_mem>>) src(%dma_wait3A_100 : memref<80x128xf32, #tpu.memory_space<vmem_shared>>) dst(%dma_wait3A_98 : memref<80x128xf32, #tpu.memory_space<hbm>>)
        tpu.yield
      }) : () -> ()
    }
    %while3A_83 = arith.constant 1 : i32
    scf.for %while3A_84 = %while3A_81 to %while3A_77 step %while3A_83  : i32 {
      %mul3A_85 = arith.constant 16 : i32
      %mul3A_86 = arith.muli %while3A_84, %mul3A_85 : i32
      %add3A_87 = arith.addi %arg1, %mul3A_86 : i32
      %mul3A_88 = arith.constant 80 : i32
      %mul3A_89 = arith.muli %add3A_87, %mul3A_88 : i32
      %mul3A_90 = arith.constant 10000 : i32
      %mul3A_91 = arith.muli %arg0, %mul3A_90 : i32
      %add3A_92 = arith.addi %mul3A_91, %mul3A_89 : i32
      "tpu.region"() ({
        %run_scoped3A = tpu.sem_alloc : memref<!tpu.dma_semaphore, #tpu.memory_space<semaphore_mem>>
        %dma_start3A_93 = arith.constant 0 : i32
        %dma_start3A_94 = tpu.memref_slice %arg5[%add3A_92, %dma_start3A_93] : memref<20000x128xf32, #tpu.memory_space<hbm>> -> memref<80x128xf32, #tpu.memory_space<hbm>>
        %dma_start3A_95 = arith.constant 0 : i32
        %dma_start3A_96 = tpu.memref_slice %arg12[%mul3A_89, %dma_start3A_95] : memref<10000x128xf32, #tpu.memory_space<vmem_shared>> -> memref<80x128xf32, #tpu.memory_space<vmem_shared>>
        tpu.enqueue_dma source(%dma_start3A_96 : memref<80x128xf32, #tpu.memory_space<vmem_shared>>) target(%dma_start3A_94 : memref<80x128xf32, #tpu.memory_space<hbm>>) target_semaphore(%run_scoped3A : memref<!tpu.dma_semaphore, #tpu.memory_space<semaphore_mem>>)
        %dma_wait3A_97 = arith.constant 0 : i32
        %dma_wait3A_98 = tpu.memref_slice %arg5[%add3A_92, %dma_wait3A_97] : memref<20000x128xf32, #tpu.memory_space<hbm>> -> memref<80x128xf32, #tpu.memory_space<hbm>>
        %dma_wait3A_99 = arith.constant 0 : i32
        %dma_wait3A_100 = tpu.memref_slice %arg12[%mul3A_89, %dma_wait3A_99] : memref<10000x128xf32, #tpu.memory_space<vmem_shared>> -> memref<80x128xf32, #tpu.memory_space<vmem_shared>>
        tpu.wait_dma2 semaphore(%run_scoped3A : memref<!tpu.dma_semaphore, #tpu.memory_space<semaphore_mem>>) src(%dma_wait3A_100 : memref<80x128xf32, #tpu.memory_space<vmem_shared>>) dst(%dma_wait3A_98 : memref<80x128xf32, #tpu.memory_space<hbm>>)
        tpu.yield
      }) : () -> ()
    }
    return
  }
}

module attributes {stable_mosaic.version = 14 : i64} {
  func.func @_tc_dense_body(%arg0: i32, %arg1: memref<1000x128xf32, #tpu.memory_space<vmem>>, %arg2: memref<1000x128xf32, #tpu.memory_space<vmem>>, %arg3: memref<128x128xf32, #tpu.memory_space<vmem>>, %arg4: memref<1x128xf32, #tpu.memory_space<vmem>>, %arg5: memref<1000x128xf32, #tpu.memory_space<vmem>>) attributes {dimension_semantics = [#tpu.dimension_semantics<arbitrary>], iteration_bounds = array<i64: 20>, scalar_prefetch = 0 : i64, scratch_operands = 0 : i64, tpu.core_type = #tpu.core_type<tc>, window_params = [{transform_indices = @transform_0, window_bounds = array<i64: 1000, 128>}, {transform_indices = @transform_1, window_bounds = array<i64: 1000, 128>}, {pipeline_mode = #tpu.pipeline_mode<synchronous>, transform_indices = @transform_2, window_bounds = array<i64: 128, 128>}, {pipeline_mode = #tpu.pipeline_mode<synchronous>, transform_indices = @transform_3, window_bounds = array<i64: 1, 128>}, {transform_indices = @transform_4, window_bounds = array<i64: 1000, 128>}]} {
    %get3A = arith.constant 0 : index
    %get3A_0 = arith.constant 0 : index
    %get3A_1 = vector.load %arg1[%get3A, %get3A_0] : memref<1000x128xf32, #tpu.memory_space<vmem>>, vector<1000x128xf32>
    %max3A = arith.constant 0.000000e+00 : f32
    %max3A_2 = vector.broadcast %max3A : f32 to vector<1000x128xf32>
    %max3A_3 = arith.maximumf %get3A_1, %max3A_2 : vector<1000x128xf32>
    %get3A_4 = arith.constant 0 : index
    %get3A_5 = arith.constant 0 : index
    %get3A_6 = vector.load %arg2[%get3A_4, %get3A_5] : memref<1000x128xf32, #tpu.memory_space<vmem>>, vector<1000x128xf32>
    %add3A = arith.addf %max3A_3, %get3A_6 : vector<1000x128xf32>
    %get3A_7 = arith.constant 0 : index
    %get3A_8 = arith.constant 0 : index
    %get3A_9 = vector.load %arg3[%get3A_7, %get3A_8] : memref<128x128xf32, #tpu.memory_space<vmem>>, vector<128x128xf32>
    %dot_general3A = arith.constant dense<0.000000e+00> : vector<1000x128xf32>
    %dot_general3A_10 = tpu.matmul %add3A, %get3A_9, %dot_general3A {dimension_numbers = #tpu.dot_dimension_numbers<[1], [0], [0], [1], [0, 0, 1, 1], [], []>, transpose_lhs_hint = false} : vector<1000x128xf32>, vector<128x128xf32>, vector<1000x128xf32> -> vector<1000x128xf32>
    %mul3A = arith.constant 2.000000e+00 : f32
    %mul3A_11 = vector.broadcast %mul3A : f32 to vector<1000x128xf32>
    %mul3A_12 = arith.mulf %mul3A_11, %dot_general3A_10 : vector<1000x128xf32>
    %get3A_13 = arith.constant 0 : index
    %get3A_14 = arith.constant 0 : index
    %get3A_15 = vector.load %arg4[%get3A_13, %get3A_14] : memref<1x128xf32, #tpu.memory_space<vmem>>, vector<1x128xf32>
    %add3A_16 = vector.broadcast %get3A_15 : vector<1x128xf32> to vector<1000x128xf32>
    %add3A_17 = arith.addf %mul3A_12, %add3A_16 : vector<1000x128xf32>
    %max3A_18 = arith.constant 0.000000e+00 : f32
    %max3A_19 = vector.broadcast %max3A_18 : f32 to vector<1000x128xf32>
    %max3A_20 = arith.maximumf %add3A_17, %max3A_19 : vector<1000x128xf32>
    %swap3A = arith.constant 0 : index
    %swap3A_21 = arith.constant 0 : index
    %swap3A_22 = vector.load %arg5[%swap3A, %swap3A_21] : memref<1000x128xf32, #tpu.memory_space<vmem>>, vector<1000x128xf32>
    tpu.vector_store %arg5[%swap3A, %swap3A_21], %max3A_20 {strides = array<i32>} : memref<1000x128xf32, #tpu.memory_space<vmem>>, vector<1000x128xf32>,
    return
  }
  func.func @transform_0(%arg0: i32) -> (i32, i32) {
    %c0_i32 = arith.constant 0 : i32
    %c0_i32_0 = arith.constant 0 : i32
    return %arg0, %c0_i32 : i32, i32
  }
  func.func @transform_1(%arg0: i32) -> (i32, i32) {
    %c0_i32 = arith.constant 0 : i32
    %c0_i32_0 = arith.constant 0 : i32
    return %arg0, %c0_i32 : i32, i32
  }
  func.func @transform_2(%arg0: i32) -> (i32, i32) {
    %c0_i32 = arith.constant 0 : i32
    %c0_i32_0 = arith.constant 0 : i32
    %c0_i32_1 = arith.constant 0 : i32
    return %c0_i32, %c0_i32_0 : i32, i32
  }
  func.func @transform_3(%arg0: i32) -> (i32, i32) {
    %c0_i32 = arith.constant 0 : i32
    %c0_i32_0 = arith.constant 0 : i32
    %c0_i32_1 = arith.constant 0 : i32
    return %c0_i32, %c0_i32_0 : i32, i32
  }
  func.func @transform_4(%arg0: i32) -> (i32, i32) {
    %c0_i32 = arith.constant 0 : i32
    %c0_i32_0 = arith.constant 0 : i32
    return %arg0, %c0_i32 : i32, i32
  }
}

</mosaic_0001>

<sc_bundles>
// kernel: kernel.4.cloned.1.call-start
scs
__scs_entry_jumppad:
0x0: {  	(pc) =	sbr.rel $0x88, $3  }
0x1: {  	(tag) =	ssettag $0x0;
	lr =	simm.s32 $0x1  }
0x2: {  	[smem:$0x3F99] =	sst lr;
	_ =	strace $0xD0000000  }
0x3: {  	_ = 	snop  }
0x4: {  	_ = 	snop  }
0x5: {  	_ = 	snop  }
0x6: {  	_ = 	snop  }
0x7: {  	_ = 	snop  }
__scs_overlays_trampoline_lowered:
0x8: {  	[smem:$0x3FA8] =	sst s0  }
0x9: {  	[smem:$0x3FA9] =	sst s1  }
0xa: {  	[smem:$0x3FAA] =	sst s2  }
0xb: {  	[smem:$0x3FAB] =	sst s3  }
0xc: {  	[smem:$0x3FAC] =	sst s4  }
0xd: {  	[smem:$0x3FAD] =	sst s5  }
0xe: {  	[smem:$0x3FAE] =	sst s6  }
0xf: {  	[smem:$0x3FAF] =	sst s7  }
0x10: {  	[smem:$0x3FB0] =	sst s8  }
0x11: {  	[smem:$0x3FB1] =	sst s9;
	s0 =	simm.s32 @!p0 $0x0  }
0x12: {  	s1 =	sld [smem:$0x3F97];
	s0 =	simm.s32 @p0 $0x1  }
0x13: {  	[smem:$0x3FB2] =	sst s0;
	s0 =	simm.s32 @!p1 $0x0  }
0x14: {  	s2 =	sld [smem:$0x3F96];
	s0 =	simm.s32 @p1 $0x1  }
0x15: {  	[smem:$0x3FB3] =	sst s0;
	s0 =	simm.s32 @!p2 $0x0  }
0x16: {  	s3 =	sld [smem:$0x3FDB];
	s0 =	simm.s32 @p2 $0x1  }
0x17: {  	s4 =	simm.s32 $0x1BF5;
	[smem:$0x3FB5] =	sst s0  }
0x18: {  	s0 =	sld [smem:$0x3F98];
	_ =	swait.ge [sflag:s4], $0x0  }
0x19: {  	s7 =	sld [smem:$0x3F99]  }
0x1a: {  	s8 =	sadd.s32 $0xFFFFE003, lr  }
0x1b: {  	s9 =	sadd.s32 $0xFFFFFEF7, lr;
	s5 =	simm.s32 $0xFFFFFFFF;
	p2 =	slt.u32 s8, $0xFFFFF086  }
0x1c: {  	p1 =	slt.u32 s9, $0xF7A;
	s5 =	simm.s32 @!p2 $0x0  }
0x1d: {  	s5 =	simm.s32 @p1 $0x1;
	p0 =	seq.s32 s7, s2  }
0x1e: {  	s7 =	smul.u32 @!p0 $0xF7A, s2;
	p2 =	seq.s32 @!p0 s5, $0x0  }
0x1f: {  	s9 =	smul.u32 $0xF7A, s1;
	s8 =	simm.s32 @!p0 $0x1BF5;
	p2 =	por !p2, p0  }
0x20: {  	[sflag:s8] =	ssyncset.s32 @!p0 $0xFFFFF086;
	s6 =	sadd.s32 @!p0 s3, s7;
	s7 =	simm.s32 @!p0 $0x108  }
0x21: {  	s3 =	sadd.s32 s3, s9;
	s6 =	sadd.s32 @!p0 $0x88, s6;
	s7 =	simm.s32 @p2 $0x1082  }
0x22: {  	[simem:s7], [sflag:s8] =	dma.local @!p0 [hbm:s6], $0xF7A  }
0x23: {  	s9 =	sor.u32 $0xD0000000, s2;
	s6 =	simm.s32 $0x108;
	_ =	swait.ge @!p0 [sflag:s8], $0x0  }
0x24: {  	s3 =	sadd.s32 $0x88, s3;
	s6 =	simm.s32 @!p1 $0x1082;
	[sflag:s4] =	ssyncset.s32 $0xFFFFF086  }
0x25: {  	[simem:s6], [sflag:s4] =	dma.local [hbm:s3], $0xF7A  }
0x26: {  	[smem:$0x3F99] =	sst s1;
	(tag) =	ssettag s2;
	_ =	strace s9  }
0x27: {  	s1 =	sld [smem:$0x3FA9]  }
0x28: {  	s2 =	sld [smem:$0x3FAA]  }
0x29: {  	s4 =	sld [smem:$0x3FAC]  }
0x2a: {  	p0 =	seq.s32 s5, $0x0;
	s5 =	sld [smem:$0x3FAD]  }
0x2b: {  	s6 =	sld [smem:$0x3FAE]  }
0x2c: {  	s7 =	sld [smem:$0x3FAF]  }
0x2d: {  	s3 =	simm.s32 $0x108;
	s8 =	sld [smem:$0x3FB0]  }
0x2e: {  	s3 =	simm.s32 @!p0 $0x1082;
	s9 =	sld [smem:$0x3FB1]  }
0x2f: {  	lr =	sadd.s32 s0, s3;
	s0 =	sld [smem:$0x3FA8]  }
0x30: {  	s3 =	sld [smem:$0x3FAB]  }
0x31: {  	[smem:$0x3FB4] =	sst s10  }
0x32: {  	s10 =	sld [smem:$0x3FB2];
	_ =	sdelay $0x3  }
0x33: {  	p0 =	seq.s32 s10, $0x1;
	s10 =	sld [smem:$0x3FB4];
	_ =	sdelay $0x3  }
0x34: {  	[smem:$0x3FB4] =	sst s10  }
0x35: {  	s10 =	sld [smem:$0x3FB3];
	_ =	sdelay $0x3  }
0x36: {  	p1 =	seq.s32 s10, $0x1;
	s10 =	sld [smem:$0x3FB4];
	_ =	sdelay $0x3  }
0x37: {  	[smem:$0x3FB4] =	sst s10  }
0x38: {  	s10 =	sld [smem:$0x3FB5]  }
0x39: {  	_ = 	snop;
	(pc) =	sbr.ind lr, $3  }
0x3a: {  	_ = 	snop  }
0x3b: {  	_ = 	snop  }
0x3c: {  	p2 =	seq.s32 s10, $0x1;
	s10 =	sld [smem:$0x3FB4]  }
0x3d: {  	_ =	shalt  }
0x3e: {  	_ =	shalt  }
0x3f: {  	_ =	shalt  }
0x40: {  	_ =	shalt  }
0x41: {  	_ =	shalt  }
0x42: {  	_ =	shalt  }
0x43: {  	_ =	shalt  }
0x44: {  	_ =	shalt  }
0x45: {  	_ =	shalt  }
0x46: {  	_ =	shalt  }
0x47: {  	_ =	shalt  }
0x48: {  	_ =	shalt  }
0x49: {  	_ =	shalt  }
0x4a: {  	_ =	shalt  }
0x4b: {  	_ =	shalt  }
0x4c: {  	_ =	shalt  }
0x4d: {  	_ =	shalt  }
0x4e: {  	_ =	shalt  }
0x4f: {  	_ =	shalt  }
0x50: {  	_ =	shalt  }
0x51: {  	_ =	shalt  }
0x52: {  	_ =	shalt  }
0x53: {  	_ =	shalt  }
0x54: {  	_ =	shalt  }
0x55: {  	_ =	shalt  }
0x56: {  	_ =	shalt  }
0x57: {  	_ =	shalt  }
0x58: {  	_ =	shalt  }
0x59: {  	_ =	shalt  }
0x5a: {  	_ =	shalt  }
0x5b: {  	_ =	shalt  }
0x5c: {  	_ =	shalt  }
0x5d: {  	_ =	shalt  }
0x5e: {  	_ =	shalt  }
0x5f: {  	_ =	shalt  }
0x60: {  	_ =	shalt  }
0x61: {  	_ =	shalt  }
0x62: {  	_ =	shalt  }
0x63: {  	_ =	shalt  }
0x64: {  	_ =	shalt  }
0x65: {  	_ =	shalt  }
0x66: {  	_ =	shalt  }
0x67: {  	_ =	shalt  }
0x68: {  	_ =	shalt  }
0x69: {  	_ =	shalt  }
0x6a: {  	_ =	shalt  }
0x6b: {  	_ =	shalt  }
0x6c: {  	_ =	shalt  }
0x6d: {  	_ =	shalt  }
0x6e: {  	_ =	shalt  }
0x6f: {  	_ =	shalt  }
0x70: {  	_ =	shalt  }
0x71: {  	_ =	shalt  }
0x72: {  	_ =	shalt  }
0x73: {  	_ =	shalt  }
0x74: {  	_ =	shalt  }
0x75: {  	_ =	shalt  }
0x76: {  	_ =	shalt  }
0x77: {  	_ =	shalt  }
0x78: {  	_ =	shalt  }
0x79: {  	_ =	shalt  }
0x7a: {  	_ =	shalt  }
0x7b: {  	_ =	shalt  }
0x7c: {  	_ =	shalt  }
0x7d: {  	_ =	shalt  }
0x7e: {  	_ =	shalt  }
0x7f: {  	_ =	shalt  }
0x80: {  	_ =	shalt  }
0x81: {  	_ =	shalt  }
0x82: {  	_ =	shalt  }
0x83: {  	_ =	shalt  }
0x84: {  	_ =	shalt  }
0x85: {  	_ =	shalt  }
0x86: {  	_ =	shalt  }
0x87: {  	_ =	shalt  }
.Lfunc_end0:
.L_simem_size_0:
called_computation_lowered:
.L_overlay_start_0:
0x88: {  	s2 =	sld [smem:$0x3FD9]  }
0x89: {  	s3 =	sld [smem:$0x3FFE];
	_ =	sdelay $0x1  }
0x8a: {  	s1 =	srdreg.scid  }
0x8b: {  	s0 =	sand.u32 $0x1, s1  }
0x8c: {  	s17 =	sshll.u32 s0, $0xA;
	s2 =	sadd.s32 s3, s2  }
0x8d: {  	s2 =	sadd.s32 s2, s17  }
0x8e: {  	[smem:$0x3FC0] =	sst s2  }
0x8f: {  	_ = 	snop  }
0x90: {  	s2 =	sld [smem:$0x3FD0];
	(tm) =	ssettm $0x1  }
0x91: {  	s18 =	sld [smem:$0x3FFB];
	_ =	sdelay $0x3  }
0x92: {  	_ =	strace s18  }
0x93: {  	s3 =	sld [smem:$0x3FFC];
	_ =	sdelay $0x3  }
0x94: {  	_ =	strace s3  }
0x95: {  	s3 =	sld [smem:$0x3FFD];
	_ =	sdelay $0x3  }
0x96: {  	_ =	strace s3  }
0x97: {  	_ =	strace $0x8FFFFFFF  }
0x98: {  	s19 =	sld [smem:$0x3FDB];
	_ =	sdelay $0x1  }
0x99: {  	s4 =	simm.s32 $_scs_section_size  }
0x9a: {  	s5 =	simm.s32 $_size__tile_overlayer_lowered;
	s6 =	simm.s32 $_tile_overlayer_lowered  }
0x9b: {  	s22 =	simm.s32 $0x1BFF;
	s21 =	sshll.u32 s6, $0x1;
	s3 =	sadd.s32 s4, s19  }
0x9c: {  	s7 =	simm.s32 $0x0;
	s20 =	sshll.u32 s5, $0x1;
	s5 =	sadd.s32 s21, s3  }
0x9d: {  	[timem:s7], [sflag:s22] =	dma.local [hbm:s5], s20  }
0x9e: {  	_ =	swait.ge [sflag:s22], s20  }
0x9f: {  	s4 =	ssub.s32 $0x0, s20;
	[sflag:s22] =	ssyncset.done $0x0  }
0xa0: {  	[sflag:s22] =	ssyncadd.s32 s4;
	_ =	sdelay $0x1  }
0xa1: {  	s23 =	simm.s32 $0x1B8B  }
0xa2: {  	_ =	swait.ge [sflag:s23], $0x1  }
0xa3: {  	[sflag:s23] =	ssyncset.done $0x0  }
0xa4: {  	s25 =	simm.s32 $0x1B8E;
	s24 =	sld [smem:$0x3FFE];
	[sflag:s23] =	ssyncadd.s32 $0xFFFFFFFF  }
0xa5: {  	s26 =	simm.s32 $execute0_lowered;
	[smem:$0x3FD2] =	sst s25  }
0xa6: {  	s5 =	sshll.u32 s26, $0x1;
	_ =	strace $0x80000046;
	[dreg:$0x1] =	wrdreg $0xFFFFFFFF  }
0xa7: {  	s28 =	simm.s32 $_size_execute0_lowered;
	s3 =	sadd.s32 s3, s5;
	[dreg:$0x0] =	wrdreg $0x0  }
0xa8: {  	s5 =	sshll.u32 s28, $0x1;
	[dreg:$0x2] =	wrdreg s3  }
0xa9: {  	[dreg:$0x3] =	wrdreg s5  }
0xaa: {  	[dreg:$0x4] =	wrdreg $0xC0  }
0xab: {  	_ =	task [dreg:s7], $0x5FFFF  }
0xac: {  	[dreg:$0x1] =	wrdreg $0xFFFFFFFF  }
0xad: {  	[dreg:$0x0] =	wrdreg $0x60  }
0xae: {  	[dreg:$0x2] =	wrdreg s24  }
0xaf: {  	[dreg:$0x3] =	wrdreg s2  }
0xb0: {  	[dreg:$0x4] =	wrdreg $0x83000  }
0xb1: {  	[dreg:$0x5] =	wrdreg $0x9  }
0xb2: {  	_ =	task.clear_ibuf [dreg:s7], $0x6FFFF;
	_ =	strace $0x90000046  }
0xb3: {  	s29 =	simm.s32 $0x9;
	_ =	strace $0x80000048  }
0xb4: {  	_ =	swait.ge [sflag:s29], $0x1  }
0xb5: {  	[sflag:s29] =	ssyncadd.s32 $0xFFFFFFFF  }
0xb6: {  	_ =	strace $0x90000048  }
0xb7: {  	_ =	sfence  }
0xb8: {  	s30 =	sld [smem:$0x0];
	_ =	sdelay $0x2  }
0xb9: {  	s31 =	sshll.u32 s1, $0xD;
	s1 =	sshrl.u32 s1, $0x2  }
0xba: {  	s3 =	sand.u32 $0x4000, s31;
	s1 =	sadd.s32 s1, s30  }
0xbb: {  	s0 =	sor.u32 s3, s0;
	s1 =	sshll.u32 s1, $0x11  }
0xbc: {  	s0 =	sor.u32 s1, s0  }
0xbd: {  	s0 =	sadd.s32 $0x8F2B, s0  }
0xbe: {  	[sflag:s0] =	ssyncadd.remote.s32 $0x1  }
0xbf: {  	_ =	sfence.sel $0xFFFF  }
0xc0: {  	[dreg:$0x0] =	wrdreg $0xFFFFFFFF;
	(pc) =	sbr.abs _section_cstart, $3  }
0xc1: {  	[dreg:$0x1] =	wrdreg $0xFFFFFFFF  }
0xc2: {  	_ =	task.clear_ibuf [dreg:s7], $0x2FFFF;
	_ =	strace $0x9FFFFFFF  }
0xc3: {  	(tm) =	ssettm $0x7FFFFFFF  }
tec
execute0_lowered:
.L_overlay_start_1:
0x0: {  	(tag) =	ssettag $0x1  }
0x1: {  	s0 =	rddreg [dreg:$0x0]  }
0x2: {  	s1 =	rddreg [dreg:$0x1]  }
0x3: {  	s2 =	rddreg [dreg:$0x2]  }
0x4: {  	s3 =	simm.s32 $0x0;
	s4 =	srdreg.scid;
	s11 =	stileid.u32  }
0x5: {  	s17 =	simm.s32 $0x300;
	s18 =	simm.s32 $0x6;
	s20 =	simm.s32 $0x100  }
0x6: {  	s22 =	simm.s32 $0x5;
	s23 =	simm.s32 $0x80;
	s14 =	simm.s32 $0x7300  }
0x7: {  	s15 =	simm.s32 $0x7B00;
	s19 =	simm.s32 $0x3;
	[smem:$0x7FF] =	sst s3  }
0x8: {  	s4 =	sand.u32 $0x1, s4;
	s5 =	sadd.s32 $0x15000, s0;
	s13 =	smul.u32 $0xA000, s11  }
0x9: {  	s25 =	ssub.s32 $0x7C, s11;
	s30 =	smul.u32 $0x500, s11;
	s6 =	sshll.u32 s4, $0x4  }
0xa: {  	_ =	strace $0x80000047;
	s7 =	smul.u32 $0x27100, s4;
	s8 =	sor.u32 s11, s6  }
0xb: {  	s4 =	ssub.s32 $0x2, s4;
	s6 =	sadd.s32 $0x1400, s0;
	s9 =	smul.u32 $0x13C0, s8  }
0xc: {  	s24 =	sshrl.u32 s4, $0x1;
	s31 =	sshrl.u32 s13, $0x2;
	s10 =	smul.u32 $0x9E, s8  }
0xd: {  	s0 =	sadd.s32 s7, s0;
	s4 =	ssub.s32 s4, s24;
	s8 =	smul.u32 $0x9E0, s8  }
0xe: {  	s7 =	sshrl.u32 s25, $0x4;
	s13 =	sadd.s32 s31, s2;
	s24 =	simm.s32 $0x4300  }
0xf: {  	s4 =	smax.u32 s4, $0x1;
	s0 =	sadd.s32 s30, s0;
	[dreg:$0xa] =	wrdreg s13  }
0x10: {  	s9 =	sadd.s32 s5, s9;
	s26 =	sor.u32 $0x1, s10;
	[dreg:$0x8] =	wrdreg s4  }
0x11: {  	s8 =	sadd.s32 s6, s8;
	s11 =	sadd.s32 $0x2, s10;
	[dreg:$0x4] =	wrdreg s9  }
0x12: {  	s12 =	sadd.s32 $0x3, s10;
	s0 =	sadd.s32 $0x3C800, s0;
	[dreg:$0x5] =	wrdreg s8  }
0x13: {  	s10 =	sadd.s32 $0x1, s7;
	s28 =	sshll.u32 s26, $0x5;
	[dreg:$0xb] =	wrdreg s0  }
0x14: {  	s29 =	sshll.u32 s26, $0x4;
	[dreg:$0x9] =	wrdreg s10;
	s8 =	sadd.s32 s5, s28  }
0x15: {  	s25 =	simm.s32 $0x1;
	[dreg:$0x6] =	wrdreg s8;
	s8 =	sadd.s32 s6, s29  }
0x16: {  	v0 =	vimm.f32 $0.0e+00;
	vm0 =	vmmov $0xffff;
	s7 =	simm.s32 $0x2;
	s4 =	simm.s32 $0x0;
	[dreg:$0x7] =	wrdreg s8  }
.LBB2_1:
0x17: {  	[dreg:$0xc] =	wrdreg s4;
	s0 =	simm.s32 $0x0;
	s4 =	simm.s32 $0x200  }
.LBB2_2:
0x18: {  	p0 =	sne.s32 s4, $0x9E00;
	[tilespmem:s0+$0x370] =	vst v0  }
0x19: {  	[tilespmem:s0+$0x300] =	vst v0  }
0x1a: {  	[tilespmem:s0+$0x310] =	vst v0  }
.Ltmp0:
0x1b: {  	[tilespmem:s0+$0x320] =	vst v0;
	(pc) =	sbr.rel @p0 .LBB2_2-.Ltmp0, $4  }
0x1c: {  	[tilespmem:s0+$0x330] =	vst v0  }
0x1d: {  	[tilespmem:s0+$0x340] =	vst v0  }
0x1e: {  	[tilespmem:s0+$0x350] =	vst v0  }
0x1f: {  	[tilespmem:s0+$0x360] =	vst v0;
	s0 =	sshra.s32 s4, $0x2;
	s4 =	sadd.s32 $0x200, s4  }
0x20: {  	[tilespmem:s0+$0x370] =	vst v0  }
0x21: {  	[tilespmem:s0+$0x300] =	vst v0  }
0x22: {  	[tilespmem:s0+$0x310] =	vst v0  }
0x23: {  	[tilespmem:s0+$0x320] =	vst v0  }
0x24: {  	[tilespmem:s0+$0x330] =	vst v0  }
0x25: {  	[tilespmem:s0+$0x340] =	vst v0;
	p0 =	sne.s32 s10, $0x1  }
.Ltmp1:
0x26: {  	[tilespmem:s0+$0x350] =	vst v0;
	(pc) =	sbr.rel @!p0 .LBB2_5-.Ltmp1, $4  }
0x27: {  	[tilespmem:s0+$0x360] =	vst v0  }
0x28: {  	[spmem:s13] =	stream.linear.scatter [tilespmem:s17], [sflag:$0x6], $0x2800, $0x38;
	[tilespmem:$0x1BB80] =	vst v63  }
0x29: {  	_ =	swait.ge [sflag:s18], $0x2800  }
0x2a: {  	s0 =	sadd.s32 $0xFFFFFFFF, s10;
	s4 =	smov.u32 s13;
	[sflag:s18] =	ssyncset.done $0x0  }
.LBB2_4:
0x2b: {  	p1 =	sne.s32 s0, $0x1;
	[sflag:s18] =	ssyncadd.s32 $0xFFFFD800;
	s4 =	sadd.s32 $0x28000, s4  }
.Ltmp2:
0x2c: {  	s0 =	sadd.s32 $0xFFFFFFFF, s0;
	(pc) =	sbr.rel @p1 .LBB2_4-.Ltmp2, $4  }
0x2d: {  	_ = 	snop  }
0x2e: {  	[spmem:s4] =	stream.linear.scatter [tilespmem:s17], [sflag:$0x6], $0x2800, $0x38;
	[tilespmem:$0x1BB80] =	vst v63  }
0x2f: {  	_ =	swait.ge [sflag:s18], $0x2800  }
0x30: {  	[sflag:s18] =	ssyncset.done $0x0  }
.LBB2_5:
0x31: {  	[sflag:s18] =	ssyncadd.s32 $0xFFFFD800  }
0x32: {  	[bflag:$0x0] =	sbarrier.arrive $0xFFFF  }
0x33: {  	s21 =	simm.s32 $0x0;
	s0 =	rddreg [dreg:$0x4]  }
0x34: {  	[tilespmem:s21], [sflag:$0x5] =	stream.linear.gather [hbm4b:s0+s21], $0x100, $0x38;
	[tilespmem:$0x1BB80] =	vst v63  }
0x35: {  	s4 =	simm.s32 $0x200;
	s28 =	rddreg [dreg:$0x5]  }
0x36: {  	[tilespmem:s4], [sflag:$0x5] =	stream.linear.gather [hbm4b:s28+s21], $0x80, $0x38;
	[tilespmem:$0x1BB80] =	vst v63  }
0x37: {  	s29 =	rddreg [dreg:$0x6]  }
0x38: {  	[tilespmem:s20], [sflag:$0x5] =	stream.linear.gather [hbm4b:s29+s21], $0x100, $0x38;
	[tilespmem:$0x1BB80] =	vst v63  }
0x39: {  	s31 =	simm.s32 $0x280;
	s30 =	rddreg [dreg:$0x7]  }
0x3a: {  	[tilespmem:s31], [sflag:$0x5] =	stream.linear.gather [hbm4b:s30+s21], $0x80, $0x38;
	[tilespmem:$0x1BB80] =	vst v63  }
0x3b: {  	_ =	swait.ge [sflag:s22], $0x100  }
0x3c: {  	[sflag:s22] =	ssyncset.done $0x0  }
0x3d: {  	[sflag:s22] =	ssyncadd.s32 $0xFFFFFF00  }
0x3e: {  	_ =	swait.ge [sflag:s22], $0x80  }
0x3f: {  	[sflag:s22] =	ssyncset.done $0x0  }
0x40: {  	[sflag:s22] =	ssyncadd.s32 $0xFFFFFF80  }
0x41: {  	_ =	swait.ge [sflag:s22], $0x100  }
0x42: {  	[sflag:s22] =	ssyncset.done $0x0  }
0x43: {  	[sflag:s22] =	ssyncadd.s32 $0xFFFFFF00  }
0x44: {  	_ =	swait.ge [sflag:s22], $0x80  }
0x45: {  	[sflag:s22] =	ssyncset.done $0x0  }
0x46: {  	s26 =	simm.s32 $0x0;
	[sflag:s22] =	ssyncadd.s32 $0xFFFFFF80  }
0x47: {  	[tilespmem:s17], [sflag:$0x1] =	stream.indirect.gather [hbm4b:s1+s23], $0x80, s21, s23, $0xb8;
	[tilespmem:$0x1BB80] =	vst v63  }
.LBB2_6:
0x48: {  	p1 =	seq.s32 s26, $0x0  }
0x49: {  	s0 =	simm.s32 @!p1 $0x4  }
0x4a: {  	_ =	swait.ge @!p1 [sflag:s0], $0x4000  }
0x4b: {  	[sflag:s0] =	ssyncset.done @!p1 $0x0  }
0x4c: {  	[sflag:s0] =	ssyncadd.s32 @!p1 $0xFFFFC000  }
0x4d: {  	[tilespmem:s24], [sflag:$0x2] =	stream.indirect.gather [hbm4b:s1+s23], $0x80, s20, s23, $0xb8;
	[tilespmem:$0x1BB80] =	vst v63  }
0x4e: {  	_ =	swait.ge [sflag:s25], $0x4000  }
0x4f: {  	s16 =	simm.s32 $0x0;
	[sflag:s25] =	ssyncset.done $0x0  }
0x50: {  	s4 =	sand.u32 $0x70, s16;
	[sflag:s25] =	ssyncadd.s32 $0xFFFFC000  }
0x51: {  	s29 =	simm.s32 $0x500;
	v1 =	vld [tilespmem:s4+$0x200]  }
0x52: {  	v3 =	vld [tilespmem:s29+$0x1F0]  }
0x53: {  	v4 =	vld [tilespmem:s29+$0xFFFFFE00]  }
0x54: {  	v5 =	vld [tilespmem:s29+$0xFFFFFE10]  }
0x55: {  	v6 =	vld [tilespmem:s29+$0xFFFFFE20]  }
0x56: {  	s8 =	sand.u32 $0xFFFFFFF0, s21;
	v7 =	vld [tilespmem:s29+$0xFFFFFE30]  }
0x57: {  	s9 =	ssub.s32 $0xFFFFFFF8, s8;
	v8 =	vld [tilespmem:s29+$0xFFFFFE40]  }
0x58: {  	s28 =	sadd.s32 $0xF, s9;
	v9 =	vld [tilespmem:s29+$0xFFFFFE50]  }
0x59: {  	v2 =	vmov s28;
	s0 =	sand.u32 $0x8, s16;
	v10 =	vld [tilespmem:s29+$0xFFFFFE60]  }
0x5a: {  	v11 =	vmov s0;
	v12 =	vld [tilespmem:s29+$0xFFFFFE70];
	v2 =	vperm.xlane v1, v2  }
0x5b: {  	v13 =	vld [tilespmem:s29+$0xFFFFFE80];
	v11 =	vperm.xlane v1, v11  }
0x5c: {  	v14 =	vld [tilespmem:s29+$0xFFFFFE90];
	v3 =	vmul.f32 v3, v2  }
0x5d: {  	s31 =	simm.s32 $0x900;
	v15 =	vld [tilespmem:s29+$0xFFFFFEA0];
	v4 =	vmul.f32 v4, v11  }
0x5e: {  	v17 =	vld [tilespmem:s31+$0x140];
	v6 =	vmul.f32 v6, v11;
	[tilespmem:s29+$0x1F0] =	vst v3  }
0x5f: {  	v63 =	vld [tilespmem:s31+$0x160];
	v7 =	vmul.f32 v7, v11;
	[tilespmem:s29+$0xFFFFFE00] =	vst v4  }
0x60: {  	s10 =	ssub.s32 $0x0, s8;
	v8 =	vmul.f32 v8, v11;
	v3 =	vmul.f32 v5, v11;
	v5 =	vld [tilespmem:s29+$0xFFFFFEB0];
	[tilespmem:s29+$0xFFFFFE20] =	vst v6  }
0x61: {  	s8 =	sadd.s32 $0x1, s10;
	v9 =	vmul.f32 v9, v11;
	v4 =	vld [tilespmem:s29+$0xFFFFFEC0];
	[tilespmem:s29+$0xFFFFFE30] =	vst v7  }
0x62: {  	v16 =	vmov s8;
	v10 =	vmul.f32 v10, v11;
	v6 =	vld [tilespmem:s29+$0xFFFFFEE0];
	[tilespmem:s29+$0xFFFFFE40] =	vst v8  }
0x63: {  	v16 =	vperm.xlane v1, v16;
	v7 =	vld [tilespmem:s29+$0xFFFFFEF0];
	[tilespmem:s29+$0xFFFFFE50] =	vst v9  }
0x64: {  	v8 =	vld [tilespmem:s29+$0xFFFFFF00];
	v11 =	vmul.f32 v12, v11;
	[tilespmem:s29+$0xFFFFFE60] =	vst v10  }
0x65: {  	v9 =	vld [tilespmem:s29+$0xFFFFFF10];
	v12 =	vmul.f32 v13, v16;
	[tilespmem:s29+$0xFFFFFE10] =	vst v3  }
0x66: {  	v10 =	vld [tilespmem:s29+$0xFFFFFF20];
	v13 =	vmul.f32 v14, v16;
	[tilespmem:s29+$0xFFFFFE70] =	vst v11  }
0x67: {  	v14 =	vmul.f32 v15, v16;
	v3 =	vld [tilespmem:s29+$0xFFFFFED0];
	[tilespmem:s29+$0xFFFFFE80] =	vst v12  }
0x68: {  	s13 =	sadd.s32 $0x2, s10;
	v11 =	vld [tilespmem:s29+$0xFFFFFF30];
	[tilespmem:s29+$0xFFFFFE90] =	vst v13;
	v5 =	vmul.f32 v5, v16  }
0x69: {  	v15 =	vmov s13;
	v12 =	vld [tilespmem:s29+$0xFFFFFF40];
	[tilespmem:s29+$0xFFFFFEA0] =	vst v14;
	v4 =	vmul.f32 v4, v16  }
0x6a: {  	v15 =	vperm.xlane v1, v15;
	v13 =	vld [tilespmem:s29+$0xFFFFFF50];
	v6 =	vmul.f32 v6, v16;
	[tilespmem:s29+$0xFFFFFEB0] =	vst v5  }
0x6b: {  	v14 =	vld [tilespmem:s29+$0xFFFFFF60];
	v7 =	vmul.f32 v7, v16;
	[tilespmem:s29+$0xFFFFFEC0] =	vst v4  }
0x6c: {  	v8 =	vmul.f32 v8, v15;
	v5 =	vld [tilespmem:s29+$0xFFFFFF70];
	[tilespmem:s29+$0xFFFFFEE0] =	vst v6  }
0x6d: {  	v9 =	vmul.f32 v9, v15;
	v4 =	vld [tilespmem:s29+$0xFFFFFF80];
	[tilespmem:s29+$0xFFFFFEF0] =	vst v7  }
0x6e: {  	v10 =	vmul.f32 v10, v15;
	v6 =	vld [tilespmem:s29+$0xFFFFFFA0];
	[tilespmem:s29+$0xFFFFFF00] =	vst v8  }
0x6f: {  	v3 =	vmul.f32 v3, v16;
	v7 =	vld [tilespmem:s29+$0xFFFFFFB0];
	[tilespmem:s29+$0xFFFFFF10] =	vst v9  }
0x70: {  	v8 =	vld [tilespmem:s29+$0xFFFFFFC0];
	v11 =	vmul.f32 v11, v15;
	[tilespmem:s29+$0xFFFFFF20] =	vst v10  }
0x71: {  	s16 =	sadd.s32 $0xB, s9;
	v9 =	vld [tilespmem:s29+$0xFFFFFFD0];
	v12 =	vmul.f32 v12, v15;
	[tilespmem:s29+$0xFFFFFED0] =	vst v3  }
0x72: {  	v58 =	vmov s16;
	v10 =	vld [tilespmem:s29+$0xFFFFFFE0];
	v13 =	vmul.f32 v13, v15;
	[tilespmem:s29+$0xFFFFFF30] =	vst v11  }
0x73: {  	v16 =	vperm.xlane v1, v58;
	v14 =	vmul.f32 v14, v15;
	v3 =	vld [tilespmem:s29+$0xFFFFFF90];
	[tilespmem:s29+$0xFFFFFF40] =	vst v12  }
0x74: {  	v11 =	vld [tilespmem:s29+$0xFFFFFFF0];
	[tilespmem:s29+$0xFFFFFF50] =	vst v13;
	v5 =	vmul.f32 v5, v15  }
0x75: {  	v12 =	vld [tilespmem:s29+$0x0];
	[tilespmem:s29+$0xFFFFFF60] =	vst v14;
	v4 =	vmul.f32 v4, v16  }
0x76: {  	v13 =	vld [tilespmem:s29+$0x10];
	v6 =	vmul.f32 v6, v16;
	[tilespmem:s29+$0xFFFFFF70] =	vst v5  }
0x77: {  	v14 =	vld [tilespmem:s29+$0x20];
	v7 =	vmul.f32 v7, v16;
	[tilespmem:s29+$0xFFFFFF80] =	vst v4  }
0x78: {  	v8 =	vmul.f32 v8, v16;
	v5 =	vld [tilespmem:s29+$0x30];
	[tilespmem:s29+$0xFFFFFFA0] =	vst v6  }
0x79: {  	s4 =	sadd.s32 $0xC, s9;
	v9 =	vmul.f32 v9, v16;
	v4 =	vld [tilespmem:s29+$0x40];
	[tilespmem:s29+$0xFFFFFFB0] =	vst v7  }
0x7a: {  	v15 =	vmov s4;
	v10 =	vmul.f32 v10, v16;
	v6 =	vld [tilespmem:s29+$0x60];
	[tilespmem:s29+$0xFFFFFFC0] =	vst v8  }
0x7b: {  	v15 =	vperm.xlane v1, v15;
	v3 =	vmul.f32 v3, v16;
	v7 =	vld [tilespmem:s29+$0x70];
	[tilespmem:s29+$0xFFFFFFD0] =	vst v9  }
0x7c: {  	v8 =	vld [tilespmem:s29+$0x80];
	v11 =	vmul.f32 v11, v16;
	[tilespmem:s29+$0xFFFFFFE0] =	vst v10  }
0x7d: {  	v9 =	vld [tilespmem:s29+$0x90];
	v12 =	vmul.f32 v12, v15;
	[tilespmem:s29+$0xFFFFFF90] =	vst v3  }
0x7e: {  	v10 =	vld [tilespmem:s29+$0xA0];
	v13 =	vmul.f32 v13, v15;
	[tilespmem:s29+$0xFFFFFFF0] =	vst v11  }
0x7f: {  	v14 =	vmul.f32 v14, v15;
	v3 =	vld [tilespmem:s29+$0x50];
	[tilespmem:s29+$0x0] =	vst v12  }
0x80: {  	s8 =	sadd.s32 $0x5, s10;
	v11 =	vld [tilespmem:s29+$0xB0];
	[tilespmem:s29+$0x10] =	vst v13;
	v5 =	vmul.f32 v5, v15  }
0x81: {  	v59 =	vmov s8;
	v12 =	vld [tilespmem:s29+$0xC0];
	[tilespmem:s29+$0x20] =	vst v14;
	v4 =	vmul.f32 v4, v15  }
0x82: {  	v16 =	vperm.xlane v1, v59;
	v13 =	vld [tilespmem:s29+$0xD0];
	v6 =	vmul.f32 v6, v15;
	[tilespmem:s29+$0x30] =	vst v5  }
0x83: {  	v14 =	vld [tilespmem:s29+$0xE0];
	v7 =	vmul.f32 v7, v15;
	[tilespmem:s29+$0x40] =	vst v4  }
0x84: {  	v8 =	vmul.f32 v8, v16;
	v5 =	vld [tilespmem:s29+$0xF0];
	[tilespmem:s29+$0x60] =	vst v6  }
0x85: {  	v9 =	vmul.f32 v9, v16;
	v4 =	vld [tilespmem:s29+$0x100];
	[tilespmem:s29+$0x70] =	vst v7  }
0x86: {  	v10 =	vmul.f32 v10, v16;
	v6 =	vld [tilespmem:s29+$0x120];
	[tilespmem:s29+$0x80] =	vst v8  }
0x87: {  	v3 =	vmul.f32 v3, v15;
	v7 =	vld [tilespmem:s29+$0x130];
	[tilespmem:s29+$0x90] =	vst v9  }
0x88: {  	v8 =	vld [tilespmem:s29+$0x140];
	v11 =	vmul.f32 v11, v16;
	[tilespmem:s29+$0xA0] =	vst v10  }
0x89: {  	s0 =	sadd.s32 $0x6, s10;
	v9 =	vld [tilespmem:s29+$0x150];
	v12 =	vmul.f32 v12, v16;
	[tilespmem:s29+$0x50] =	vst v3  }
0x8a: {  	v10 =	vld [tilespmem:s29+$0x160];
	v15 =	vmov s0;
	v13 =	vmul.f32 v13, v16;
	[tilespmem:s29+$0xB0] =	vst v11  }
0x8b: {  	v1 =	vperm.xlane v1, v15;
	v14 =	vmul.f32 v14, v16;
	v15 =	vld [tilespmem:s29+$0x1B0];
	[tilespmem:s29+$0xC0] =	vst v12  }
0x8c: {  	v3 =	vld [tilespmem:s29+$0x110];
	[tilespmem:s29+$0xD0] =	vst v13;
	v5 =	vmul.f32 v5, v16  }
0x8d: {  	v11 =	vld [tilespmem:s29+$0x170];
	[tilespmem:s29+$0xE0] =	vst v14;
	v4 =	vmul.f32 v4, v1  }
0x8e: {  	v12 =	vld [tilespmem:s29+$0x180];
	v7 =	vmul.f32 v7, v1;
	[tilespmem:s29+$0xF0] =	vst v5  }
0x8f: {  	v13 =	vld [tilespmem:s29+$0x190];
	v8 =	vmul.f32 v8, v1;
	[tilespmem:s29+$0x100] =	vst v4  }
0x90: {  	s30 =	simm.s32 $0x8;
	v14 =	vld [tilespmem:s29+$0x1A0];
	v9 =	vmul.f32 v9, v1;
	[tilespmem:s29+$0x130] =	vst v7  }
0x91: {  	s9 =	sand.u32 $0x70, s30;
	v15 =	vmul.f32 v15, v2;
	v5 =	vmul.f32 v6, v1;
	v6 =	vld [tilespmem:s29+$0x1C0];
	[tilespmem:s29+$0x140] =	vst v8  }
0x92: {  	v3 =	vmul.f32 v3, v1;
	v4 =	vld [tilespmem:s9+$0x200];
	[tilespmem:s29+$0x150] =	vst v9  }
0x93: {  	s0 =	simm.s32 $0x8;
	v8 =	vld [tilespmem:s31+$0x1F0];
	[tilespmem:s29+$0x1B0] =	vst v15  }
0x94: {  	s10 =	sand.u32 $0xFFFFFFF0, s0;
	v7 =	vmul.f32 v10, v1;
	v9 =	vld [tilespmem:s31+$0xFFFFFE00];
	[tilespmem:s29+$0x110] =	vst v3  }
0x95: {  	s28 =	ssub.s32 $0x0, s10;
	v1 =	vmul.f32 v11, v1;
	v10 =	vmul.f32 v12, v2;
	v12 =	vld [tilespmem:s31+$0xFFFFFE20];
	[tilespmem:s29+$0x120] =	vst v5  }
0x96: {  	s13 =	sadd.s32 $0xF, s28;
	v15 =	vld [tilespmem:s31+$0xFFFFFE60];
	[tilespmem:s29+$0x160] =	vst v7  }
0x97: {  	s9 =	sand.u32 $0x8, s30;
	v11 =	vmul.f32 v13, v2;
	v13 =	vmul.f32 v14, v2;
	v7 =	vld [tilespmem:s31+$0xFFFFFE10];
	[tilespmem:s29+$0x170] =	vst v1;
	v1 =	vmov s13  }
0x98: {  	v14 =	vmov s9;
	v3 =	vld [tilespmem:s29+$0x1D0];
	[tilespmem:s29+$0x180] =	vst v10;
	v1 =	vperm.xlane v4, v1  }
0x99: {  	v5 =	vld [tilespmem:s29+$0x1E0];
	[tilespmem:s29+$0x1A0] =	vst v13;
	v6 =	vmul.f32 v6, v2;
	v13 =	vperm.xlane v4, v14  }
0x9a: {  	v10 =	vld [tilespmem:s31+$0xFFFFFE30];
	[tilespmem:s29+$0x190] =	vst v11;
	v8 =	vmul.f32 v8, v1  }
0x9b: {  	v11 =	vld [tilespmem:s31+$0xFFFFFE40];
	[tilespmem:s29+$0x1C0] =	vst v6;
	v6 =	vmul.f32 v9, v13  }
0x9c: {  	v14 =	vld [tilespmem:s31+$0xFFFFFE50];
	v7 =	vmul.f32 v7, v13;
	[tilespmem:s31+$0x1F0] =	vst v8  }
0x9d: {  	v9 =	vld [tilespmem:s31+$0xFFFFFE70];
	v12 =	vmul.f32 v12, v13;
	[tilespmem:s31+$0xFFFFFE00] =	vst v6  }
0x9e: {  	s4 =	ssub.s32 $0x8, s10;
	v15 =	vmul.f32 v15, v13;
	v8 =	vld [tilespmem:s31+$0xFFFFFE80];
	[tilespmem:s31+$0xFFFFFE10] =	vst v7  }
0x9f: {  	s16 =	sadd.s32 $0x1, s4;
	v10 =	vmul.f32 v10, v13;
	v6 =	vld [tilespmem:s31+$0xFFFFFE90];
	[tilespmem:s31+$0xFFFFFE20] =	vst v12  }
0xa0: {  	v60 =	vmov s16;
	v11 =	vmul.f32 v11, v13;
	v7 =	vld [tilespmem:s31+$0xFFFFFEA0];
	[tilespmem:s31+$0xFFFFFE60] =	vst v15  }
0xa1: {  	v16 =	vperm.xlane v4, v60;
	v12 =	vld [tilespmem:s31+$0xFFFFFEB0];
	v14 =	vmul.f32 v14, v13;
	[tilespmem:s31+$0xFFFFFE30] =	vst v10  }
0xa2: {  	v10 =	vld [tilespmem:s31+$0xFFFFFEC0];
	[tilespmem:s31+$0xFFFFFE40] =	vst v11;
	v9 =	vmul.f32 v9, v13  }
0xa3: {  	v11 =	vld [tilespmem:s31+$0xFFFFFED0];
	[tilespmem:s31+$0xFFFFFE50] =	vst v14;
	v8 =	vmul.f32 v8, v16  }
0xa4: {  	v13 =	vld [tilespmem:s31+$0xFFFFFEE0];
	v6 =	vmul.f32 v6, v16;
	[tilespmem:s31+$0xFFFFFE70] =	vst v9  }
0xa5: {  	v14 =	vld [tilespmem:s31+$0xFFFFFEF0];
	v7 =	vmul.f32 v7, v16;
	[tilespmem:s31+$0xFFFFFE80] =	vst v8  }
0xa6: {  	v9 =	vld [tilespmem:s31+$0xFFFFFF00];
	v12 =	vmul.f32 v12, v16;
	[tilespmem:s31+$0xFFFFFE90] =	vst v6  }
0xa7: {  	s9 =	sadd.s32 $0x2, s4;
	v10 =	vmul.f32 v10, v16;
	v8 =	vld [tilespmem:s31+$0xFFFFFF10];
	[tilespmem:s31+$0xFFFFFEA0] =	vst v7  }
0xa8: {  	v15 =	vmov s9;
	v11 =	vmul.f32 v11, v16;
	v6 =	vld [tilespmem:s31+$0xFFFFFF20];
	[tilespmem:s31+$0xFFFFFEB0] =	vst v12  }
0xa9: {  	v15 =	vperm.xlane v4, v15;
	v7 =	vld [tilespmem:s31+$0xFFFFFF30];
	v13 =	vmul.f32 v13, v16;
	[tilespmem:s31+$0xFFFFFEC0] =	vst v10  }
0xaa: {  	v12 =	vld [tilespmem:s31+$0xFFFFFF40];
	v14 =	vmul.f32 v14, v16;
	[tilespmem:s31+$0xFFFFFED0] =	vst v11  }
0xab: {  	v10 =	vld [tilespmem:s31+$0xFFFFFF50];
	v9 =	vmul.f32 v9, v15;
	[tilespmem:s31+$0xFFFFFEE0] =	vst v13  }
0xac: {  	v11 =	vld [tilespmem:s31+$0xFFFFFF60];
	[tilespmem:s31+$0xFFFFFEF0] =	vst v14;
	v8 =	vmul.f32 v8, v15  }
0xad: {  	v13 =	vld [tilespmem:s31+$0xFFFFFF70];
	v6 =	vmul.f32 v6, v15;
	[tilespmem:s31+$0xFFFFFF00] =	vst v9  }
0xae: {  	v14 =	vld [tilespmem:s31+$0xFFFFFF80];
	v7 =	vmul.f32 v7, v15;
	[tilespmem:s31+$0xFFFFFF10] =	vst v8  }
0xaf: {  	s10 =	sadd.s32 $0xB, s28;
	v9 =	vld [tilespmem:s31+$0xFFFFFF90];
	v12 =	vmul.f32 v12, v15;
	[tilespmem:s31+$0xFFFFFF20] =	vst v6  }
0xb0: {  	v61 =	vmov s10;
	v10 =	vmul.f32 v10, v15;
	v8 =	vld [tilespmem:s31+$0xFFFFFFA0];
	[tilespmem:s31+$0xFFFFFF30] =	vst v7  }
0xb1: {  	v16 =	vperm.xlane v4, v61;
	v11 =	vmul.f32 v11, v15;
	v6 =	vld [tilespmem:s31+$0xFFFFFFB0];
	[tilespmem:s31+$0xFFFFFF40] =	vst v12  }
0xb2: {  	v7 =	vld [tilespmem:s31+$0xFFFFFFC0];
	v13 =	vmul.f32 v13, v15;
	[tilespmem:s31+$0xFFFFFF50] =	vst v10  }
0xb3: {  	v12 =	vld [tilespmem:s31+$0xFFFFFFD0];
	v14 =	vmul.f32 v14, v16;
	[tilespmem:s31+$0xFFFFFF60] =	vst v11  }
0xb4: {  	v10 =	vld [tilespmem:s31+$0xFFFFFFE0];
	v9 =	vmul.f32 v9, v16;
	[tilespmem:s31+$0xFFFFFF70] =	vst v13  }
0xb5: {  	v11 =	vld [tilespmem:s31+$0xFFFFFFF0];
	[tilespmem:s31+$0xFFFFFF80] =	vst v14;
	v8 =	vmul.f32 v8, v16  }
0xb6: {  	v13 =	vld [tilespmem:s31+$0x0];
	v6 =	vmul.f32 v6, v16;
	[tilespmem:s31+$0xFFFFFF90] =	vst v9  }
0xb7: {  	s13 =	sadd.s32 $0xC, s28;
	v14 =	vld [tilespmem:s31+$0x10];
	v7 =	vmul.f32 v7, v16;
	[tilespmem:s31+$0xFFFFFFA0] =	vst v8  }
0xb8: {  	v15 =	vmov s13;
	v9 =	vld [tilespmem:s31+$0x20];
	v12 =	vmul.f32 v12, v16;
	[tilespmem:s31+$0xFFFFFFB0] =	vst v6  }
0xb9: {  	v15 =	vperm.xlane v4, v15;
	v10 =	vmul.f32 v10, v16;
	v8 =	vld [tilespmem:s31+$0x30];
	[tilespmem:s31+$0xFFFFFFC0] =	vst v7  }
0xba: {  	v11 =	vmul.f32 v11, v16;
	v6 =	vld [tilespmem:s31+$0x40];
	[tilespmem:s31+$0xFFFFFFD0] =	vst v12  }
0xbb: {  	v7 =	vld [tilespmem:s31+$0x50];
	v13 =	vmul.f32 v13, v15;
	[tilespmem:s31+$0xFFFFFFE0] =	vst v10  }
0xbc: {  	v12 =	vld [tilespmem:s31+$0x60];
	v14 =	vmul.f32 v14, v15;
	[tilespmem:s31+$0xFFFFFFF0] =	vst v11  }
0xbd: {  	v10 =	vld [tilespmem:s31+$0x70];
	v9 =	vmul.f32 v9, v15;
	[tilespmem:s31+$0x0] =	vst v13  }
0xbe: {  	v11 =	vld [tilespmem:s31+$0x80];
	[tilespmem:s31+$0x10] =	vst v14;
	v8 =	vmul.f32 v8, v15  }
0xbf: {  	s16 =	sadd.s32 $0x5, s4;
	v13 =	vld [tilespmem:s31+$0x90];
	v6 =	vmul.f32 v6, v15;
	[tilespmem:s31+$0x20] =	vst v9  }
0xc0: {  	v62 =	vmov s16;
	v14 =	vld [tilespmem:s31+$0xA0];
	v7 =	vmul.f32 v7, v15;
	[tilespmem:s31+$0x30] =	vst v8  }
0xc1: {  	v16 =	vperm.xlane v4, v62;
	v9 =	vld [tilespmem:s31+$0xB0];
	v12 =	vmul.f32 v12, v15;
	[tilespmem:s31+$0x40] =	vst v6  }
0xc2: {  	v10 =	vmul.f32 v10, v15;
	v8 =	vld [tilespmem:s31+$0xC0];
	[tilespmem:s31+$0x50] =	vst v7  }
0xc3: {  	v11 =	vmul.f32 v11, v16;
	v6 =	vld [tilespmem:s31+$0xD0];
	[tilespmem:s31+$0x60] =	vst v12  }
0xc4: {  	v7 =	vld [tilespmem:s31+$0xE0];
	v13 =	vmul.f32 v13, v16;
	[tilespmem:s31+$0x70] =	vst v10  }
0xc5: {  	v12 =	vld [tilespmem:s31+$0xF0];
	v14 =	vmul.f32 v14, v16;
	[tilespmem:s31+$0x80] =	vst v11  }
0xc6: {  	v10 =	vld [tilespmem:s31+$0x100];
	v9 =	vmul.f32 v9, v16;
	[tilespmem:s31+$0x90] =	vst v13  }
0xc7: {  	s4 =	sadd.s32 $0x6, s4;
	v11 =	vld [tilespmem:s31+$0x110];
	[tilespmem:s31+$0xA0] =	vst v14;
	v8 =	vmul.f32 v8, v16  }
0xc8: {  	v15 =	vmov s4;
	v13 =	vld [tilespmem:s31+$0x120];
	v6 =	vmul.f32 v6, v16;
	[tilespmem:s31+$0xB0] =	vst v9  }
0xc9: {  	v4 =	vperm.xlane v4, v15;
	v14 =	vld [tilespmem:s31+$0x130];
	v7 =	vmul.f32 v7, v16;
	[tilespmem:s31+$0xC0] =	vst v8  }
0xca: {  	v15 =	vld [tilespmem:s31+$0x150];
	v8 =	vmul.f32 v12, v16;
	[tilespmem:s31+$0xD0] =	vst v6  }
0xcb: {  	v9 =	vld [tilespmem:s31+$0x170];
	v6 =	vmul.f32 v10, v4;
	[tilespmem:s31+$0xE0] =	vst v7  }
0xcc: {  	v3 =	vmul.f32 v3, v2;
	v7 =	vmul.f32 v11, v4;
	[tilespmem:s31+$0xF0] =	vst v8;
	v8 =	vld [tilespmem:s31+$0x180]  }
0xcd: {  	v2 =	vmul.f32 v5, v2;
	v5 =	vmul.f32 v13, v4;
	[tilespmem:s31+$0x100] =	vst v6;
	v6 =	vld [tilespmem:s31+$0x190]  }
0xce: {  	v12 =	vmul.f32 v17, v4;
	v13 =	vmul.f32 v14, v4;
	[tilespmem:s31+$0x110] =	vst v7;
	v7 =	vld [tilespmem:s31+$0x1A0]  }
0xcf: {  	s28 =	sshll.u32 s26, $0x1;
	s4 =	simm.s32 $0x900;
	v11 =	vmul.f32 v15, v4;
	v10 =	vmul.f32 v63, v4;
	[tilespmem:s31+$0x120] =	vst v5;
	v5 =	vld [tilespmem:s31+$0x1B0]  }
.LBB2_7:
0xd0: {  	[tilespmem:s31+$0x130] =	vst v13;
	v4 =	vmul.f32 v9, v4;
	v9 =	vld [tilespmem:s31+$0x1C0];
	s8 =	smov.u32 s30;
	s30 =	sadd.s32 $0x8, s30;
	s0 =	sadd.s32 $0x8, s0  }
0xd1: {  	s9 =	sand.u32 $0x70, s30;
	s10 =	sand.u32 $0x8, s30;
	p1 =	slt.u32 s30, $0x78;
	[tilespmem:s31+$0x140] =	vst v12;
	v8 =	vmul.f32 v8, v1;
	v12 =	vld [tilespmem:s31+$0x1D0]  }
0xd2: {  	v13 =	vld [tilespmem:s9+$0x200];
	v14 =	vmov s10;
	[tilespmem:s31+$0x150] =	vst v11;
	v6 =	vmul.f32 v6, v1;
	s9 =	sand.u32 $0xFFFFFFF0, s0  }
0xd3: {  	s31 =	sadd.s32 $0x400, s31;
	[tilespmem:s4+$0x160] =	vst v10;
	v7 =	vmul.f32 v7, v1;
	v10 =	vld [tilespmem:s4+$0x1E0];
	s10 =	ssub.s32 s30, s9  }
0xd4: {  	s8 =	ssub.s32 s8, s9;
	v11 =	vld [tilespmem:s31+$0x1F0];
	[tilespmem:s4+$0x170] =	vst v4;
	v4 =	vmul.f32 v5, v1;
	s9 =	sadd.s32 $0x1, s10  }
0xd5: {  	s13 =	sadd.s32 $0x2, s10;
	s16 =	sadd.s32 $0xF, s8;
	v15 =	vld [tilespmem:s31+$0xFFFFFE00];
	[tilespmem:s4+$0x180] =	vst v8;
	v5 =	vmul.f32 v9, v1;
	v9 =	vmov s9  }
0xd6: {  	v16 =	vmov s13;
	s9 =	sadd.s32 $0xB, s8;
	s8 =	sadd.s32 $0xC, s8;
	s13 =	sadd.s32 $0x5, s10;
	v17 =	vmov s16;
	v8 =	vld [tilespmem:s31+$0xFFFFFE10];
	[tilespmem:s4+$0x190] =	vst v6  }
0xd7: {  	v6 =	vmov s9;
	v19 =	vmov s8;
	s8 =	sadd.s32 $0x6, s10;
	v18 =	vld [tilespmem:s31+$0xFFFFFE20];
	v17 =	vperm.xlane v13, v17;
	[tilespmem:s4+$0x1A0] =	vst v7  }
0xd8: {  	v21 =	vmov s13;
	v14 =	vperm.xlane v13, v14;
	v22 =	vmov s8;
	v20 =	vld [tilespmem:s31+$0xFFFFFE30];
	[tilespmem:s4+$0x1B0] =	vst v4  }
0xd9: {  	v9 =	vperm.xlane v13, v9;
	v23 =	vld [tilespmem:s31+$0xFFFFFE40];
	v4 =	vmul.f32 v11, v17;
	[tilespmem:s4+$0x1C0] =	vst v5  }
0xda: {  	v16 =	vperm.xlane v13, v16;
	v7 =	vperm.xlane v13, v6;
	v11 =	vld [tilespmem:s31+$0xFFFFFE50];
	[tilespmem:s29+$0x1D0] =	vst v3  }
0xdb: {  	v6 =	vperm.xlane v13, v19;
	v5 =	vperm.xlane v13, v21;
	v24 =	vld [tilespmem:s31+$0xFFFFFE60];
	[tilespmem:s31+$0x1F0] =	vst v4  }
0xdc: {  	v3 =	vmul.f32 v15, v14;
	v4 =	vperm.xlane v13, v22;
	v15 =	vld [tilespmem:s31+$0xFFFFFE70];
	[tilespmem:s29+$0x1E0] =	vst v2;
	s29 =	smov.u32 s4;
	s4 =	smov.u32 s31  }
0xdd: {  	v2 =	vmul.f32 v8, v14;
	v8 =	vmul.f32 v18, v14;
	v13 =	vld [tilespmem:s31+$0xFFFFFE80]  }
0xde: {  	v18 =	vmul.f32 v20, v14;
	[tilespmem:s31+$0xFFFFFE00] =	vst v3;
	v19 =	vmul.f32 v23, v14;
	v20 =	vld [tilespmem:s31+$0xFFFFFE90]  }
0xdf: {  	v3 =	vmul.f32 v12, v1;
	[tilespmem:s31+$0xFFFFFE10] =	vst v2;
	v11 =	vmul.f32 v11, v14;
	v21 =	vld [tilespmem:s31+$0xFFFFFEA0]  }
0xe0: {  	v2 =	vmul.f32 v10, v1;
	v1 =	vmov v17;
	[tilespmem:s31+$0xFFFFFE20] =	vst v8;
	v8 =	vmul.f32 v24, v14;
	v12 =	vld [tilespmem:s31+$0xFFFFFEB0]  }
0xe1: {  	[tilespmem:s31+$0xFFFFFE30] =	vst v18;
	v10 =	vmul.f32 v15, v14;
	v14 =	vld [tilespmem:s31+$0xFFFFFEC0]  }
0xe2: {  	[tilespmem:s31+$0xFFFFFE40] =	vst v19;
	v13 =	vmul.f32 v13, v9;
	v15 =	vld [tilespmem:s31+$0xFFFFFED0]  }
0xe3: {  	[tilespmem:s31+$0xFFFFFE50] =	vst v11;
	v11 =	vmul.f32 v20, v9;
	v17 =	vld [tilespmem:s31+$0xFFFFFEE0]  }
0xe4: {  	[tilespmem:s31+$0xFFFFFE60] =	vst v8;
	v8 =	vmul.f32 v21, v9;
	v18 =	vld [tilespmem:s31+$0xFFFFFEF0]  }
0xe5: {  	[tilespmem:s31+$0xFFFFFE70] =	vst v10;
	v10 =	vmul.f32 v12, v9;
	v12 =	vld [tilespmem:s31+$0xFFFFFF00]  }
0xe6: {  	[tilespmem:s31+$0xFFFFFE80] =	vst v13;
	v13 =	vmul.f32 v14, v9;
	v14 =	vld [tilespmem:s31+$0xFFFFFF10]  }
0xe7: {  	[tilespmem:s31+$0xFFFFFE90] =	vst v11;
	v11 =	vmul.f32 v15, v9;
	v15 =	vld [tilespmem:s31+$0xFFFFFF20]  }
0xe8: {  	[tilespmem:s31+$0xFFFFFEA0] =	vst v8;
	v8 =	vmul.f32 v17, v9;
	v17 =	vld [tilespmem:s31+$0xFFFFFF30]  }
0xe9: {  	[tilespmem:s31+$0xFFFFFEB0] =	vst v10;
	v9 =	vmul.f32 v18, v9;
	v10 =	vld [tilespmem:s31+$0xFFFFFF40]  }
0xea: {  	[tilespmem:s31+$0xFFFFFEC0] =	vst v13;
	v12 =	vmul.f32 v12, v16;
	v13 =	vld [tilespmem:s31+$0xFFFFFF50]  }
0xeb: {  	[tilespmem:s31+$0xFFFFFED0] =	vst v11;
	v11 =	vmul.f32 v14, v16;
	v14 =	vld [tilespmem:s31+$0xFFFFFF60]  }
0xec: {  	[tilespmem:s31+$0xFFFFFEE0] =	vst v8;
	v8 =	vmul.f32 v15, v16;
	v15 =	vld [tilespmem:s31+$0xFFFFFF70]  }
0xed: {  	[tilespmem:s31+$0xFFFFFEF0] =	vst v9;
	v9 =	vmul.f32 v17, v16;
	v17 =	vld [tilespmem:s31+$0xFFFFFF80]  }
0xee: {  	[tilespmem:s31+$0xFFFFFF00] =	vst v12;
	v10 =	vmul.f32 v10, v16;
	v12 =	vld [tilespmem:s31+$0xFFFFFF90]  }
0xef: {  	[tilespmem:s31+$0xFFFFFF10] =	vst v11;
	v11 =	vmul.f32 v13, v16;
	v13 =	vld [tilespmem:s31+$0xFFFFFFA0]  }
0xf0: {  	[tilespmem:s31+$0xFFFFFF20] =	vst v8;
	v8 =	vmul.f32 v14, v16;
	v14 =	vld [tilespmem:s31+$0xFFFFFFB0]  }
0xf1: {  	[tilespmem:s31+$0xFFFFFF30] =	vst v9;
	v9 =	vmul.f32 v15, v16;
	v15 =	vld [tilespmem:s31+$0xFFFFFFC0]  }
0xf2: {  	[tilespmem:s31+$0xFFFFFF40] =	vst v10;
	v10 =	vmul.f32 v17, v7;
	v16 =	vld [tilespmem:s31+$0xFFFFFFD0]  }
0xf3: {  	[tilespmem:s31+$0xFFFFFF50] =	vst v11;
	v11 =	vmul.f32 v12, v7;
	v12 =	vld [tilespmem:s31+$0xFFFFFFE0]  }
0xf4: {  	[tilespmem:s31+$0xFFFFFF60] =	vst v8;
	v8 =	vmul.f32 v13, v7;
	v13 =	vld [tilespmem:s31+$0xFFFFFFF0]  }
0xf5: {  	[tilespmem:s31+$0xFFFFFF70] =	vst v9;
	v9 =	vmul.f32 v14, v7;
	v14 =	vld [tilespmem:s31+$0x0]  }
0xf6: {  	[tilespmem:s31+$0xFFFFFF80] =	vst v10;
	v10 =	vmul.f32 v15, v7;
	v15 =	vld [tilespmem:s31+$0x10]  }
0xf7: {  	[tilespmem:s31+$0xFFFFFF90] =	vst v11;
	v11 =	vmul.f32 v16, v7;
	v16 =	vld [tilespmem:s31+$0x20]  }
0xf8: {  	[tilespmem:s31+$0xFFFFFFA0] =	vst v8;
	v8 =	vmul.f32 v12, v7;
	v12 =	vld [tilespmem:s31+$0x30]  }
0xf9: {  	[tilespmem:s31+$0xFFFFFFB0] =	vst v9;
	v7 =	vmul.f32 v13, v7;
	v9 =	vld [tilespmem:s31+$0x40]  }
0xfa: {  	[tilespmem:s31+$0xFFFFFFC0] =	vst v10;
	v10 =	vmul.f32 v14, v6;
	v13 =	vld [tilespmem:s31+$0x50]  }
0xfb: {  	[tilespmem:s31+$0xFFFFFFD0] =	vst v11;
	v11 =	vmul.f32 v15, v6;
	v14 =	vld [tilespmem:s31+$0x60]  }
0xfc: {  	[tilespmem:s31+$0xFFFFFFE0] =	vst v8;
	v8 =	vmul.f32 v16, v6;
	v15 =	vld [tilespmem:s31+$0x70]  }
0xfd: {  	[tilespmem:s31+$0xFFFFFFF0] =	vst v7;
	v7 =	vmul.f32 v12, v6;
	v12 =	vld [tilespmem:s31+$0x80]  }
0xfe: {  	[tilespmem:s31+$0x0] =	vst v10;
	v9 =	vmul.f32 v9, v6;
	v10 =	vld [tilespmem:s31+$0x90]  }
0xff: {  	[tilespmem:s31+$0x10] =	vst v11;
	v11 =	vmul.f32 v13, v6;
	v13 =	vld [tilespmem:s31+$0xA0]  }
0x100: {  	[tilespmem:s31+$0x20] =	vst v8;
	v8 =	vmul.f32 v14, v6;
	v14 =	vld [tilespmem:s31+$0xB0]  }
0x101: {  	[tilespmem:s31+$0x30] =	vst v7;
	v6 =	vmul.f32 v15, v6;
	v7 =	vld [tilespmem:s31+$0xC0]  }
0x102: {  	[tilespmem:s31+$0x40] =	vst v9;
	v9 =	vmul.f32 v12, v5;
	v12 =	vld [tilespmem:s31+$0xD0]  }
0x103: {  	[tilespmem:s31+$0x50] =	vst v11;
	v10 =	vmul.f32 v10, v5;
	v11 =	vld [tilespmem:s31+$0xE0]  }
0x104: {  	[tilespmem:s31+$0x60] =	vst v8;
	v8 =	vmul.f32 v13, v5;
	v13 =	vld [tilespmem:s31+$0xF0]  }
0x105: {  	[tilespmem:s31+$0x70] =	vst v6;
	v6 =	vmul.f32 v14, v5;
	v14 =	vld [tilespmem:s31+$0x100]  }
0x106: {  	[tilespmem:s31+$0x80] =	vst v9;
	v7 =	vmul.f32 v7, v5;
	v9 =	vld [tilespmem:s31+$0x110]  }
0x107: {  	[tilespmem:s31+$0x90] =	vst v10;
	v10 =	vmul.f32 v12, v5;
	v12 =	vld [tilespmem:s31+$0x120]  }
0x108: {  	[tilespmem:s31+$0xA0] =	vst v8;
	v8 =	vmul.f32 v11, v5;
	v11 =	vld [tilespmem:s31+$0x130]  }
0x109: {  	[tilespmem:s31+$0xB0] =	vst v6;
	v5 =	vmul.f32 v13, v5;
	v6 =	vld [tilespmem:s31+$0x140]  }
0x10a: {  	[tilespmem:s31+$0xC0] =	vst v7;
	v7 =	vmul.f32 v14, v4;
	v14 =	vld [tilespmem:s31+$0x150]  }
0x10b: {  	[tilespmem:s31+$0xD0] =	vst v10;
	v10 =	vmul.f32 v9, v4;
	v15 =	vld [tilespmem:s31+$0x160]  }
.Ltmp3:
0x10c: {  	[tilespmem:s31+$0xE0] =	vst v8;
	v16 =	vmul.f32 v12, v4;
	v9 =	vld [tilespmem:s31+$0x170];
	(pc) =	sbr.rel @p1 .LBB2_7-.Ltmp3, $4  }
0x10d: {  	[tilespmem:s31+$0xF0] =	vst v5;
	v13 =	vmul.f32 v11, v4;
	v8 =	vld [tilespmem:s31+$0x180]  }
0x10e: {  	[tilespmem:s31+$0x100] =	vst v7;
	v12 =	vmul.f32 v6, v4;
	v6 =	vld [tilespmem:s31+$0x190]  }
0x10f: {  	[tilespmem:s31+$0x110] =	vst v10;
	v11 =	vmul.f32 v14, v4;
	v7 =	vld [tilespmem:s31+$0x1A0]  }
0x110: {  	[tilespmem:s31+$0x120] =	vst v16;
	v10 =	vmul.f32 v15, v4;
	v5 =	vld [tilespmem:s31+$0x1B0]  }
0x111: {  	[tilespmem:s31+$0x130] =	vst v13  }
0x112: {  	[tilespmem:s31+$0x140] =	vst v12  }
0x113: {  	[tilespmem:s31+$0x150] =	vst v11  }
0x114: {  	[tilespmem:s29+$0x1D0] =	vst v3  }
0x115: {  	v4 =	vmul.f32 v9, v4;
	v59 =	vld [tilespmem:s31+$0x1C0];
	[tilespmem:s29+$0x1E0] =	vst v2  }
0x116: {  	v60 =	vld [tilespmem:s31+$0x1D0];
	v8 =	vmul.f32 v8, v1;
	[tilespmem:s4+$0x160] =	vst v10  }
0x117: {  	v61 =	vld [tilespmem:s4+$0x1E0];
	v6 =	vmul.f32 v6, v1;
	[tilespmem:s4+$0x170] =	vst v4  }
0x118: {  	v62 =	vmul.f32 v7, v1;
	[tilespmem:s4+$0x180] =	vst v8  }
0x119: {  	v5 =	vmul.f32 v5, v1;
	[tilespmem:s4+$0x190] =	vst v6  }
0x11a: {  	v63 =	vmul.f32 v59, v1;
	[tilespmem:s4+$0x1A0] =	vst v62  }
0x11b: {  	v3 =	vmul.f32 v60, v1;
	[tilespmem:s4+$0x1B0] =	vst v5  }
0x11c: {  	v1 =	vmul.f32 v61, v1;
	[tilespmem:s4+$0x1C0] =	vst v63  }
0x11d: {  	[tilespmem:s4+$0x1D0] =	vst v3  }
0x11e: {  	[tilespmem:s4+$0x1E0] =	vst v1  }
0x11f: {  	v1 =	vld [tilespmem:$0x80];
	_ =	sdelay $0x7  }
0x120: {  	[spmem:s2] =	stream.indirect_vreg.scatter.add.f32 [tilespmem:s17], [sflag:$0x3], $0x80, v1, vm0, $0xb8;
	[tilespmem:$0x1BB80] =	vst v63  }
0x121: {  	v1 =	vld [tilespmem:$0x90];
	_ =	sdelay $0x6  }
0x122: {  	s0 =	simm.s32 $0xB00  }
0x123: {  	[spmem:s2] =	stream.indirect_vreg.scatter.add.f32 [tilespmem:s0], [sflag:$0x3], $0x80, v1, vm0, $0xb8;
	[tilespmem:$0x1BB80] =	vst v63  }
0x124: {  	v1 =	vld [tilespmem:$0xA0];
	_ =	sdelay $0x6  }
0x125: {  	s10 =	simm.s32 $0x1300  }
0x126: {  	[spmem:s2] =	stream.indirect_vreg.scatter.add.f32 [tilespmem:s10], [sflag:$0x3], $0x80, v1, vm0, $0xb8;
	[tilespmem:$0x1BB80] =	vst v63  }
0x127: {  	v1 =	vld [tilespmem:$0xB0];
	_ =	sdelay $0x6  }
0x128: {  	s13 =	simm.s32 $0x1B00  }
0x129: {  	[spmem:s2] =	stream.indirect_vreg.scatter.add.f32 [tilespmem:s13], [sflag:$0x3], $0x80, v1, vm0, $0xb8;
	[tilespmem:$0x1BB80] =	vst v63  }
0x12a: {  	v1 =	vld [tilespmem:$0xC0];
	_ =	sdelay $0x6  }
0x12b: {  	s16 =	simm.s32 $0x2300  }
0x12c: {  	[spmem:s2] =	stream.indirect_vreg.scatter.add.f32 [tilespmem:s16], [sflag:$0x3], $0x80, v1, vm0, $0xb8;
	[tilespmem:$0x1BB80] =	vst v63  }
0x12d: {  	v1 =	vld [tilespmem:$0xD0];
	_ =	sdelay $0x6  }
0x12e: {  	s29 =	simm.s32 $0x2B00  }
0x12f: {  	[spmem:s2] =	stream.indirect_vreg.scatter.add.f32 [tilespmem:s29], [sflag:$0x3], $0x80, v1, vm0, $0xb8;
	[tilespmem:$0x1BB80] =	vst v63  }
0x130: {  	v1 =	vld [tilespmem:$0xE0];
	_ =	sdelay $0x6  }
0x131: {  	s30 =	simm.s32 $0x3300  }
0x132: {  	[spmem:s2] =	stream.indirect_vreg.scatter.add.f32 [tilespmem:s30], [sflag:$0x3], $0x80, v1, vm0, $0xb8;
	[tilespmem:$0x1BB80] =	vst v63  }
0x133: {  	v1 =	vld [tilespmem:$0xF0];
	_ =	sdelay $0x2  }
0x134: {  	p1 =	seq.s32 s26, $0x4E  }
.Ltmp4:
0x135: {  	_ = 	snop;
	(pc) =	sbr.rel @p1 .LBB2_12-.Ltmp4, $3  }
0x136: {  	_ =	sdelay $0x1  }
0x137: {  	s31 =	simm.s32 $0x3B00  }
0x138: {  	[spmem:s2] =	stream.indirect_vreg.scatter.add.f32 [tilespmem:s31], [sflag:$0x3], $0x80, v1, vm0, $0xb8;
	[tilespmem:$0x1BB80] =	vst v63  }
0x139: {  	s0 =	sadd.s32 s28, s11  }
0x13a: {  	s4 =	sshll.u32 s0, $0x5  }
0x13b: {  	s0 =	sshll.u32 s0, $0x4;
	s4 =	sand.u32 $0x1FFFFFC0, s4  }
0x13c: {  	s8 =	simm.s32 $0x0;
	s0 =	sand.u32 $0x1FFFFFE0, s0;
	s4 =	sadd.s32 s5, s4  }
0x13d: {  	[tilespmem:s8], [sflag:$0x5] =	stream.linear.gather [hbm4b:s4+s8], $0x100, $0x38;
	[tilespmem:$0x1BB80] =	vst v63  }
0x13e: {  	s13 =	simm.s32 $0x200;
	s0 =	sadd.s32 s6, s0  }
0x13f: {  	[tilespmem:s13], [sflag:$0x5] =	stream.linear.gather [hbm4b:s0+s8], $0x80, $0x38;
	[tilespmem:$0x1BB80] =	vst v63  }
0x140: {  	_ =	swait.ge [sflag:s7], $0x4000  }
0x141: {  	s16 =	simm.s32 $0x0;
	[sflag:s7] =	ssyncset.done $0x0  }
0x142: {  	s9 =	sand.u32 $0x70, s16;
	[sflag:s7] =	ssyncadd.s32 $0xFFFFC000  }
0x143: {  	s29 =	simm.s32 $0x4500;
	v1 =	vld [tilespmem:s9+$0x280]  }
0x144: {  	v3 =	vld [tilespmem:s29+$0x1F0]  }
0x145: {  	v4 =	vld [tilespmem:s29+$0xFFFFFE00]  }
0x146: {  	v5 =	vld [tilespmem:s29+$0xFFFFFE10]  }
0x147: {  	v6 =	vld [tilespmem:s29+$0xFFFFFE20]  }
0x148: {  	s8 =	sand.u32 $0xFFFFFFF0, s8;
	v7 =	vld [tilespmem:s29+$0xFFFFFE30]  }
0x149: {  	s10 =	ssub.s32 $0xFFFFFFF8, s8;
	v8 =	vld [tilespmem:s29+$0xFFFFFE40]  }
0x14a: {  	s9 =	sadd.s32 $0xF, s10;
	v9 =	vld [tilespmem:s29+$0xFFFFFE50]  }
0x14b: {  	s0 =	sand.u32 $0x8, s16;
	v10 =	vld [tilespmem:s29+$0xFFFFFE60];
	v2 =	vmov s9  }
0x14c: {  	v11 =	vmov s0;
	v12 =	vld [tilespmem:s29+$0xFFFFFE70];
	v2 =	vperm.xlane v1, v2  }
0x14d: {  	v13 =	vld [tilespmem:s29+$0xFFFFFE80];
	v11 =	vperm.xlane v1, v11  }
0x14e: {  	v14 =	vld [tilespmem:s29+$0xFFFFFE90];
	v3 =	vmul.f32 v3, v2  }
0x14f: {  	s31 =	simm.s32 $0x4900;
	v15 =	vld [tilespmem:s29+$0xFFFFFEA0];
	v4 =	vmul.f32 v4, v11  }
0x150: {  	v17 =	vld [tilespmem:s31+$0x140];
	v6 =	vmul.f32 v6, v11;
	[tilespmem:s29+$0x1F0] =	vst v3  }
0x151: {  	v63 =	vld [tilespmem:s31+$0x160];
	v7 =	vmul.f32 v7, v11;
	[tilespmem:s29+$0xFFFFFE00] =	vst v4  }
0x152: {  	s13 =	ssub.s32 $0x0, s8;
	v8 =	vmul.f32 v8, v11;
	v3 =	vmul.f32 v5, v11;
	v5 =	vld [tilespmem:s29+$0xFFFFFEB0];
	[tilespmem:s29+$0xFFFFFE20] =	vst v6  }
0x153: {  	s8 =	sadd.s32 $0x1, s13;
	v9 =	vmul.f32 v9, v11;
	v4 =	vld [tilespmem:s29+$0xFFFFFEC0];
	[tilespmem:s29+$0xFFFFFE30] =	vst v7  }
0x154: {  	v16 =	vmov s8;
	v10 =	vmul.f32 v10, v11;
	v6 =	vld [tilespmem:s29+$0xFFFFFEE0];
	[tilespmem:s29+$0xFFFFFE40] =	vst v8  }
0x155: {  	v16 =	vperm.xlane v1, v16;
	v7 =	vld [tilespmem:s29+$0xFFFFFEF0];
	[tilespmem:s29+$0xFFFFFE50] =	vst v9  }
0x156: {  	v8 =	vld [tilespmem:s29+$0xFFFFFF00];
	v11 =	vmul.f32 v12, v11;
	[tilespmem:s29+$0xFFFFFE60] =	vst v10  }
0x157: {  	v9 =	vld [tilespmem:s29+$0xFFFFFF10];
	v12 =	vmul.f32 v13, v16;
	[tilespmem:s29+$0xFFFFFE10] =	vst v3  }
0x158: {  	v10 =	vld [tilespmem:s29+$0xFFFFFF20];
	v13 =	vmul.f32 v14, v16;
	[tilespmem:s29+$0xFFFFFE70] =	vst v11  }
0x159: {  	v14 =	vmul.f32 v15, v16;
	v3 =	vld [tilespmem:s29+$0xFFFFFED0];
	[tilespmem:s29+$0xFFFFFE80] =	vst v12  }
0x15a: {  	s16 =	sadd.s32 $0x2, s13;
	v11 =	vld [tilespmem:s29+$0xFFFFFF30];
	[tilespmem:s29+$0xFFFFFE90] =	vst v13;
	v5 =	vmul.f32 v5, v16  }
0x15b: {  	v15 =	vmov s16;
	v12 =	vld [tilespmem:s29+$0xFFFFFF40];
	[tilespmem:s29+$0xFFFFFEA0] =	vst v14;
	v4 =	vmul.f32 v4, v16  }
0x15c: {  	v15 =	vperm.xlane v1, v15;
	v13 =	vld [tilespmem:s29+$0xFFFFFF50];
	v6 =	vmul.f32 v6, v16;
	[tilespmem:s29+$0xFFFFFEB0] =	vst v5  }
0x15d: {  	v14 =	vld [tilespmem:s29+$0xFFFFFF60];
	v7 =	vmul.f32 v7, v16;
	[tilespmem:s29+$0xFFFFFEC0] =	vst v4  }
0x15e: {  	v8 =	vmul.f32 v8, v15;
	v5 =	vld [tilespmem:s29+$0xFFFFFF70];
	[tilespmem:s29+$0xFFFFFEE0] =	vst v6  }
0x15f: {  	v9 =	vmul.f32 v9, v15;
	v4 =	vld [tilespmem:s29+$0xFFFFFF80];
	[tilespmem:s29+$0xFFFFFEF0] =	vst v7  }
0x160: {  	v10 =	vmul.f32 v10, v15;
	v6 =	vld [tilespmem:s29+$0xFFFFFFA0];
	[tilespmem:s29+$0xFFFFFF00] =	vst v8  }
0x161: {  	v3 =	vmul.f32 v3, v16;
	v7 =	vld [tilespmem:s29+$0xFFFFFFB0];
	[tilespmem:s29+$0xFFFFFF10] =	vst v9  }
0x162: {  	v8 =	vld [tilespmem:s29+$0xFFFFFFC0];
	v11 =	vmul.f32 v11, v15;
	[tilespmem:s29+$0xFFFFFF20] =	vst v10  }
0x163: {  	s9 =	sadd.s32 $0xB, s10;
	v9 =	vld [tilespmem:s29+$0xFFFFFFD0];
	v12 =	vmul.f32 v12, v15;
	[tilespmem:s29+$0xFFFFFED0] =	vst v3  }
0x164: {  	v58 =	vmov s9;
	v10 =	vld [tilespmem:s29+$0xFFFFFFE0];
	v13 =	vmul.f32 v13, v15;
	[tilespmem:s29+$0xFFFFFF30] =	vst v11  }
0x165: {  	v16 =	vperm.xlane v1, v58;
	v14 =	vmul.f32 v14, v15;
	v3 =	vld [tilespmem:s29+$0xFFFFFF90];
	[tilespmem:s29+$0xFFFFFF40] =	vst v12  }
0x166: {  	v11 =	vld [tilespmem:s29+$0xFFFFFFF0];
	[tilespmem:s29+$0xFFFFFF50] =	vst v13;
	v5 =	vmul.f32 v5, v15  }
0x167: {  	v12 =	vld [tilespmem:s29+$0x0];
	[tilespmem:s29+$0xFFFFFF60] =	vst v14;
	v4 =	vmul.f32 v4, v16  }
0x168: {  	v13 =	vld [tilespmem:s29+$0x10];
	v6 =	vmul.f32 v6, v16;
	[tilespmem:s29+$0xFFFFFF70] =	vst v5  }
0x169: {  	v14 =	vld [tilespmem:s29+$0x20];
	v7 =	vmul.f32 v7, v16;
	[tilespmem:s29+$0xFFFFFF80] =	vst v4  }
0x16a: {  	v8 =	vmul.f32 v8, v16;
	v5 =	vld [tilespmem:s29+$0x30];
	[tilespmem:s29+$0xFFFFFFA0] =	vst v6  }
0x16b: {  	s4 =	sadd.s32 $0xC, s10;
	v9 =	vmul.f32 v9, v16;
	v4 =	vld [tilespmem:s29+$0x40];
	[tilespmem:s29+$0xFFFFFFB0] =	vst v7  }
0x16c: {  	v15 =	vmov s4;
	v10 =	vmul.f32 v10, v16;
	v6 =	vld [tilespmem:s29+$0x60];
	[tilespmem:s29+$0xFFFFFFC0] =	vst v8  }
0x16d: {  	v15 =	vperm.xlane v1, v15;
	v3 =	vmul.f32 v3, v16;
	v7 =	vld [tilespmem:s29+$0x70];
	[tilespmem:s29+$0xFFFFFFD0] =	vst v9  }
0x16e: {  	v8 =	vld [tilespmem:s29+$0x80];
	v11 =	vmul.f32 v11, v16;
	[tilespmem:s29+$0xFFFFFFE0] =	vst v10  }
0x16f: {  	v9 =	vld [tilespmem:s29+$0x90];
	v12 =	vmul.f32 v12, v15;
	[tilespmem:s29+$0xFFFFFF90] =	vst v3  }
0x170: {  	v10 =	vld [tilespmem:s29+$0xA0];
	v13 =	vmul.f32 v13, v15;
	[tilespmem:s29+$0xFFFFFFF0] =	vst v11  }
0x171: {  	v14 =	vmul.f32 v14, v15;
	v3 =	vld [tilespmem:s29+$0x50];
	[tilespmem:s29+$0x0] =	vst v12  }
0x172: {  	s10 =	sadd.s32 $0x5, s13;
	v11 =	vld [tilespmem:s29+$0xB0];
	[tilespmem:s29+$0x10] =	vst v13;
	v5 =	vmul.f32 v5, v15  }
0x173: {  	v59 =	vmov s10;
	v12 =	vld [tilespmem:s29+$0xC0];
	[tilespmem:s29+$0x20] =	vst v14;
	v4 =	vmul.f32 v4, v15  }
0x174: {  	v16 =	vperm.xlane v1, v59;
	v13 =	vld [tilespmem:s29+$0xD0];
	v6 =	vmul.f32 v6, v15;
	[tilespmem:s29+$0x30] =	vst v5  }
0x175: {  	v14 =	vld [tilespmem:s29+$0xE0];
	v7 =	vmul.f32 v7, v15;
	[tilespmem:s29+$0x40] =	vst v4  }
0x176: {  	v8 =	vmul.f32 v8, v16;
	v5 =	vld [tilespmem:s29+$0xF0];
	[tilespmem:s29+$0x60] =	vst v6  }
0x177: {  	v9 =	vmul.f32 v9, v16;
	v4 =	vld [tilespmem:s29+$0x100];
	[tilespmem:s29+$0x70] =	vst v7  }
0x178: {  	v10 =	vmul.f32 v10, v16;
	v6 =	vld [tilespmem:s29+$0x120];
	[tilespmem:s29+$0x80] =	vst v8  }
0x179: {  	v3 =	vmul.f32 v3, v15;
	v7 =	vld [tilespmem:s29+$0x130];
	[tilespmem:s29+$0x90] =	vst v9  }
0x17a: {  	v8 =	vld [tilespmem:s29+$0x140];
	v11 =	vmul.f32 v11, v16;
	[tilespmem:s29+$0xA0] =	vst v10  }
0x17b: {  	s0 =	sadd.s32 $0x6, s13;
	v9 =	vld [tilespmem:s29+$0x150];
	v12 =	vmul.f32 v12, v16;
	[tilespmem:s29+$0x50] =	vst v3  }
0x17c: {  	v10 =	vld [tilespmem:s29+$0x160];
	v15 =	vmov s0;
	v13 =	vmul.f32 v13, v16;
	[tilespmem:s29+$0xB0] =	vst v11  }
0x17d: {  	v1 =	vperm.xlane v1, v15;
	v14 =	vmul.f32 v14, v16;
	v15 =	vld [tilespmem:s29+$0x1B0];
	[tilespmem:s29+$0xC0] =	vst v12  }
0x17e: {  	v3 =	vld [tilespmem:s29+$0x110];
	[tilespmem:s29+$0xD0] =	vst v13;
	v5 =	vmul.f32 v5, v16  }
0x17f: {  	v11 =	vld [tilespmem:s29+$0x170];
	[tilespmem:s29+$0xE0] =	vst v14;
	v4 =	vmul.f32 v4, v1  }
0x180: {  	v12 =	vld [tilespmem:s29+$0x180];
	v7 =	vmul.f32 v7, v1;
	[tilespmem:s29+$0xF0] =	vst v5  }
0x181: {  	v13 =	vld [tilespmem:s29+$0x190];
	v8 =	vmul.f32 v8, v1;
	[tilespmem:s29+$0x100] =	vst v4  }
0x182: {  	s30 =	simm.s32 $0x8;
	v14 =	vld [tilespmem:s29+$0x1A0];
	v9 =	vmul.f32 v9, v1;
	[tilespmem:s29+$0x130] =	vst v7  }
0x183: {  	s13 =	sand.u32 $0x70, s30;
	v15 =	vmul.f32 v15, v2;
	v5 =	vmul.f32 v6, v1;
	v6 =	vld [tilespmem:s29+$0x1C0];
	[tilespmem:s29+$0x140] =	vst v8  }
0x184: {  	v3 =	vmul.f32 v3, v1;
	v4 =	vld [tilespmem:s13+$0x280];
	[tilespmem:s29+$0x150] =	vst v9  }
0x185: {  	s0 =	simm.s32 $0x8;
	v8 =	vld [tilespmem:s31+$0x1F0];
	[tilespmem:s29+$0x1B0] =	vst v15  }
0x186: {  	s16 =	sand.u32 $0xFFFFFFF0, s0;
	v7 =	vmul.f32 v10, v1;
	v9 =	vld [tilespmem:s31+$0xFFFFFE00];
	[tilespmem:s29+$0x110] =	vst v3  }
0x187: {  	s8 =	ssub.s32 $0x0, s16;
	v1 =	vmul.f32 v11, v1;
	v10 =	vmul.f32 v12, v2;
	v12 =	vld [tilespmem:s31+$0xFFFFFE20];
	[tilespmem:s29+$0x120] =	vst v5  }
0x188: {  	s13 =	sadd.s32 $0xF, s8;
	v15 =	vld [tilespmem:s31+$0xFFFFFE60];
	[tilespmem:s29+$0x160] =	vst v7  }
0x189: {  	s10 =	sand.u32 $0x8, s30;
	v11 =	vmul.f32 v13, v2;
	v13 =	vmul.f32 v14, v2;
	v7 =	vld [tilespmem:s31+$0xFFFFFE10];
	[tilespmem:s29+$0x170] =	vst v1;
	v1 =	vmov s13  }
0x18a: {  	v14 =	vmov s10;
	v3 =	vld [tilespmem:s29+$0x1D0];
	[tilespmem:s29+$0x180] =	vst v10;
	v1 =	vperm.xlane v4, v1  }
0x18b: {  	v5 =	vld [tilespmem:s29+$0x1E0];
	[tilespmem:s29+$0x1A0] =	vst v13;
	v6 =	vmul.f32 v6, v2;
	v13 =	vperm.xlane v4, v14  }
0x18c: {  	v10 =	vld [tilespmem:s31+$0xFFFFFE30];
	[tilespmem:s29+$0x190] =	vst v11;
	v8 =	vmul.f32 v8, v1  }
0x18d: {  	v11 =	vld [tilespmem:s31+$0xFFFFFE40];
	[tilespmem:s29+$0x1C0] =	vst v6;
	v6 =	vmul.f32 v9, v13  }
0x18e: {  	v14 =	vld [tilespmem:s31+$0xFFFFFE50];
	v7 =	vmul.f32 v7, v13;
	[tilespmem:s31+$0x1F0] =	vst v8  }
0x18f: {  	v9 =	vld [tilespmem:s31+$0xFFFFFE70];
	v12 =	vmul.f32 v12, v13;
	[tilespmem:s31+$0xFFFFFE00] =	vst v6  }
0x190: {  	s4 =	ssub.s32 $0x8, s16;
	v15 =	vmul.f32 v15, v13;
	v8 =	vld [tilespmem:s31+$0xFFFFFE80];
	[tilespmem:s31+$0xFFFFFE10] =	vst v7  }
0x191: {  	s16 =	sadd.s32 $0x1, s4;
	v10 =	vmul.f32 v10, v13;
	v6 =	vld [tilespmem:s31+$0xFFFFFE90];
	[tilespmem:s31+$0xFFFFFE20] =	vst v12  }
0x192: {  	v60 =	vmov s16;
	v11 =	vmul.f32 v11, v13;
	v7 =	vld [tilespmem:s31+$0xFFFFFEA0];
	[tilespmem:s31+$0xFFFFFE60] =	vst v15  }
0x193: {  	v16 =	vperm.xlane v4, v60;
	v12 =	vld [tilespmem:s31+$0xFFFFFEB0];
	v14 =	vmul.f32 v14, v13;
	[tilespmem:s31+$0xFFFFFE30] =	vst v10  }
0x194: {  	v10 =	vld [tilespmem:s31+$0xFFFFFEC0];
	[tilespmem:s31+$0xFFFFFE40] =	vst v11;
	v9 =	vmul.f32 v9, v13  }
0x195: {  	v11 =	vld [tilespmem:s31+$0xFFFFFED0];
	[tilespmem:s31+$0xFFFFFE50] =	vst v14;
	v8 =	vmul.f32 v8, v16  }
0x196: {  	v13 =	vld [tilespmem:s31+$0xFFFFFEE0];
	v6 =	vmul.f32 v6, v16;
	[tilespmem:s31+$0xFFFFFE70] =	vst v9  }
0x197: {  	v14 =	vld [tilespmem:s31+$0xFFFFFEF0];
	v7 =	vmul.f32 v7, v16;
	[tilespmem:s31+$0xFFFFFE80] =	vst v8  }
0x198: {  	v9 =	vld [tilespmem:s31+$0xFFFFFF00];
	v12 =	vmul.f32 v12, v16;
	[tilespmem:s31+$0xFFFFFE90] =	vst v6  }
0x199: {  	s10 =	sadd.s32 $0x2, s4;
	v10 =	vmul.f32 v10, v16;
	v8 =	vld [tilespmem:s31+$0xFFFFFF10];
	[tilespmem:s31+$0xFFFFFEA0] =	vst v7  }
0x19a: {  	v15 =	vmov s10;
	v11 =	vmul.f32 v11, v16;
	v6 =	vld [tilespmem:s31+$0xFFFFFF20];
	[tilespmem:s31+$0xFFFFFEB0] =	vst v12  }
0x19b: {  	v15 =	vperm.xlane v4, v15;
	v7 =	vld [tilespmem:s31+$0xFFFFFF30];
	v13 =	vmul.f32 v13, v16;
	[tilespmem:s31+$0xFFFFFEC0] =	vst v10  }
0x19c: {  	v12 =	vld [tilespmem:s31+$0xFFFFFF40];
	v14 =	vmul.f32 v14, v16;
	[tilespmem:s31+$0xFFFFFED0] =	vst v11  }
0x19d: {  	v10 =	vld [tilespmem:s31+$0xFFFFFF50];
	v9 =	vmul.f32 v9, v15;
	[tilespmem:s31+$0xFFFFFEE0] =	vst v13  }
0x19e: {  	v11 =	vld [tilespmem:s31+$0xFFFFFF60];
	[tilespmem:s31+$0xFFFFFEF0] =	vst v14;
	v8 =	vmul.f32 v8, v15  }
0x19f: {  	v13 =	vld [tilespmem:s31+$0xFFFFFF70];
	v6 =	vmul.f32 v6, v15;
	[tilespmem:s31+$0xFFFFFF00] =	vst v9  }
0x1a0: {  	v14 =	vld [tilespmem:s31+$0xFFFFFF80];
	v7 =	vmul.f32 v7, v15;
	[tilespmem:s31+$0xFFFFFF10] =	vst v8  }
0x1a1: {  	s13 =	sadd.s32 $0xB, s8;
	v9 =	vld [tilespmem:s31+$0xFFFFFF90];
	v12 =	vmul.f32 v12, v15;
	[tilespmem:s31+$0xFFFFFF20] =	vst v6  }
0x1a2: {  	v61 =	vmov s13;
	v10 =	vmul.f32 v10, v15;
	v8 =	vld [tilespmem:s31+$0xFFFFFFA0];
	[tilespmem:s31+$0xFFFFFF30] =	vst v7  }
0x1a3: {  	v16 =	vperm.xlane v4, v61;
	v11 =	vmul.f32 v11, v15;
	v6 =	vld [tilespmem:s31+$0xFFFFFFB0];
	[tilespmem:s31+$0xFFFFFF40] =	vst v12  }
0x1a4: {  	v7 =	vld [tilespmem:s31+$0xFFFFFFC0];
	v13 =	vmul.f32 v13, v15;
	[tilespmem:s31+$0xFFFFFF50] =	vst v10  }
0x1a5: {  	v12 =	vld [tilespmem:s31+$0xFFFFFFD0];
	v14 =	vmul.f32 v14, v16;
	[tilespmem:s31+$0xFFFFFF60] =	vst v11  }
0x1a6: {  	v10 =	vld [tilespmem:s31+$0xFFFFFFE0];
	v9 =	vmul.f32 v9, v16;
	[tilespmem:s31+$0xFFFFFF70] =	vst v13  }
0x1a7: {  	v11 =	vld [tilespmem:s31+$0xFFFFFFF0];
	[tilespmem:s31+$0xFFFFFF80] =	vst v14;
	v8 =	vmul.f32 v8, v16  }
0x1a8: {  	v13 =	vld [tilespmem:s31+$0x0];
	v6 =	vmul.f32 v6, v16;
	[tilespmem:s31+$0xFFFFFF90] =	vst v9  }
0x1a9: {  	s8 =	sadd.s32 $0xC, s8;
	v14 =	vld [tilespmem:s31+$0x10];
	v7 =	vmul.f32 v7, v16;
	[tilespmem:s31+$0xFFFFFFA0] =	vst v8  }
0x1aa: {  	v15 =	vmov s8;
	v9 =	vld [tilespmem:s31+$0x20];
	v12 =	vmul.f32 v12, v16;
	[tilespmem:s31+$0xFFFFFFB0] =	vst v6  }
0x1ab: {  	v15 =	vperm.xlane v4, v15;
	v10 =	vmul.f32 v10, v16;
	v8 =	vld [tilespmem:s31+$0x30];
	[tilespmem:s31+$0xFFFFFFC0] =	vst v7  }
0x1ac: {  	v11 =	vmul.f32 v11, v16;
	v6 =	vld [tilespmem:s31+$0x40];
	[tilespmem:s31+$0xFFFFFFD0] =	vst v12  }
0x1ad: {  	v7 =	vld [tilespmem:s31+$0x50];
	v13 =	vmul.f32 v13, v15;
	[tilespmem:s31+$0xFFFFFFE0] =	vst v10  }
0x1ae: {  	v12 =	vld [tilespmem:s31+$0x60];
	v14 =	vmul.f32 v14, v15;
	[tilespmem:s31+$0xFFFFFFF0] =	vst v11  }
0x1af: {  	v10 =	vld [tilespmem:s31+$0x70];
	v9 =	vmul.f32 v9, v15;
	[tilespmem:s31+$0x0] =	vst v13  }
0x1b0: {  	v11 =	vld [tilespmem:s31+$0x80];
	[tilespmem:s31+$0x10] =	vst v14;
	v8 =	vmul.f32 v8, v15  }
0x1b1: {  	s16 =	sadd.s32 $0x5, s4;
	v13 =	vld [tilespmem:s31+$0x90];
	v6 =	vmul.f32 v6, v15;
	[tilespmem:s31+$0x20] =	vst v9  }
0x1b2: {  	v62 =	vmov s16;
	v14 =	vld [tilespmem:s31+$0xA0];
	v7 =	vmul.f32 v7, v15;
	[tilespmem:s31+$0x30] =	vst v8  }
0x1b3: {  	v16 =	vperm.xlane v4, v62;
	v9 =	vld [tilespmem:s31+$0xB0];
	v12 =	vmul.f32 v12, v15;
	[tilespmem:s31+$0x40] =	vst v6  }
0x1b4: {  	v10 =	vmul.f32 v10, v15;
	v8 =	vld [tilespmem:s31+$0xC0];
	[tilespmem:s31+$0x50] =	vst v7  }
0x1b5: {  	v11 =	vmul.f32 v11, v16;
	v6 =	vld [tilespmem:s31+$0xD0];
	[tilespmem:s31+$0x60] =	vst v12  }
0x1b6: {  	v7 =	vld [tilespmem:s31+$0xE0];
	v13 =	vmul.f32 v13, v16;
	[tilespmem:s31+$0x70] =	vst v10  }
0x1b7: {  	v12 =	vld [tilespmem:s31+$0xF0];
	v14 =	vmul.f32 v14, v16;
	[tilespmem:s31+$0x80] =	vst v11  }
0x1b8: {  	v10 =	vld [tilespmem:s31+$0x100];
	v9 =	vmul.f32 v9, v16;
	[tilespmem:s31+$0x90] =	vst v13  }
0x1b9: {  	s4 =	sadd.s32 $0x6, s4;
	v11 =	vld [tilespmem:s31+$0x110];
	[tilespmem:s31+$0xA0] =	vst v14;
	v8 =	vmul.f32 v8, v16  }
0x1ba: {  	v15 =	vmov s4;
	v13 =	vld [tilespmem:s31+$0x120];
	v6 =	vmul.f32 v6, v16;
	[tilespmem:s31+$0xB0] =	vst v9  }
0x1bb: {  	v4 =	vperm.xlane v4, v15;
	v14 =	vld [tilespmem:s31+$0x130];
	v7 =	vmul.f32 v7, v16;
	[tilespmem:s31+$0xC0] =	vst v8  }
0x1bc: {  	v15 =	vld [tilespmem:s31+$0x150];
	v8 =	vmul.f32 v12, v16;
	[tilespmem:s31+$0xD0] =	vst v6  }
0x1bd: {  	v9 =	vld [tilespmem:s31+$0x170];
	v6 =	vmul.f32 v10, v4;
	[tilespmem:s31+$0xE0] =	vst v7  }
0x1be: {  	v3 =	vmul.f32 v3, v2;
	v7 =	vmul.f32 v11, v4;
	[tilespmem:s31+$0xF0] =	vst v8;
	v8 =	vld [tilespmem:s31+$0x180]  }
0x1bf: {  	v2 =	vmul.f32 v5, v2;
	v5 =	vmul.f32 v13, v4;
	[tilespmem:s31+$0x100] =	vst v6;
	v6 =	vld [tilespmem:s31+$0x190]  }
0x1c0: {  	v12 =	vmul.f32 v17, v4;
	v13 =	vmul.f32 v14, v4;
	[tilespmem:s31+$0x110] =	vst v7;
	v7 =	vld [tilespmem:s31+$0x1A0]  }
0x1c1: {  	s4 =	simm.s32 $0x4900;
	v11 =	vmul.f32 v15, v4;
	v10 =	vmul.f32 v63, v4;
	[tilespmem:s31+$0x120] =	vst v5;
	v5 =	vld [tilespmem:s31+$0x1B0]  }
.LBB2_10:
0x1c2: {  	[tilespmem:s31+$0x130] =	vst v13;
	v4 =	vmul.f32 v9, v4;
	v9 =	vld [tilespmem:s31+$0x1C0];
	s8 =	smov.u32 s30;
	s30 =	sadd.s32 $0x8, s30;
	s0 =	sadd.s32 $0x8, s0  }
0x1c3: {  	s9 =	sand.u32 $0x70, s30;
	s10 =	sand.u32 $0x8, s30;
	p1 =	slt.u32 s30, $0x78;
	[tilespmem:s31+$0x140] =	vst v12;
	v8 =	vmul.f32 v8, v1;
	v12 =	vld [tilespmem:s31+$0x1D0]  }
0x1c4: {  	v13 =	vld [tilespmem:s9+$0x280];
	v14 =	vmov s10;
	[tilespmem:s31+$0x150] =	vst v11;
	v6 =	vmul.f32 v6, v1;
	s9 =	sand.u32 $0xFFFFFFF0, s0  }
0x1c5: {  	s31 =	sadd.s32 $0x400, s31;
	[tilespmem:s4+$0x160] =	vst v10;
	v7 =	vmul.f32 v7, v1;
	v10 =	vld [tilespmem:s4+$0x1E0];
	s10 =	ssub.s32 s30, s9  }
0x1c6: {  	s8 =	ssub.s32 s8, s9;
	v11 =	vld [tilespmem:s31+$0x1F0];
	[tilespmem:s4+$0x170] =	vst v4;
	v4 =	vmul.f32 v5, v1;
	s9 =	sadd.s32 $0x1, s10  }
0x1c7: {  	s13 =	sadd.s32 $0x2, s10;
	s16 =	sadd.s32 $0xF, s8;
	v15 =	vld [tilespmem:s31+$0xFFFFFE00];
	[tilespmem:s4+$0x180] =	vst v8;
	v5 =	vmul.f32 v9, v1;
	v9 =	vmov s9  }
0x1c8: {  	v16 =	vmov s13;
	s9 =	sadd.s32 $0xB, s8;
	s8 =	sadd.s32 $0xC, s8;
	s13 =	sadd.s32 $0x5, s10;
	v17 =	vmov s16;
	v8 =	vld [tilespmem:s31+$0xFFFFFE10];
	[tilespmem:s4+$0x190] =	vst v6  }
0x1c9: {  	v6 =	vmov s9;
	v19 =	vmov s8;
	s8 =	sadd.s32 $0x6, s10;
	v18 =	vld [tilespmem:s31+$0xFFFFFE20];
	v17 =	vperm.xlane v13, v17;
	[tilespmem:s4+$0x1A0] =	vst v7  }
0x1ca: {  	v21 =	vmov s13;
	v14 =	vperm.xlane v13, v14;
	v22 =	vmov s8;
	v20 =	vld [tilespmem:s31+$0xFFFFFE30];
	[tilespmem:s4+$0x1B0] =	vst v4  }
0x1cb: {  	v9 =	vperm.xlane v13, v9;
	v23 =	vld [tilespmem:s31+$0xFFFFFE40];
	v4 =	vmul.f32 v11, v17;
	[tilespmem:s4+$0x1C0] =	vst v5  }
0x1cc: {  	v16 =	vperm.xlane v13, v16;
	v7 =	vperm.xlane v13, v6;
	v11 =	vld [tilespmem:s31+$0xFFFFFE50];
	[tilespmem:s29+$0x1D0] =	vst v3  }
0x1cd: {  	v6 =	vperm.xlane v13, v19;
	v5 =	vperm.xlane v13, v21;
	v24 =	vld [tilespmem:s31+$0xFFFFFE60];
	[tilespmem:s31+$0x1F0] =	vst v4  }
0x1ce: {  	v3 =	vmul.f32 v15, v14;
	v4 =	vperm.xlane v13, v22;
	v15 =	vld [tilespmem:s31+$0xFFFFFE70];
	[tilespmem:s29+$0x1E0] =	vst v2;
	s29 =	smov.u32 s4;
	s4 =	smov.u32 s31  }
0x1cf: {  	v2 =	vmul.f32 v8, v14;
	v8 =	vmul.f32 v18, v14;
	v13 =	vld [tilespmem:s31+$0xFFFFFE80]  }
0x1d0: {  	v18 =	vmul.f32 v20, v14;
	[tilespmem:s31+$0xFFFFFE00] =	vst v3;
	v19 =	vmul.f32 v23, v14;
	v20 =	vld [tilespmem:s31+$0xFFFFFE90]  }
0x1d1: {  	v3 =	vmul.f32 v12, v1;
	[tilespmem:s31+$0xFFFFFE10] =	vst v2;
	v11 =	vmul.f32 v11, v14;
	v21 =	vld [tilespmem:s31+$0xFFFFFEA0]  }
0x1d2: {  	v2 =	vmul.f32 v10, v1;
	v1 =	vmov v17;
	[tilespmem:s31+$0xFFFFFE20] =	vst v8;
	v8 =	vmul.f32 v24, v14;
	v12 =	vld [tilespmem:s31+$0xFFFFFEB0]  }
0x1d3: {  	[tilespmem:s31+$0xFFFFFE30] =	vst v18;
	v10 =	vmul.f32 v15, v14;
	v14 =	vld [tilespmem:s31+$0xFFFFFEC0]  }
0x1d4: {  	[tilespmem:s31+$0xFFFFFE40] =	vst v19;
	v13 =	vmul.f32 v13, v9;
	v15 =	vld [tilespmem:s31+$0xFFFFFED0]  }
0x1d5: {  	[tilespmem:s31+$0xFFFFFE50] =	vst v11;
	v11 =	vmul.f32 v20, v9;
	v17 =	vld [tilespmem:s31+$0xFFFFFEE0]  }
0x1d6: {  	[tilespmem:s31+$0xFFFFFE60] =	vst v8;
	v8 =	vmul.f32 v21, v9;
	v18 =	vld [tilespmem:s31+$0xFFFFFEF0]  }
0x1d7: {  	[tilespmem:s31+$0xFFFFFE70] =	vst v10;
	v10 =	vmul.f32 v12, v9;
	v12 =	vld [tilespmem:s31+$0xFFFFFF00]  }
0x1d8: {  	[tilespmem:s31+$0xFFFFFE80] =	vst v13;
	v13 =	vmul.f32 v14, v9;
	v14 =	vld [tilespmem:s31+$0xFFFFFF10]  }
0x1d9: {  	[tilespmem:s31+$0xFFFFFE90] =	vst v11;
	v11 =	vmul.f32 v15, v9;
	v15 =	vld [tilespmem:s31+$0xFFFFFF20]  }
0x1da: {  	[tilespmem:s31+$0xFFFFFEA0] =	vst v8;
	v8 =	vmul.f32 v17, v9;
	v17 =	vld [tilespmem:s31+$0xFFFFFF30]  }
0x1db: {  	[tilespmem:s31+$0xFFFFFEB0] =	vst v10;
	v9 =	vmul.f32 v18, v9;
	v10 =	vld [tilespmem:s31+$0xFFFFFF40]  }
0x1dc: {  	[tilespmem:s31+$0xFFFFFEC0] =	vst v13;
	v12 =	vmul.f32 v12, v16;
	v13 =	vld [tilespmem:s31+$0xFFFFFF50]  }
0x1dd: {  	[tilespmem:s31+$0xFFFFFED0] =	vst v11;
	v11 =	vmul.f32 v14, v16;
	v14 =	vld [tilespmem:s31+$0xFFFFFF60]  }
0x1de: {  	[tilespmem:s31+$0xFFFFFEE0] =	vst v8;
	v8 =	vmul.f32 v15, v16;
	v15 =	vld [tilespmem:s31+$0xFFFFFF70]  }
0x1df: {  	[tilespmem:s31+$0xFFFFFEF0] =	vst v9;
	v9 =	vmul.f32 v17, v16;
	v17 =	vld [tilespmem:s31+$0xFFFFFF80]  }
0x1e0: {  	[tilespmem:s31+$0xFFFFFF00] =	vst v12;
	v10 =	vmul.f32 v10, v16;
	v12 =	vld [tilespmem:s31+$0xFFFFFF90]  }
0x1e1: {  	[tilespmem:s31+$0xFFFFFF10] =	vst v11;
	v11 =	vmul.f32 v13, v16;
	v13 =	vld [tilespmem:s31+$0xFFFFFFA0]  }
0x1e2: {  	[tilespmem:s31+$0xFFFFFF20] =	vst v8;
	v8 =	vmul.f32 v14, v16;
	v14 =	vld [tilespmem:s31+$0xFFFFFFB0]  }
0x1e3: {  	[tilespmem:s31+$0xFFFFFF30] =	vst v9;
	v9 =	vmul.f32 v15, v16;
	v15 =	vld [tilespmem:s31+$0xFFFFFFC0]  }
0x1e4: {  	[tilespmem:s31+$0xFFFFFF40] =	vst v10;
	v10 =	vmul.f32 v17, v7;
	v16 =	vld [tilespmem:s31+$0xFFFFFFD0]  }
0x1e5: {  	[tilespmem:s31+$0xFFFFFF50] =	vst v11;
	v11 =	vmul.f32 v12, v7;
	v12 =	vld [tilespmem:s31+$0xFFFFFFE0]  }
0x1e6: {  	[tilespmem:s31+$0xFFFFFF60] =	vst v8;
	v8 =	vmul.f32 v13, v7;
	v13 =	vld [tilespmem:s31+$0xFFFFFFF0]  }
0x1e7: {  	[tilespmem:s31+$0xFFFFFF70] =	vst v9;
	v9 =	vmul.f32 v14, v7;
	v14 =	vld [tilespmem:s31+$0x0]  }
0x1e8: {  	[tilespmem:s31+$0xFFFFFF80] =	vst v10;
	v10 =	vmul.f32 v15, v7;
	v15 =	vld [tilespmem:s31+$0x10]  }
0x1e9: {  	[tilespmem:s31+$0xFFFFFF90] =	vst v11;
	v11 =	vmul.f32 v16, v7;
	v16 =	vld [tilespmem:s31+$0x20]  }
0x1ea: {  	[tilespmem:s31+$0xFFFFFFA0] =	vst v8;
	v8 =	vmul.f32 v12, v7;
	v12 =	vld [tilespmem:s31+$0x30]  }
0x1eb: {  	[tilespmem:s31+$0xFFFFFFB0] =	vst v9;
	v7 =	vmul.f32 v13, v7;
	v9 =	vld [tilespmem:s31+$0x40]  }
0x1ec: {  	[tilespmem:s31+$0xFFFFFFC0] =	vst v10;
	v10 =	vmul.f32 v14, v6;
	v13 =	vld [tilespmem:s31+$0x50]  }
0x1ed: {  	[tilespmem:s31+$0xFFFFFFD0] =	vst v11;
	v11 =	vmul.f32 v15, v6;
	v14 =	vld [tilespmem:s31+$0x60]  }
0x1ee: {  	[tilespmem:s31+$0xFFFFFFE0] =	vst v8;
	v8 =	vmul.f32 v16, v6;
	v15 =	vld [tilespmem:s31+$0x70]  }
0x1ef: {  	[tilespmem:s31+$0xFFFFFFF0] =	vst v7;
	v7 =	vmul.f32 v12, v6;
	v12 =	vld [tilespmem:s31+$0x80]  }
0x1f0: {  	[tilespmem:s31+$0x0] =	vst v10;
	v9 =	vmul.f32 v9, v6;
	v10 =	vld [tilespmem:s31+$0x90]  }
0x1f1: {  	[tilespmem:s31+$0x10] =	vst v11;
	v11 =	vmul.f32 v13, v6;
	v13 =	vld [tilespmem:s31+$0xA0]  }
0x1f2: {  	[tilespmem:s31+$0x20] =	vst v8;
	v8 =	vmul.f32 v14, v6;
	v14 =	vld [tilespmem:s31+$0xB0]  }
0x1f3: {  	[tilespmem:s31+$0x30] =	vst v7;
	v6 =	vmul.f32 v15, v6;
	v7 =	vld [tilespmem:s31+$0xC0]  }
0x1f4: {  	[tilespmem:s31+$0x40] =	vst v9;
	v9 =	vmul.f32 v12, v5;
	v12 =	vld [tilespmem:s31+$0xD0]  }
0x1f5: {  	[tilespmem:s31+$0x50] =	vst v11;
	v10 =	vmul.f32 v10, v5;
	v11 =	vld [tilespmem:s31+$0xE0]  }
0x1f6: {  	[tilespmem:s31+$0x60] =	vst v8;
	v8 =	vmul.f32 v13, v5;
	v13 =	vld [tilespmem:s31+$0xF0]  }
0x1f7: {  	[tilespmem:s31+$0x70] =	vst v6;
	v6 =	vmul.f32 v14, v5;
	v14 =	vld [tilespmem:s31+$0x100]  }
0x1f8: {  	[tilespmem:s31+$0x80] =	vst v9;
	v7 =	vmul.f32 v7, v5;
	v9 =	vld [tilespmem:s31+$0x110]  }
0x1f9: {  	[tilespmem:s31+$0x90] =	vst v10;
	v10 =	vmul.f32 v12, v5;
	v12 =	vld [tilespmem:s31+$0x120]  }
0x1fa: {  	[tilespmem:s31+$0xA0] =	vst v8;
	v8 =	vmul.f32 v11, v5;
	v11 =	vld [tilespmem:s31+$0x130]  }
0x1fb: {  	[tilespmem:s31+$0xB0] =	vst v6;
	v5 =	vmul.f32 v13, v5;
	v6 =	vld [tilespmem:s31+$0x140]  }
0x1fc: {  	[tilespmem:s31+$0xC0] =	vst v7;
	v7 =	vmul.f32 v14, v4;
	v14 =	vld [tilespmem:s31+$0x150]  }
0x1fd: {  	[tilespmem:s31+$0xD0] =	vst v10;
	v10 =	vmul.f32 v9, v4;
	v15 =	vld [tilespmem:s31+$0x160]  }
.Ltmp5:
0x1fe: {  	[tilespmem:s31+$0xE0] =	vst v8;
	v16 =	vmul.f32 v12, v4;
	v9 =	vld [tilespmem:s31+$0x170];
	(pc) =	sbr.rel @p1 .LBB2_10-.Ltmp5, $4  }
0x1ff: {  	[tilespmem:s31+$0xF0] =	vst v5;
	v13 =	vmul.f32 v11, v4;
	v8 =	vld [tilespmem:s31+$0x180]  }
0x200: {  	[tilespmem:s31+$0x100] =	vst v7;
	v12 =	vmul.f32 v6, v4;
	v6 =	vld [tilespmem:s31+$0x190]  }
0x201: {  	[tilespmem:s31+$0x110] =	vst v10;
	v11 =	vmul.f32 v14, v4;
	v7 =	vld [tilespmem:s31+$0x1A0]  }
0x202: {  	[tilespmem:s31+$0x120] =	vst v16;
	v10 =	vmul.f32 v15, v4;
	v5 =	vld [tilespmem:s31+$0x1B0]  }
0x203: {  	[tilespmem:s31+$0x130] =	vst v13  }
0x204: {  	[tilespmem:s31+$0x140] =	vst v12  }
0x205: {  	[tilespmem:s31+$0x150] =	vst v11  }
0x206: {  	[tilespmem:s29+$0x1D0] =	vst v3  }
0x207: {  	v4 =	vmul.f32 v9, v4;
	v59 =	vld [tilespmem:s31+$0x1C0];
	[tilespmem:s29+$0x1E0] =	vst v2  }
0x208: {  	v60 =	vld [tilespmem:s31+$0x1D0];
	v8 =	vmul.f32 v8, v1;
	[tilespmem:s4+$0x160] =	vst v10  }
0x209: {  	v61 =	vld [tilespmem:s4+$0x1E0];
	v6 =	vmul.f32 v6, v1;
	[tilespmem:s4+$0x170] =	vst v4  }
0x20a: {  	v62 =	vmul.f32 v7, v1;
	[tilespmem:s4+$0x180] =	vst v8  }
0x20b: {  	v5 =	vmul.f32 v5, v1;
	[tilespmem:s4+$0x190] =	vst v6  }
0x20c: {  	v63 =	vmul.f32 v59, v1;
	[tilespmem:s4+$0x1A0] =	vst v62  }
0x20d: {  	v3 =	vmul.f32 v60, v1;
	[tilespmem:s4+$0x1B0] =	vst v5  }
0x20e: {  	v1 =	vmul.f32 v61, v1;
	[tilespmem:s4+$0x1C0] =	vst v63  }
0x20f: {  	[tilespmem:s4+$0x1D0] =	vst v3  }
0x210: {  	[tilespmem:s4+$0x1E0] =	vst v1  }
0x211: {  	v1 =	vld [tilespmem:$0x180];
	_ =	sdelay $0x7  }
0x212: {  	[spmem:s2] =	stream.indirect_vreg.scatter.add.f32 [tilespmem:s24], [sflag:$0x4], $0x80, v1, vm0, $0xb8;
	[tilespmem:$0x1BB80] =	vst v63  }
0x213: {  	v1 =	vld [tilespmem:$0x190];
	_ =	sdelay $0x6  }
0x214: {  	s0 =	simm.s32 $0x4B00  }
0x215: {  	[spmem:s2] =	stream.indirect_vreg.scatter.add.f32 [tilespmem:s0], [sflag:$0x4], $0x80, v1, vm0, $0xb8;
	[tilespmem:$0x1BB80] =	vst v63  }
0x216: {  	v1 =	vld [tilespmem:$0x1A0];
	_ =	sdelay $0x6  }
0x217: {  	s9 =	simm.s32 $0x5300  }
0x218: {  	[spmem:s2] =	stream.indirect_vreg.scatter.add.f32 [tilespmem:s9], [sflag:$0x4], $0x80, v1, vm0, $0xb8;
	[tilespmem:$0x1BB80] =	vst v63  }
0x219: {  	v1 =	vld [tilespmem:$0x1B0];
	_ =	sdelay $0x6  }
0x21a: {  	s10 =	simm.s32 $0x5B00  }
0x21b: {  	[spmem:s2] =	stream.indirect_vreg.scatter.add.f32 [tilespmem:s10], [sflag:$0x4], $0x80, v1, vm0, $0xb8;
	[tilespmem:$0x1BB80] =	vst v63  }
0x21c: {  	v1 =	vld [tilespmem:$0x1C0];
	_ =	sdelay $0x6  }
0x21d: {  	s13 =	simm.s32 $0x6300  }
0x21e: {  	[spmem:s2] =	stream.indirect_vreg.scatter.add.f32 [tilespmem:s13], [sflag:$0x4], $0x80, v1, vm0, $0xb8;
	[tilespmem:$0x1BB80] =	vst v63  }
0x21f: {  	v1 =	vld [tilespmem:$0x1D0];
	_ =	sdelay $0x6  }
0x220: {  	s16 =	simm.s32 $0x6B00  }
0x221: {  	[spmem:s2] =	stream.indirect_vreg.scatter.add.f32 [tilespmem:s16], [sflag:$0x4], $0x80, v1, vm0, $0xb8;
	[tilespmem:$0x1BB80] =	vst v63  }
0x222: {  	v1 =	vld [tilespmem:$0x1E0];
	_ =	sdelay $0x7  }
0x223: {  	[spmem:s2] =	stream.indirect_vreg.scatter.add.f32 [tilespmem:s14], [sflag:$0x4], $0x80, v1, vm0, $0xb8;
	[tilespmem:$0x1BB80] =	vst v63  }
0x224: {  	v1 =	vld [tilespmem:$0x1F0];
	_ =	sdelay $0x4  }
0x225: {  	s29 =	sadd.s32 s28, s12  }
0x226: {  	s30 =	sshll.u32 s29, $0x5  }
0x227: {  	s4 =	sand.u32 $0x1FFFFFE0, s30;
	s0 =	sshll.u32 s29, $0x4  }
0x228: {  	[spmem:s2] =	stream.indirect_vreg.scatter.add.f32 [tilespmem:s15], [sflag:$0x4], $0x80, v1, vm0, $0xb8;
	[tilespmem:$0x1BB80] =	vst v63  }
0x229: {  	s4 =	sadd.s32 s5, s4;
	s0 =	sand.u32 $0x1FFFFFF0, s0  }
0x22a: {  	[tilespmem:s20], [sflag:$0x5] =	stream.linear.gather [hbm4b:s4+s3], $0x100, $0x38;
	[tilespmem:$0x1BB80] =	vst v63  }
0x22b: {  	s31 =	simm.s32 $0x280;
	s0 =	sadd.s32 s6, s0  }
0x22c: {  	[tilespmem:s31], [sflag:$0x5] =	stream.linear.gather [hbm4b:s0+s3], $0x80, $0x38;
	[tilespmem:$0x1BB80] =	vst v63  }
0x22d: {  	_ =	swait.ge [sflag:s19], $0x4000  }
0x22e: {  	[sflag:s19] =	ssyncset.done $0x0  }
0x22f: {  	[sflag:s19] =	ssyncadd.s32 $0xFFFFC000  }
0x230: {  	_ =	swait.ge [sflag:s22], $0x100  }
0x231: {  	[sflag:s22] =	ssyncset.done $0x0  }
0x232: {  	[sflag:s22] =	ssyncadd.s32 $0xFFFFFF00  }
0x233: {  	_ =	swait.ge [sflag:s22], $0x80  }
0x234: {  	[sflag:s22] =	ssyncset.done $0x0  }
0x235: {  	[sflag:s22] =	ssyncadd.s32 $0xFFFFFF80  }
0x236: {  	_ =	swait.ge [sflag:s22], $0x100  }
0x237: {  	[sflag:s22] =	ssyncset.done $0x0  }
.Ltmp6:
0x238: {  	[sflag:s22] =	ssyncadd.s32 $0xFFFFFF00;
	(pc) =	sbr.rel .LBB2_6-.Ltmp6, $4  }
0x239: {  	_ =	swait.ge [sflag:s22], $0x80  }
0x23a: {  	[sflag:s22] =	ssyncset.done $0x0  }
0x23b: {  	s26 =	sadd.s32 $0x1, s26;
	[sflag:s22] =	ssyncadd.s32 $0xFFFFFF80  }
0x23c: {  	[tilespmem:s17], [sflag:$0x1] =	stream.indirect.gather [hbm4b:s1+s23], $0x80, s3, s23, $0xb8;
	[tilespmem:$0x1BB80] =	vst v63  }
.LBB2_12:
0x23d: {  	_ =	swait.ge [sflag:s7], $0x4000  }
0x23e: {  	s0 =	simm.s32 $0x0;
	[sflag:s7] =	ssyncset.done $0x0  }
0x23f: {  	s4 =	sand.u32 $0x70, s0;
	[sflag:s7] =	ssyncadd.s32 $0xFFFFC000  }
0x240: {  	s21 =	simm.s32 $0x4500;
	v1 =	vld [tilespmem:s4+$0x280]  }
0x241: {  	v3 =	vld [tilespmem:s21+$0x1F0]  }
0x242: {  	v4 =	vld [tilespmem:s21+$0xFFFFFE00]  }
0x243: {  	v5 =	vld [tilespmem:s21+$0xFFFFFE10]  }
0x244: {  	s9 =	simm.s32 $0x0;
	v6 =	vld [tilespmem:s21+$0xFFFFFE20]  }
0x245: {  	s8 =	sand.u32 $0xFFFFFFF0, s9;
	v7 =	vld [tilespmem:s21+$0xFFFFFE30]  }
0x246: {  	s4 =	ssub.s32 $0xFFFFFFF8, s8;
	v8 =	vld [tilespmem:s21+$0xFFFFFE40]  }
0x247: {  	v9 =	vld [tilespmem:s21+$0xFFFFFE50];
	s9 =	sadd.s32 $0xF, s4  }
0x248: {  	s0 =	sand.u32 $0x8, s0;
	v10 =	vld [tilespmem:s21+$0xFFFFFE60];
	v2 =	vmov s9  }
0x249: {  	v11 =	vmov s0;
	v12 =	vld [tilespmem:s21+$0xFFFFFE70];
	v2 =	vperm.xlane v1, v2  }
0x24a: {  	v13 =	vld [tilespmem:s21+$0xFFFFFE80];
	v11 =	vperm.xlane v1, v11  }
0x24b: {  	v14 =	vld [tilespmem:s21+$0xFFFFFE90];
	v3 =	vmul.f32 v3, v2  }
0x24c: {  	s28 =	simm.s32 $0x4900;
	v15 =	vld [tilespmem:s21+$0xFFFFFEA0];
	v4 =	vmul.f32 v4, v11  }
0x24d: {  	v17 =	vld [tilespmem:s28+$0x140];
	v6 =	vmul.f32 v6, v11;
	[tilespmem:s21+$0x1F0] =	vst v3  }
0x24e: {  	v63 =	vld [tilespmem:s28+$0x160];
	v7 =	vmul.f32 v7, v11;
	[tilespmem:s21+$0xFFFFFE00] =	vst v4  }
0x24f: {  	s10 =	ssub.s32 $0x0, s8;
	v8 =	vmul.f32 v8, v11;
	v3 =	vmul.f32 v5, v11;
	v5 =	vld [tilespmem:s21+$0xFFFFFEB0];
	[tilespmem:s21+$0xFFFFFE20] =	vst v6  }
0x250: {  	s8 =	sadd.s32 $0x1, s10;
	v9 =	vmul.f32 v9, v11;
	v4 =	vld [tilespmem:s21+$0xFFFFFEC0];
	[tilespmem:s21+$0xFFFFFE30] =	vst v7  }
0x251: {  	v16 =	vmov s8;
	v10 =	vmul.f32 v10, v11;
	v6 =	vld [tilespmem:s21+$0xFFFFFEE0];
	[tilespmem:s21+$0xFFFFFE40] =	vst v8  }
0x252: {  	v16 =	vperm.xlane v1, v16;
	v7 =	vld [tilespmem:s21+$0xFFFFFEF0];
	[tilespmem:s21+$0xFFFFFE50] =	vst v9  }
0x253: {  	v8 =	vld [tilespmem:s21+$0xFFFFFF00];
	v11 =	vmul.f32 v12, v11;
	[tilespmem:s21+$0xFFFFFE60] =	vst v10  }
0x254: {  	v9 =	vld [tilespmem:s21+$0xFFFFFF10];
	v12 =	vmul.f32 v13, v16;
	[tilespmem:s21+$0xFFFFFE10] =	vst v3  }
0x255: {  	v10 =	vld [tilespmem:s21+$0xFFFFFF20];
	v13 =	vmul.f32 v14, v16;
	[tilespmem:s21+$0xFFFFFE70] =	vst v11  }
0x256: {  	v14 =	vmul.f32 v15, v16;
	v3 =	vld [tilespmem:s21+$0xFFFFFED0];
	[tilespmem:s21+$0xFFFFFE80] =	vst v12  }
0x257: {  	s13 =	sadd.s32 $0x2, s10;
	v11 =	vld [tilespmem:s21+$0xFFFFFF30];
	[tilespmem:s21+$0xFFFFFE90] =	vst v13;
	v5 =	vmul.f32 v5, v16  }
0x258: {  	v15 =	vmov s13;
	v12 =	vld [tilespmem:s21+$0xFFFFFF40];
	[tilespmem:s21+$0xFFFFFEA0] =	vst v14;
	v4 =	vmul.f32 v4, v16  }
0x259: {  	v15 =	vperm.xlane v1, v15;
	v13 =	vld [tilespmem:s21+$0xFFFFFF50];
	v6 =	vmul.f32 v6, v16;
	[tilespmem:s21+$0xFFFFFEB0] =	vst v5  }
0x25a: {  	v14 =	vld [tilespmem:s21+$0xFFFFFF60];
	v7 =	vmul.f32 v7, v16;
	[tilespmem:s21+$0xFFFFFEC0] =	vst v4  }
0x25b: {  	v8 =	vmul.f32 v8, v15;
	v5 =	vld [tilespmem:s21+$0xFFFFFF70];
	[tilespmem:s21+$0xFFFFFEE0] =	vst v6  }
0x25c: {  	v9 =	vmul.f32 v9, v15;
	v4 =	vld [tilespmem:s21+$0xFFFFFF80];
	[tilespmem:s21+$0xFFFFFEF0] =	vst v7  }
0x25d: {  	v10 =	vmul.f32 v10, v15;
	v6 =	vld [tilespmem:s21+$0xFFFFFFA0];
	[tilespmem:s21+$0xFFFFFF00] =	vst v8  }
0x25e: {  	v3 =	vmul.f32 v3, v16;
	v7 =	vld [tilespmem:s21+$0xFFFFFFB0];
	[tilespmem:s21+$0xFFFFFF10] =	vst v9  }
0x25f: {  	v8 =	vld [tilespmem:s21+$0xFFFFFFC0];
	v11 =	vmul.f32 v11, v15;
	[tilespmem:s21+$0xFFFFFF20] =	vst v10  }
0x260: {  	s16 =	sadd.s32 $0xB, s4;
	v9 =	vld [tilespmem:s21+$0xFFFFFFD0];
	v12 =	vmul.f32 v12, v15;
	[tilespmem:s21+$0xFFFFFED0] =	vst v3  }
0x261: {  	v58 =	vmov s16;
	v10 =	vld [tilespmem:s21+$0xFFFFFFE0];
	v13 =	vmul.f32 v13, v15;
	[tilespmem:s21+$0xFFFFFF30] =	vst v11  }
0x262: {  	v16 =	vperm.xlane v1, v58;
	v14 =	vmul.f32 v14, v15;
	v3 =	vld [tilespmem:s21+$0xFFFFFF90];
	[tilespmem:s21+$0xFFFFFF40] =	vst v12  }
0x263: {  	v11 =	vld [tilespmem:s21+$0xFFFFFFF0];
	[tilespmem:s21+$0xFFFFFF50] =	vst v13;
	v5 =	vmul.f32 v5, v15  }
0x264: {  	v12 =	vld [tilespmem:s21+$0x0];
	[tilespmem:s21+$0xFFFFFF60] =	vst v14;
	v4 =	vmul.f32 v4, v16  }
0x265: {  	v13 =	vld [tilespmem:s21+$0x10];
	v6 =	vmul.f32 v6, v16;
	[tilespmem:s21+$0xFFFFFF70] =	vst v5  }
0x266: {  	v14 =	vld [tilespmem:s21+$0x20];
	v7 =	vmul.f32 v7, v16;
	[tilespmem:s21+$0xFFFFFF80] =	vst v4  }
0x267: {  	v8 =	vmul.f32 v8, v16;
	v5 =	vld [tilespmem:s21+$0x30];
	[tilespmem:s21+$0xFFFFFFA0] =	vst v6  }
0x268: {  	s4 =	sadd.s32 $0xC, s4;
	v9 =	vmul.f32 v9, v16;
	v4 =	vld [tilespmem:s21+$0x40];
	[tilespmem:s21+$0xFFFFFFB0] =	vst v7  }
0x269: {  	v15 =	vmov s4;
	v10 =	vmul.f32 v10, v16;
	v6 =	vld [tilespmem:s21+$0x60];
	[tilespmem:s21+$0xFFFFFFC0] =	vst v8  }
0x26a: {  	v15 =	vperm.xlane v1, v15;
	v3 =	vmul.f32 v3, v16;
	v7 =	vld [tilespmem:s21+$0x70];
	[tilespmem:s21+$0xFFFFFFD0] =	vst v9  }
0x26b: {  	v8 =	vld [tilespmem:s21+$0x80];
	v11 =	vmul.f32 v11, v16;
	[tilespmem:s21+$0xFFFFFFE0] =	vst v10  }
0x26c: {  	v9 =	vld [tilespmem:s21+$0x90];
	v12 =	vmul.f32 v12, v15;
	[tilespmem:s21+$0xFFFFFF90] =	vst v3  }
0x26d: {  	v10 =	vld [tilespmem:s21+$0xA0];
	v13 =	vmul.f32 v13, v15;
	[tilespmem:s21+$0xFFFFFFF0] =	vst v11  }
0x26e: {  	v14 =	vmul.f32 v14, v15;
	v3 =	vld [tilespmem:s21+$0x50];
	[tilespmem:s21+$0x0] =	vst v12  }
0x26f: {  	s26 =	sadd.s32 $0x5, s10;
	v11 =	vld [tilespmem:s21+$0xB0];
	[tilespmem:s21+$0x10] =	vst v13;
	v5 =	vmul.f32 v5, v15  }
0x270: {  	v59 =	vmov s26;
	v12 =	vld [tilespmem:s21+$0xC0];
	[tilespmem:s21+$0x20] =	vst v14;
	v4 =	vmul.f32 v4, v15  }
0x271: {  	v16 =	vperm.xlane v1, v59;
	v13 =	vld [tilespmem:s21+$0xD0];
	v6 =	vmul.f32 v6, v15;
	[tilespmem:s21+$0x30] =	vst v5  }
0x272: {  	v14 =	vld [tilespmem:s21+$0xE0];
	v7 =	vmul.f32 v7, v15;
	[tilespmem:s21+$0x40] =	vst v4  }
0x273: {  	v8 =	vmul.f32 v8, v16;
	v5 =	vld [tilespmem:s21+$0xF0];
	[tilespmem:s21+$0x60] =	vst v6  }
0x274: {  	v9 =	vmul.f32 v9, v16;
	v4 =	vld [tilespmem:s21+$0x100];
	[tilespmem:s21+$0x70] =	vst v7  }
0x275: {  	v10 =	vmul.f32 v10, v16;
	v6 =	vld [tilespmem:s21+$0x120];
	[tilespmem:s21+$0x80] =	vst v8  }
0x276: {  	v3 =	vmul.f32 v3, v15;
	v7 =	vld [tilespmem:s21+$0x130];
	[tilespmem:s21+$0x90] =	vst v9  }
0x277: {  	v8 =	vld [tilespmem:s21+$0x140];
	v11 =	vmul.f32 v11, v16;
	[tilespmem:s21+$0xA0] =	vst v10  }
0x278: {  	s0 =	sadd.s32 $0x6, s10;
	v9 =	vld [tilespmem:s21+$0x150];
	v12 =	vmul.f32 v12, v16;
	[tilespmem:s21+$0x50] =	vst v3  }
0x279: {  	v10 =	vld [tilespmem:s21+$0x160];
	v15 =	vmov s0;
	v13 =	vmul.f32 v13, v16;
	[tilespmem:s21+$0xB0] =	vst v11  }
0x27a: {  	v1 =	vperm.xlane v1, v15;
	v14 =	vmul.f32 v14, v16;
	v15 =	vld [tilespmem:s21+$0x1B0];
	[tilespmem:s21+$0xC0] =	vst v12  }
0x27b: {  	v3 =	vld [tilespmem:s21+$0x110];
	[tilespmem:s21+$0xD0] =	vst v13;
	v5 =	vmul.f32 v5, v16  }
0x27c: {  	v11 =	vld [tilespmem:s21+$0x170];
	[tilespmem:s21+$0xE0] =	vst v14;
	v4 =	vmul.f32 v4, v1  }
0x27d: {  	v12 =	vld [tilespmem:s21+$0x180];
	v7 =	vmul.f32 v7, v1;
	[tilespmem:s21+$0xF0] =	vst v5  }
0x27e: {  	v13 =	vld [tilespmem:s21+$0x190];
	v8 =	vmul.f32 v8, v1;
	[tilespmem:s21+$0x100] =	vst v4  }
0x27f: {  	s26 =	simm.s32 $0x8;
	v14 =	vld [tilespmem:s21+$0x1A0];
	v9 =	vmul.f32 v9, v1;
	[tilespmem:s21+$0x130] =	vst v7  }
0x280: {  	s29 =	sand.u32 $0x70, s26;
	v15 =	vmul.f32 v15, v2;
	v5 =	vmul.f32 v6, v1;
	v6 =	vld [tilespmem:s21+$0x1C0];
	[tilespmem:s21+$0x140] =	vst v8  }
0x281: {  	v3 =	vmul.f32 v3, v1;
	v4 =	vld [tilespmem:s29+$0x280];
	[tilespmem:s21+$0x150] =	vst v9  }
0x282: {  	s0 =	simm.s32 $0x8;
	v8 =	vld [tilespmem:s28+$0x1F0];
	[tilespmem:s21+$0x1B0] =	vst v15  }
0x283: {  	s30 =	sand.u32 $0xFFFFFFF0, s0;
	v7 =	vmul.f32 v10, v1;
	v9 =	vld [tilespmem:s28+$0xFFFFFE00];
	[tilespmem:s21+$0x110] =	vst v3  }
0x284: {  	s31 =	ssub.s32 $0x0, s30;
	v1 =	vmul.f32 v11, v1;
	v10 =	vmul.f32 v12, v2;
	v12 =	vld [tilespmem:s28+$0xFFFFFE20];
	[tilespmem:s21+$0x120] =	vst v5  }
0x285: {  	s13 =	sadd.s32 $0xF, s31;
	v15 =	vld [tilespmem:s28+$0xFFFFFE60];
	[tilespmem:s21+$0x160] =	vst v7  }
0x286: {  	s10 =	sand.u32 $0x8, s26;
	v11 =	vmul.f32 v13, v2;
	v13 =	vmul.f32 v14, v2;
	v7 =	vld [tilespmem:s28+$0xFFFFFE10];
	[tilespmem:s21+$0x170] =	vst v1;
	v1 =	vmov s13  }
0x287: {  	v14 =	vmov s10;
	v3 =	vld [tilespmem:s21+$0x1D0];
	[tilespmem:s21+$0x180] =	vst v10;
	v1 =	vperm.xlane v4, v1  }
0x288: {  	v5 =	vld [tilespmem:s21+$0x1E0];
	[tilespmem:s21+$0x1A0] =	vst v13;
	v6 =	vmul.f32 v6, v2;
	v13 =	vperm.xlane v4, v14  }
0x289: {  	v10 =	vld [tilespmem:s28+$0xFFFFFE30];
	[tilespmem:s21+$0x190] =	vst v11;
	v8 =	vmul.f32 v8, v1  }
0x28a: {  	v11 =	vld [tilespmem:s28+$0xFFFFFE40];
	[tilespmem:s21+$0x1C0] =	vst v6;
	v6 =	vmul.f32 v9, v13  }
0x28b: {  	v14 =	vld [tilespmem:s28+$0xFFFFFE50];
	v7 =	vmul.f32 v7, v13;
	[tilespmem:s28+$0x1F0] =	vst v8  }
0x28c: {  	v9 =	vld [tilespmem:s28+$0xFFFFFE70];
	v12 =	vmul.f32 v12, v13;
	[tilespmem:s28+$0xFFFFFE00] =	vst v6  }
0x28d: {  	s4 =	ssub.s32 $0x8, s30;
	v15 =	vmul.f32 v15, v13;
	v8 =	vld [tilespmem:s28+$0xFFFFFE80];
	[tilespmem:s28+$0xFFFFFE10] =	vst v7  }
0x28e: {  	s16 =	sadd.s32 $0x1, s4;
	v10 =	vmul.f32 v10, v13;
	v6 =	vld [tilespmem:s28+$0xFFFFFE90];
	[tilespmem:s28+$0xFFFFFE20] =	vst v12  }
0x28f: {  	v60 =	vmov s16;
	v11 =	vmul.f32 v11, v13;
	v7 =	vld [tilespmem:s28+$0xFFFFFEA0];
	[tilespmem:s28+$0xFFFFFE60] =	vst v15  }
0x290: {  	v16 =	vperm.xlane v4, v60;
	v12 =	vld [tilespmem:s28+$0xFFFFFEB0];
	v14 =	vmul.f32 v14, v13;
	[tilespmem:s28+$0xFFFFFE30] =	vst v10  }
0x291: {  	v10 =	vld [tilespmem:s28+$0xFFFFFEC0];
	[tilespmem:s28+$0xFFFFFE40] =	vst v11;
	v9 =	vmul.f32 v9, v13  }
0x292: {  	v11 =	vld [tilespmem:s28+$0xFFFFFED0];
	[tilespmem:s28+$0xFFFFFE50] =	vst v14;
	v8 =	vmul.f32 v8, v16  }
0x293: {  	v13 =	vld [tilespmem:s28+$0xFFFFFEE0];
	v6 =	vmul.f32 v6, v16;
	[tilespmem:s28+$0xFFFFFE70] =	vst v9  }
0x294: {  	v14 =	vld [tilespmem:s28+$0xFFFFFEF0];
	v7 =	vmul.f32 v7, v16;
	[tilespmem:s28+$0xFFFFFE80] =	vst v8  }
0x295: {  	v9 =	vld [tilespmem:s28+$0xFFFFFF00];
	v12 =	vmul.f32 v12, v16;
	[tilespmem:s28+$0xFFFFFE90] =	vst v6  }
0x296: {  	s29 =	sadd.s32 $0x2, s4;
	v10 =	vmul.f32 v10, v16;
	v8 =	vld [tilespmem:s28+$0xFFFFFF10];
	[tilespmem:s28+$0xFFFFFEA0] =	vst v7  }
0x297: {  	v15 =	vmov s29;
	v11 =	vmul.f32 v11, v16;
	v6 =	vld [tilespmem:s28+$0xFFFFFF20];
	[tilespmem:s28+$0xFFFFFEB0] =	vst v12  }
0x298: {  	v15 =	vperm.xlane v4, v15;
	v7 =	vld [tilespmem:s28+$0xFFFFFF30];
	v13 =	vmul.f32 v13, v16;
	[tilespmem:s28+$0xFFFFFEC0] =	vst v10  }
0x299: {  	v12 =	vld [tilespmem:s28+$0xFFFFFF40];
	v14 =	vmul.f32 v14, v16;
	[tilespmem:s28+$0xFFFFFED0] =	vst v11  }
0x29a: {  	v10 =	vld [tilespmem:s28+$0xFFFFFF50];
	v9 =	vmul.f32 v9, v15;
	[tilespmem:s28+$0xFFFFFEE0] =	vst v13  }
0x29b: {  	v11 =	vld [tilespmem:s28+$0xFFFFFF60];
	[tilespmem:s28+$0xFFFFFEF0] =	vst v14;
	v8 =	vmul.f32 v8, v15  }
0x29c: {  	v13 =	vld [tilespmem:s28+$0xFFFFFF70];
	v6 =	vmul.f32 v6, v15;
	[tilespmem:s28+$0xFFFFFF00] =	vst v9  }
0x29d: {  	v14 =	vld [tilespmem:s28+$0xFFFFFF80];
	v7 =	vmul.f32 v7, v15;
	[tilespmem:s28+$0xFFFFFF10] =	vst v8  }
0x29e: {  	s30 =	sadd.s32 $0xB, s31;
	v9 =	vld [tilespmem:s28+$0xFFFFFF90];
	v12 =	vmul.f32 v12, v15;
	[tilespmem:s28+$0xFFFFFF20] =	vst v6  }
0x29f: {  	v61 =	vmov s30;
	v10 =	vmul.f32 v10, v15;
	v8 =	vld [tilespmem:s28+$0xFFFFFFA0];
	[tilespmem:s28+$0xFFFFFF30] =	vst v7  }
0x2a0: {  	v16 =	vperm.xlane v4, v61;
	v11 =	vmul.f32 v11, v15;
	v6 =	vld [tilespmem:s28+$0xFFFFFFB0];
	[tilespmem:s28+$0xFFFFFF40] =	vst v12  }
0x2a1: {  	v7 =	vld [tilespmem:s28+$0xFFFFFFC0];
	v13 =	vmul.f32 v13, v15;
	[tilespmem:s28+$0xFFFFFF50] =	vst v10  }
0x2a2: {  	v12 =	vld [tilespmem:s28+$0xFFFFFFD0];
	v14 =	vmul.f32 v14, v16;
	[tilespmem:s28+$0xFFFFFF60] =	vst v11  }
0x2a3: {  	v10 =	vld [tilespmem:s28+$0xFFFFFFE0];
	v9 =	vmul.f32 v9, v16;
	[tilespmem:s28+$0xFFFFFF70] =	vst v13  }
0x2a4: {  	v11 =	vld [tilespmem:s28+$0xFFFFFFF0];
	[tilespmem:s28+$0xFFFFFF80] =	vst v14;
	v8 =	vmul.f32 v8, v16  }
0x2a5: {  	v13 =	vld [tilespmem:s28+$0x0];
	v6 =	vmul.f32 v6, v16;
	[tilespmem:s28+$0xFFFFFF90] =	vst v9  }
0x2a6: {  	s8 =	sadd.s32 $0xC, s31;
	v14 =	vld [tilespmem:s28+$0x10];
	v7 =	vmul.f32 v7, v16;
	[tilespmem:s28+$0xFFFFFFA0] =	vst v8  }
0x2a7: {  	v15 =	vmov s8;
	v9 =	vld [tilespmem:s28+$0x20];
	v12 =	vmul.f32 v12, v16;
	[tilespmem:s28+$0xFFFFFFB0] =	vst v6  }
0x2a8: {  	v15 =	vperm.xlane v4, v15;
	v10 =	vmul.f32 v10, v16;
	v8 =	vld [tilespmem:s28+$0x30];
	[tilespmem:s28+$0xFFFFFFC0] =	vst v7  }
0x2a9: {  	v11 =	vmul.f32 v11, v16;
	v6 =	vld [tilespmem:s28+$0x40];
	[tilespmem:s28+$0xFFFFFFD0] =	vst v12  }
0x2aa: {  	v7 =	vld [tilespmem:s28+$0x50];
	v13 =	vmul.f32 v13, v15;
	[tilespmem:s28+$0xFFFFFFE0] =	vst v10  }
0x2ab: {  	v12 =	vld [tilespmem:s28+$0x60];
	v14 =	vmul.f32 v14, v15;
	[tilespmem:s28+$0xFFFFFFF0] =	vst v11  }
0x2ac: {  	v10 =	vld [tilespmem:s28+$0x70];
	v9 =	vmul.f32 v9, v15;
	[tilespmem:s28+$0x0] =	vst v13  }
0x2ad: {  	v11 =	vld [tilespmem:s28+$0x80];
	[tilespmem:s28+$0x10] =	vst v14;
	v8 =	vmul.f32 v8, v15  }
0x2ae: {  	s31 =	sadd.s32 $0x5, s4;
	v13 =	vld [tilespmem:s28+$0x90];
	v6 =	vmul.f32 v6, v15;
	[tilespmem:s28+$0x20] =	vst v9  }
0x2af: {  	v62 =	vmov s31;
	v14 =	vld [tilespmem:s28+$0xA0];
	v7 =	vmul.f32 v7, v15;
	[tilespmem:s28+$0x30] =	vst v8  }
0x2b0: {  	v16 =	vperm.xlane v4, v62;
	v9 =	vld [tilespmem:s28+$0xB0];
	v12 =	vmul.f32 v12, v15;
	[tilespmem:s28+$0x40] =	vst v6  }
0x2b1: {  	v10 =	vmul.f32 v10, v15;
	v8 =	vld [tilespmem:s28+$0xC0];
	[tilespmem:s28+$0x50] =	vst v7  }
0x2b2: {  	v11 =	vmul.f32 v11, v16;
	v6 =	vld [tilespmem:s28+$0xD0];
	[tilespmem:s28+$0x60] =	vst v12  }
0x2b3: {  	v7 =	vld [tilespmem:s28+$0xE0];
	v13 =	vmul.f32 v13, v16;
	[tilespmem:s28+$0x70] =	vst v10  }
0x2b4: {  	v12 =	vld [tilespmem:s28+$0xF0];
	v14 =	vmul.f32 v14, v16;
	[tilespmem:s28+$0x80] =	vst v11  }
0x2b5: {  	v10 =	vld [tilespmem:s28+$0x100];
	v9 =	vmul.f32 v9, v16;
	[tilespmem:s28+$0x90] =	vst v13  }
0x2b6: {  	s4 =	sadd.s32 $0x6, s4;
	v11 =	vld [tilespmem:s28+$0x110];
	[tilespmem:s28+$0xA0] =	vst v14;
	v8 =	vmul.f32 v8, v16  }
0x2b7: {  	v15 =	vmov s4;
	v13 =	vld [tilespmem:s28+$0x120];
	v6 =	vmul.f32 v6, v16;
	[tilespmem:s28+$0xB0] =	vst v9  }
0x2b8: {  	v4 =	vperm.xlane v4, v15;
	v14 =	vld [tilespmem:s28+$0x130];
	v7 =	vmul.f32 v7, v16;
	[tilespmem:s28+$0xC0] =	vst v8  }
0x2b9: {  	v15 =	vld [tilespmem:s28+$0x150];
	v8 =	vmul.f32 v12, v16;
	[tilespmem:s28+$0xD0] =	vst v6  }
0x2ba: {  	v9 =	vld [tilespmem:s28+$0x170];
	v6 =	vmul.f32 v10, v4;
	[tilespmem:s28+$0xE0] =	vst v7  }
0x2bb: {  	v3 =	vmul.f32 v3, v2;
	v7 =	vmul.f32 v11, v4;
	[tilespmem:s28+$0xF0] =	vst v8;
	v8 =	vld [tilespmem:s28+$0x180]  }
0x2bc: {  	v2 =	vmul.f32 v5, v2;
	v5 =	vmul.f32 v13, v4;
	[tilespmem:s28+$0x100] =	vst v6;
	v6 =	vld [tilespmem:s28+$0x190]  }
0x2bd: {  	v12 =	vmul.f32 v17, v4;
	v13 =	vmul.f32 v14, v4;
	[tilespmem:s28+$0x110] =	vst v7;
	v7 =	vld [tilespmem:s28+$0x1A0]  }
0x2be: {  	s4 =	simm.s32 $0x4900;
	v11 =	vmul.f32 v15, v4;
	v10 =	vmul.f32 v63, v4;
	[tilespmem:s28+$0x120] =	vst v5;
	v5 =	vld [tilespmem:s28+$0x1B0]  }
.LBB2_13:
0x2bf: {  	[tilespmem:s28+$0x130] =	vst v13;
	v4 =	vmul.f32 v9, v4;
	v9 =	vld [tilespmem:s28+$0x1C0];
	s8 =	smov.u32 s26;
	s26 =	sadd.s32 $0x8, s26;
	s0 =	sadd.s32 $0x8, s0  }
0x2c0: {  	s9 =	sand.u32 $0x70, s26;
	s10 =	sand.u32 $0x8, s26;
	p1 =	slt.u32 s26, $0x78;
	[tilespmem:s28+$0x140] =	vst v12;
	v8 =	vmul.f32 v8, v1;
	v12 =	vld [tilespmem:s28+$0x1D0]  }
0x2c1: {  	v13 =	vld [tilespmem:s9+$0x280];
	v14 =	vmov s10;
	[tilespmem:s28+$0x150] =	vst v11;
	v6 =	vmul.f32 v6, v1;
	s9 =	sand.u32 $0xFFFFFFF0, s0  }
0x2c2: {  	s28 =	sadd.s32 $0x400, s28;
	[tilespmem:s4+$0x160] =	vst v10;
	v7 =	vmul.f32 v7, v1;
	v10 =	vld [tilespmem:s4+$0x1E0];
	s10 =	ssub.s32 s26, s9  }
0x2c3: {  	s8 =	ssub.s32 s8, s9;
	v11 =	vld [tilespmem:s28+$0x1F0];
	[tilespmem:s4+$0x170] =	vst v4;
	v4 =	vmul.f32 v5, v1;
	s9 =	sadd.s32 $0x1, s10  }
0x2c4: {  	s13 =	sadd.s32 $0x2, s10;
	s16 =	sadd.s32 $0xF, s8;
	v15 =	vld [tilespmem:s28+$0xFFFFFE00];
	[tilespmem:s4+$0x180] =	vst v8;
	v5 =	vmul.f32 v9, v1;
	v9 =	vmov s9  }
0x2c5: {  	v16 =	vmov s13;
	s9 =	sadd.s32 $0xB, s8;
	s8 =	sadd.s32 $0xC, s8;
	s13 =	sadd.s32 $0x5, s10;
	v17 =	vmov s16;
	v8 =	vld [tilespmem:s28+$0xFFFFFE10];
	[tilespmem:s4+$0x190] =	vst v6  }
0x2c6: {  	v6 =	vmov s9;
	v19 =	vmov s8;
	s8 =	sadd.s32 $0x6, s10;
	v18 =	vld [tilespmem:s28+$0xFFFFFE20];
	v17 =	vperm.xlane v13, v17;
	[tilespmem:s4+$0x1A0] =	vst v7  }
0x2c7: {  	v21 =	vmov s13;
	v14 =	vperm.xlane v13, v14;
	v22 =	vmov s8;
	v20 =	vld [tilespmem:s28+$0xFFFFFE30];
	[tilespmem:s4+$0x1B0] =	vst v4  }
0x2c8: {  	v9 =	vperm.xlane v13, v9;
	v23 =	vld [tilespmem:s28+$0xFFFFFE40];
	v4 =	vmul.f32 v11, v17;
	[tilespmem:s4+$0x1C0] =	vst v5  }
0x2c9: {  	v16 =	vperm.xlane v13, v16;
	v7 =	vperm.xlane v13, v6;
	v11 =	vld [tilespmem:s28+$0xFFFFFE50];
	[tilespmem:s21+$0x1D0] =	vst v3  }
0x2ca: {  	v6 =	vperm.xlane v13, v19;
	v5 =	vperm.xlane v13, v21;
	v24 =	vld [tilespmem:s28+$0xFFFFFE60];
	[tilespmem:s28+$0x1F0] =	vst v4  }
0x2cb: {  	v3 =	vmul.f32 v15, v14;
	v4 =	vperm.xlane v13, v22;
	v15 =	vld [tilespmem:s28+$0xFFFFFE70];
	[tilespmem:s21+$0x1E0] =	vst v2;
	s21 =	smov.u32 s4;
	s4 =	smov.u32 s28  }
0x2cc: {  	v2 =	vmul.f32 v8, v14;
	v8 =	vmul.f32 v18, v14;
	v13 =	vld [tilespmem:s28+$0xFFFFFE80]  }
0x2cd: {  	v18 =	vmul.f32 v20, v14;
	[tilespmem:s28+$0xFFFFFE00] =	vst v3;
	v19 =	vmul.f32 v23, v14;
	v20 =	vld [tilespmem:s28+$0xFFFFFE90]  }
0x2ce: {  	v3 =	vmul.f32 v12, v1;
	[tilespmem:s28+$0xFFFFFE10] =	vst v2;
	v11 =	vmul.f32 v11, v14;
	v21 =	vld [tilespmem:s28+$0xFFFFFEA0]  }
0x2cf: {  	v2 =	vmul.f32 v10, v1;
	v1 =	vmov v17;
	[tilespmem:s28+$0xFFFFFE20] =	vst v8;
	v8 =	vmul.f32 v24, v14;
	v12 =	vld [tilespmem:s28+$0xFFFFFEB0]  }
0x2d0: {  	[tilespmem:s28+$0xFFFFFE30] =	vst v18;
	v10 =	vmul.f32 v15, v14;
	v14 =	vld [tilespmem:s28+$0xFFFFFEC0]  }
0x2d1: {  	[tilespmem:s28+$0xFFFFFE40] =	vst v19;
	v13 =	vmul.f32 v13, v9;
	v15 =	vld [tilespmem:s28+$0xFFFFFED0]  }
0x2d2: {  	[tilespmem:s28+$0xFFFFFE50] =	vst v11;
	v11 =	vmul.f32 v20, v9;
	v17 =	vld [tilespmem:s28+$0xFFFFFEE0]  }
0x2d3: {  	[tilespmem:s28+$0xFFFFFE60] =	vst v8;
	v8 =	vmul.f32 v21, v9;
	v18 =	vld [tilespmem:s28+$0xFFFFFEF0]  }
0x2d4: {  	[tilespmem:s28+$0xFFFFFE70] =	vst v10;
	v10 =	vmul.f32 v12, v9;
	v12 =	vld [tilespmem:s28+$0xFFFFFF00]  }
0x2d5: {  	[tilespmem:s28+$0xFFFFFE80] =	vst v13;
	v13 =	vmul.f32 v14, v9;
	v14 =	vld [tilespmem:s28+$0xFFFFFF10]  }
0x2d6: {  	[tilespmem:s28+$0xFFFFFE90] =	vst v11;
	v11 =	vmul.f32 v15, v9;
	v15 =	vld [tilespmem:s28+$0xFFFFFF20]  }
0x2d7: {  	[tilespmem:s28+$0xFFFFFEA0] =	vst v8;
	v8 =	vmul.f32 v17, v9;
	v17 =	vld [tilespmem:s28+$0xFFFFFF30]  }
0x2d8: {  	[tilespmem:s28+$0xFFFFFEB0] =	vst v10;
	v9 =	vmul.f32 v18, v9;
	v10 =	vld [tilespmem:s28+$0xFFFFFF40]  }
0x2d9: {  	[tilespmem:s28+$0xFFFFFEC0] =	vst v13;
	v12 =	vmul.f32 v12, v16;
	v13 =	vld [tilespmem:s28+$0xFFFFFF50]  }
0x2da: {  	[tilespmem:s28+$0xFFFFFED0] =	vst v11;
	v11 =	vmul.f32 v14, v16;
	v14 =	vld [tilespmem:s28+$0xFFFFFF60]  }
0x2db: {  	[tilespmem:s28+$0xFFFFFEE0] =	vst v8;
	v8 =	vmul.f32 v15, v16;
	v15 =	vld [tilespmem:s28+$0xFFFFFF70]  }
0x2dc: {  	[tilespmem:s28+$0xFFFFFEF0] =	vst v9;
	v9 =	vmul.f32 v17, v16;
	v17 =	vld [tilespmem:s28+$0xFFFFFF80]  }
0x2dd: {  	[tilespmem:s28+$0xFFFFFF00] =	vst v12;
	v10 =	vmul.f32 v10, v16;
	v12 =	vld [tilespmem:s28+$0xFFFFFF90]  }
0x2de: {  	[tilespmem:s28+$0xFFFFFF10] =	vst v11;
	v11 =	vmul.f32 v13, v16;
	v13 =	vld [tilespmem:s28+$0xFFFFFFA0]  }
0x2df: {  	[tilespmem:s28+$0xFFFFFF20] =	vst v8;
	v8 =	vmul.f32 v14, v16;
	v14 =	vld [tilespmem:s28+$0xFFFFFFB0]  }
0x2e0: {  	[tilespmem:s28+$0xFFFFFF30] =	vst v9;
	v9 =	vmul.f32 v15, v16;
	v15 =	vld [tilespmem:s28+$0xFFFFFFC0]  }
0x2e1: {  	[tilespmem:s28+$0xFFFFFF40] =	vst v10;
	v10 =	vmul.f32 v17, v7;
	v16 =	vld [tilespmem:s28+$0xFFFFFFD0]  }
0x2e2: {  	[tilespmem:s28+$0xFFFFFF50] =	vst v11;
	v11 =	vmul.f32 v12, v7;
	v12 =	vld [tilespmem:s28+$0xFFFFFFE0]  }
0x2e3: {  	[tilespmem:s28+$0xFFFFFF60] =	vst v8;
	v8 =	vmul.f32 v13, v7;
	v13 =	vld [tilespmem:s28+$0xFFFFFFF0]  }
0x2e4: {  	[tilespmem:s28+$0xFFFFFF70] =	vst v9;
	v9 =	vmul.f32 v14, v7;
	v14 =	vld [tilespmem:s28+$0x0]  }
0x2e5: {  	[tilespmem:s28+$0xFFFFFF80] =	vst v10;
	v10 =	vmul.f32 v15, v7;
	v15 =	vld [tilespmem:s28+$0x10]  }
0x2e6: {  	[tilespmem:s28+$0xFFFFFF90] =	vst v11;
	v11 =	vmul.f32 v16, v7;
	v16 =	vld [tilespmem:s28+$0x20]  }
0x2e7: {  	[tilespmem:s28+$0xFFFFFFA0] =	vst v8;
	v8 =	vmul.f32 v12, v7;
	v12 =	vld [tilespmem:s28+$0x30]  }
0x2e8: {  	[tilespmem:s28+$0xFFFFFFB0] =	vst v9;
	v7 =	vmul.f32 v13, v7;
	v9 =	vld [tilespmem:s28+$0x40]  }
0x2e9: {  	[tilespmem:s28+$0xFFFFFFC0] =	vst v10;
	v10 =	vmul.f32 v14, v6;
	v13 =	vld [tilespmem:s28+$0x50]  }
0x2ea: {  	[tilespmem:s28+$0xFFFFFFD0] =	vst v11;
	v11 =	vmul.f32 v15, v6;
	v14 =	vld [tilespmem:s28+$0x60]  }
0x2eb: {  	[tilespmem:s28+$0xFFFFFFE0] =	vst v8;
	v8 =	vmul.f32 v16, v6;
	v15 =	vld [tilespmem:s28+$0x70]  }
0x2ec: {  	[tilespmem:s28+$0xFFFFFFF0] =	vst v7;
	v7 =	vmul.f32 v12, v6;
	v12 =	vld [tilespmem:s28+$0x80]  }
0x2ed: {  	[tilespmem:s28+$0x0] =	vst v10;
	v9 =	vmul.f32 v9, v6;
	v10 =	vld [tilespmem:s28+$0x90]  }
0x2ee: {  	[tilespmem:s28+$0x10] =	vst v11;
	v11 =	vmul.f32 v13, v6;
	v13 =	vld [tilespmem:s28+$0xA0]  }
0x2ef: {  	[tilespmem:s28+$0x20] =	vst v8;
	v8 =	vmul.f32 v14, v6;
	v14 =	vld [tilespmem:s28+$0xB0]  }
0x2f0: {  	[tilespmem:s28+$0x30] =	vst v7;
	v6 =	vmul.f32 v15, v6;
	v7 =	vld [tilespmem:s28+$0xC0]  }
0x2f1: {  	[tilespmem:s28+$0x40] =	vst v9;
	v9 =	vmul.f32 v12, v5;
	v12 =	vld [tilespmem:s28+$0xD0]  }
0x2f2: {  	[tilespmem:s28+$0x50] =	vst v11;
	v10 =	vmul.f32 v10, v5;
	v11 =	vld [tilespmem:s28+$0xE0]  }
0x2f3: {  	[tilespmem:s28+$0x60] =	vst v8;
	v8 =	vmul.f32 v13, v5;
	v13 =	vld [tilespmem:s28+$0xF0]  }
0x2f4: {  	[tilespmem:s28+$0x70] =	vst v6;
	v6 =	vmul.f32 v14, v5;
	v14 =	vld [tilespmem:s28+$0x100]  }
0x2f5: {  	[tilespmem:s28+$0x80] =	vst v9;
	v7 =	vmul.f32 v7, v5;
	v9 =	vld [tilespmem:s28+$0x110]  }
0x2f6: {  	[tilespmem:s28+$0x90] =	vst v10;
	v10 =	vmul.f32 v12, v5;
	v12 =	vld [tilespmem:s28+$0x120]  }
0x2f7: {  	[tilespmem:s28+$0xA0] =	vst v8;
	v8 =	vmul.f32 v11, v5;
	v11 =	vld [tilespmem:s28+$0x130]  }
0x2f8: {  	[tilespmem:s28+$0xB0] =	vst v6;
	v5 =	vmul.f32 v13, v5;
	v6 =	vld [tilespmem:s28+$0x140]  }
0x2f9: {  	[tilespmem:s28+$0xC0] =	vst v7;
	v7 =	vmul.f32 v14, v4;
	v14 =	vld [tilespmem:s28+$0x150]  }
0x2fa: {  	[tilespmem:s28+$0xD0] =	vst v10;
	v10 =	vmul.f32 v9, v4;
	v15 =	vld [tilespmem:s28+$0x160]  }
.Ltmp7:
0x2fb: {  	[tilespmem:s28+$0xE0] =	vst v8;
	v16 =	vmul.f32 v12, v4;
	v9 =	vld [tilespmem:s28+$0x170];
	(pc) =	sbr.rel @p1 .LBB2_13-.Ltmp7, $4  }
0x2fc: {  	[tilespmem:s28+$0xF0] =	vst v5;
	v13 =	vmul.f32 v11, v4;
	v8 =	vld [tilespmem:s28+$0x180]  }
0x2fd: {  	[tilespmem:s28+$0x100] =	vst v7;
	v12 =	vmul.f32 v6, v4;
	v6 =	vld [tilespmem:s28+$0x190]  }
0x2fe: {  	[tilespmem:s28+$0x110] =	vst v10;
	v11 =	vmul.f32 v14, v4;
	v7 =	vld [tilespmem:s28+$0x1A0]  }
0x2ff: {  	[tilespmem:s28+$0x120] =	vst v16;
	v10 =	vmul.f32 v15, v4;
	v5 =	vld [tilespmem:s28+$0x1B0]  }
0x300: {  	[tilespmem:s28+$0x130] =	vst v13  }
0x301: {  	[tilespmem:s28+$0x140] =	vst v12  }
0x302: {  	[tilespmem:s28+$0x150] =	vst v11  }
0x303: {  	[tilespmem:s21+$0x1D0] =	vst v3  }
0x304: {  	v4 =	vmul.f32 v9, v4;
	v59 =	vld [tilespmem:s28+$0x1C0];
	[tilespmem:s21+$0x1E0] =	vst v2  }
0x305: {  	v60 =	vld [tilespmem:s28+$0x1D0];
	v8 =	vmul.f32 v8, v1;
	[tilespmem:s4+$0x160] =	vst v10  }
0x306: {  	v61 =	vld [tilespmem:s4+$0x1E0];
	v6 =	vmul.f32 v6, v1;
	[tilespmem:s4+$0x170] =	vst v4  }
0x307: {  	v62 =	vmul.f32 v7, v1;
	[tilespmem:s4+$0x180] =	vst v8  }
0x308: {  	v5 =	vmul.f32 v5, v1;
	[tilespmem:s4+$0x190] =	vst v6  }
0x309: {  	v63 =	vmul.f32 v59, v1;
	[tilespmem:s4+$0x1A0] =	vst v62  }
0x30a: {  	v3 =	vmul.f32 v60, v1;
	[tilespmem:s4+$0x1B0] =	vst v5  }
0x30b: {  	v1 =	vmul.f32 v61, v1;
	[tilespmem:s4+$0x1C0] =	vst v63  }
0x30c: {  	[tilespmem:s4+$0x1D0] =	vst v3  }
0x30d: {  	[tilespmem:s4+$0x1E0] =	vst v1  }
0x30e: {  	v1 =	vld [tilespmem:$0x180];
	_ =	sdelay $0x7  }
0x30f: {  	[spmem:s2] =	stream.indirect_vreg.scatter.add.f32 [tilespmem:s24], [sflag:$0x4], $0x80, v1, vm0, $0xb8;
	[tilespmem:$0x1BB80] =	vst v63  }
0x310: {  	v1 =	vld [tilespmem:$0x190];
	_ =	sdelay $0x6  }
0x311: {  	s0 =	simm.s32 $0x4B00  }
0x312: {  	[spmem:s2] =	stream.indirect_vreg.scatter.add.f32 [tilespmem:s0], [sflag:$0x4], $0x80, v1, vm0, $0xb8;
	[tilespmem:$0x1BB80] =	vst v63  }
0x313: {  	v1 =	vld [tilespmem:$0x1A0];
	_ =	sdelay $0x6  }
0x314: {  	s16 =	simm.s32 $0x5300  }
0x315: {  	[spmem:s2] =	stream.indirect_vreg.scatter.add.f32 [tilespmem:s16], [sflag:$0x4], $0x80, v1, vm0, $0xb8;
	[tilespmem:$0x1BB80] =	vst v63  }
0x316: {  	v1 =	vld [tilespmem:$0x1B0];
	_ =	sdelay $0x6  }
0x317: {  	s21 =	simm.s32 $0x5B00  }
0x318: {  	[spmem:s2] =	stream.indirect_vreg.scatter.add.f32 [tilespmem:s21], [sflag:$0x4], $0x80, v1, vm0, $0xb8;
	[tilespmem:$0x1BB80] =	vst v63  }
0x319: {  	v1 =	vld [tilespmem:$0x1C0];
	_ =	sdelay $0x6  }
0x31a: {  	s26 =	simm.s32 $0x6300  }
0x31b: {  	[spmem:s2] =	stream.indirect_vreg.scatter.add.f32 [tilespmem:s26], [sflag:$0x4], $0x80, v1, vm0, $0xb8;
	[tilespmem:$0x1BB80] =	vst v63  }
0x31c: {  	v1 =	vld [tilespmem:$0x1D0];
	_ =	sdelay $0x6  }
0x31d: {  	s28 =	simm.s32 $0x6B00  }
0x31e: {  	[spmem:s2] =	stream.indirect_vreg.scatter.add.f32 [tilespmem:s28], [sflag:$0x4], $0x80, v1, vm0, $0xb8;
	[tilespmem:$0x1BB80] =	vst v63  }
0x31f: {  	v1 =	vld [tilespmem:$0x1E0];
	_ =	sdelay $0x7  }
0x320: {  	[spmem:s2] =	stream.indirect_vreg.scatter.add.f32 [tilespmem:s14], [sflag:$0x4], $0x80, v1, vm0, $0xb8;
	[tilespmem:$0x1BB80] =	vst v63  }
0x321: {  	v1 =	vld [tilespmem:$0x1F0];
	_ =	sdelay $0x7  }
0x322: {  	[spmem:s2] =	stream.indirect_vreg.scatter.add.f32 [tilespmem:s15], [sflag:$0x4], $0x80, v1, vm0, $0xb8;
	[tilespmem:$0x1BB80] =	vst v63  }
0x323: {  	_ =	swait.ge [sflag:s19], $0x4000  }
0x324: {  	[sflag:s19] =	ssyncset.done $0x0  }
0x325: {  	s29 =	simm.s32 $0x4;
	[sflag:s19] =	ssyncadd.s32 $0xFFFFC000  }
0x326: {  	_ =	swait.ge [sflag:s29], $0x4000  }
0x327: {  	[sflag:s29] =	ssyncset.done $0x0  }
0x328: {  	[sflag:s29] =	ssyncadd.s32 $0xFFFFC000  }
0x329: {  	s30 =	stileid.u32;
	[bflag:$0x0] =	sbarrier.arrive $0xFFFF  }
.Ltmp8:
0x32a: {  	s0 =	sshll.u32 s30, $0x6;
	s13 =	rddreg [dreg:$0xa];
	(pc) =	sbr.rel @!p0 .LBB2_16-.Ltmp8, $4  }
0x32b: {  	s0 =	sor.u32 $0x1C06, s0;
	s8 =	rddreg [dreg:$0xb];
	s31 =	sshrl.u32 s13, $0x3  }
0x32c: {  	[hbm:s8], [sflag:s0] =	dma.local [spmem:s31], $0x500  }
0x32d: {  	s21 =	smov.u32 s13;
	s10 =	rddreg [dreg:$0x9]  }
0x32e: {  	s8 =	sadd.s32 $0x5000, s8;
	_ =	swait.ge [sflag:s18], $0x500;
	s4 =	sadd.s32 $0xFFFFFFFF, s10  }
.LBB2_15:
0x32f: {  	[sflag:s18] =	ssyncset.done $0x0;
	s21 =	sadd.s32 $0x28000, s21;
	p0 =	sne.s32 s4, $0x1  }
.Ltmp9:
0x330: {  	s9 =	sshrl.u32 s21, $0x3;
	[sflag:s18] =	ssyncadd.s32 $0xFFFFFB00;
	(pc) =	sbr.rel @p0 .LBB2_15-.Ltmp9, $3  }
0x331: {  	[hbm:s8], [sflag:s0] =	dma.local [spmem:s9], $0x500  }
0x332: {  	s4 =	sadd.s32 $0xFFFFFFFF, s4;
	_ =	sdelay $0x1  }
0x333: {  	s8 =	sadd.s32 $0x5000, s8;
	_ =	swait.ge [sflag:s18], $0x500  }
.LBB2_16:
0x334: {  	s4 =	rddreg [dreg:$0xc]  }
0x335: {  	s0 =	rddreg [dreg:$0x8];
	s4 =	sadd.s32 $0x1, s4  }
0x336: {  	p0 =	sne.s32 s4, s0  }
.Ltmp10:
0x337: {  	_ = 	snop;
	(pc) =	sbr.rel @p0 .LBB2_1-.Ltmp10, $3  }
0x338: {  	_ =	sdelay $0x1  }
0x339: {  	[sflag:s18] =	ssyncset.done $0x0  }
0x33a: {  	[sflag:s18] =	ssyncadd.s32 $0xFFFFFB00  }
0x33b: {  	_ =	sfence.sel $0x180000  }
0x33c: {  	[bflag:$0x0] =	sbarrier.arrive $0xFFFF  }
0x33d: {  	_ =	strace $0x90000047  }
0x33e: {  	s0 =	stileid.u32;
	[bflag:$0x2] =	sbarrier.arrive $0xFFFF  }
0x33f: {  	p0 =	sne.s32 s0, $0x0;
	s0 =	rddreg [dreg:$0x3]  }
0x340: {  	s0 =	sadd.s32 @!p0 $0x100000, s0  }
0x341: {  	[sflag:s0] =	ssyncadd.tile.s32 @!p0 $0x1;
	_ =	shalt  }
.Lfunc_end2:
_tile_overlayer_lowered:
.L_overlay_start_2:
0x342: {  	(tag) =	ssettag $0x2  }
0x343: {  	s0 =	rddreg [dreg:$0x0];
	s2 =	stileid.u32  }
0x344: {  	s1 =	rddreg [dreg:$0x1];
	p0 =	sne.s32 s2, $0x0  }
0x345: {  	s3 =	rddreg [dreg:$0x2];
	[bflag:$0x3] =	sbarrier.arrive $0xFFFF;
	s2 =	simm.s32 @!p0 $0x1C06  }
0x346: {  	[timem:s3], [sflag:s2] =	dma.local @!p0 [hbm:s0], s1  }
0x347: {  	s0 =	simm.s32 @!p0 $0x6  }
0x348: {  	_ =	swait.ge @!p0 [sflag:s0], s1  }
0x349: {  	s1 =	ssub.s32 @!p0 $0x0, s1;
	[sflag:s0] =	ssyncset.done @!p0 $0x0  }
0x34a: {  	[sflag:s0] =	ssyncadd.s32 @!p0 s1  }
0x34b: {  	[bflag:$0x3] =	sbarrier.arrive $0xFFFF  }
0x34c: {  	_ =	shalt  }

</sc_bundles>
